<compile_context>
chip_gen: v7x
topology: tpu7x:2x2x1
jax: 0.10.2.dev20260603
libtpu: 0.0.44.dev20260713+nightly
codegen_flags: <defaults>
</compile_context>

<pallas_src>
import functools

import jax
import jax.numpy as jnp
from jax import lax
from jax.experimental import pallas as pl
from jax.experimental.pallas import tpu as pltpu
from jax.experimental.pallas import tpu_sc as plsc

B = 16384
EMB = 32
NC = 2
NS = 16
NW = NC * NS
BPW = B // NW
CH = 8
NPAIR = BPW // (2 * CH)

BLK = 2048
NB = B // BLK

_f32 = jnp.float32
_i32 = jnp.int32


_sc_mesh = plsc.VectorSubcoreMesh(core_axis_name="c", subcore_axis_name="s")


@functools.partial(
    pl.kernel,
    mesh=_sc_mesh,
    compiler_params=pltpu.CompilerParams(use_tc_tiling_on_sc=True,
                                         needs_layout_passes=False),
    out_type=[
        jax.ShapeDtypeStruct((EMB, B), _f32),
    ],
    scratch_types=[
        pltpu.VMEM((B,), _i32),
        pltpu.VMEM((2 * CH, EMB, 128), _f32),
        pltpu.VMEM((EMB, BPW), _f32),
        pltpu.SemaphoreType.DMA,
        pltpu.SemaphoreType.DMA,
    ],
)
def _sc_user_gather(uid_hbm, utabT_hbm, xuT_hbm, uidx_v, win_v, rowsT_v,
                    sem_a, sem_b):
    wid = lax.axis_index("s") * NC + lax.axis_index("c")
    base = wid * BPW
    pltpu.sync_copy(uid_hbm, uidx_v)

    iota0 = lax.iota(_i32, 16)
    iota1 = iota0 + 16

    def fire(ids16, lo, bufbase, sem):
        for j in range(CH):
            rid = ids16[lo + j]
            col = pl.multiple_of((rid // 128) * 128, 128)
            pltpu.async_copy(
                utabT_hbm.at[:, pl.ds(col, 128)],
                win_v.at[bufbase + j], sem)

    def drain(sem):
        for j in range(CH):
            pltpu.make_async_copy(
                utabT_hbm.at[:, pl.ds(0, 128)],
                win_v.at[j], sem).wait()

    def process(ids16, lo, kpair, bufbase):
        for j in range(CH):
            rid = ids16[lo + j]
            lane = lax.broadcast(lax.rem(rid, 128), (16,))
            spos = lax.broadcast(kpair * 2 * CH + lo + j, (16,))
            v0 = plsc.load_gather(win_v.at[bufbase + j], [iota0, lane])
            v1 = plsc.load_gather(win_v.at[bufbase + j], [iota1, lane])
            plsc.store_scatter(rowsT_v, [iota0, spos], v0)
            plsc.store_scatter(rowsT_v, [iota1, spos], v1)

    ids_first = uidx_v[pl.ds(base, 16)]
    fire(ids_first, 0, 0, sem_a)

    def pair(k, carry):
        ids16 = uidx_v[pl.ds(base + k * 2 * CH, 16)]
        fire(ids16, CH, CH, sem_b)
        drain(sem_a)
        process(ids16, 0, k, 0)

        @pl.when(k < NPAIR - 1)
        def _():
            ids_next = uidx_v[pl.ds(base + (k + 1) * 2 * CH, 16)]
            fire(ids_next, 0, 0, sem_a)

        drain(sem_b)
        process(ids16, CH, k, CH)
        return carry

    lax.fori_loop(0, NPAIR, pair, 0)
    pltpu.sync_copy(rowsT_v,
                    xuT_hbm.at[:, pl.ds(pl.multiple_of(base, 128), BPW)])


@functools.partial(
    pl.kernel,
    mesh=_sc_mesh,
    compiler_params=pltpu.CompilerParams(use_tc_tiling_on_sc=True,
                                         needs_layout_passes=False),
    out_type=[
        jax.ShapeDtypeStruct((B, 128), _f32),
    ],
    scratch_types=[
        pltpu.VMEM((B,), _i32),
        pltpu.VMEM((BPW,), _i32),
        pltpu.VMEM((BPW, 128), _f32),
        pltpu.SemaphoreType.DMA,
    ],
)
def _sc_movie_gather(mid_hbm, mtabp_hbm, xm_hbm, midx_v, mlist_v, mrows_v,
                     sem_m):
    wid = lax.axis_index("s") * NC + lax.axis_index("c")
    base = wid * BPW
    pltpu.sync_copy(mid_hbm, midx_v)
    for t in range(BPW // 16):
        mlist_v[pl.ds(16 * t, 16)] = midx_v[pl.ds(base + 16 * t, 16)]
    pltpu.async_copy(mtabp_hbm.at[mlist_v], mrows_v, sem_m).wait()
    pltpu.sync_copy(mrows_v,
                    xm_hbm.at[pl.ds(pl.multiple_of(base, 128), BPW)])


def _mlp_body(xuT_ref, xm_ref, ex_ref,
              wpack_ref,
              w1u_ref, wage_ref, wyear_ref,
              b1_ref, gamma_ref, beta_ref,
              w2_ref, b2_ref, w3_ref, b3_ref, w4_ref, b4_ref,
              out_ref, h_scr, acc_s, acc_q, c_scr):
    p = pl.program_id(0)
    i = pl.program_id(1)
    dot = functools.partial(jnp.dot, preferred_element_type=_f32,
                            precision=lax.Precision.HIGHEST)

    @pl.when(p == 0)
    def _phase0():
        ex = ex_ref[...]
        age_s = (ex[:, 0:1] - 30.0) * 0.05
        year_s = (ex[:, 1:2] - 2000.0) * 0.05
        gen_oh = (ex[:, 2:3].astype(_i32)
                  == lax.broadcasted_iota(_i32, (1, 8), 1)
                  ).astype(_f32)
        genre_oh = (ex[:, 3:4].astype(_i32)
                    == lax.broadcasted_iota(_i32, (1, 32), 1)
                    ).astype(_f32)
        packed = jnp.concatenate([xm_ref[:, 0:32], gen_oh, genre_oh],
                                 axis=1)
        h = (lax.dot_general(xuT_ref[...], w1u_ref[...],
                             (((0,), (0,)), ((), ())),
                             preferred_element_type=_f32,
                             precision=lax.Precision.HIGHEST)
             + dot(packed, wpack_ref[...])
             + age_s * wage_ref[...]
             + year_s * wyear_ref[...]
             + b1_ref[...])
        h_scr[pl.ds(i * BLK, BLK), :] = h

        @pl.when(i == 0)
        def _init():
            c_scr[...] = h[0:1, :]
            acc_s[...] = jnp.zeros_like(acc_s)
            acc_q[...] = jnp.zeros_like(acc_q)

        acc_s[...] += jnp.sum(h, axis=0, keepdims=True)
        d = h - c_scr[...]
        acc_q[...] += jnp.sum(d * d, axis=0, keepdims=True)

    @pl.when(p == 1)
    def _phase1():
        mu = acc_s[...] * (1.0 / B)
        mc = mu - c_scr[...]
        var = acc_q[...] * (1.0 / B) - mc * mc
        scale = lax.rsqrt(var + 1e-5) * gamma_ref[...]
        h = h_scr[pl.ds(i * BLK, BLK), :]
        h = jnp.maximum((h - mu) * scale + beta_ref[...], 0.0)
        h = jnp.maximum(dot(h, w2_ref[...]) + b2_ref[...], 0.0)
        h = jnp.maximum(dot(h, w3_ref[...]) + b3_ref[...], 0.0)
        logit = dot(h, w4_ref[...]) + b4_ref[...]
        out_ref[...] = jax.nn.sigmoid(logit) * 10.0


def _full(shape):
    return pl.BlockSpec(shape, lambda p, i: (0, 0))


_mlp_call = pl.pallas_call(
    _mlp_body,
    grid=(2, NB),
    in_specs=[
        pl.BlockSpec((EMB, BLK), lambda p, i: (0, i)),
        pl.BlockSpec((BLK, 128), lambda p, i: (i, 0)),
        pl.BlockSpec((BLK, 4), lambda p, i: (i, 0)),
        _full((72, 128)),
        _full((EMB, 128)),
        _full((1, 128)),
        _full((1, 128)),
        _full((1, 128)),
        _full((1, 128)),
        _full((1, 128)),
        _full((128, 64)),
        _full((1, 64)),
        _full((64, 32)),
        _full((1, 32)),
        _full((32, 1)),
        _full((1, 1)),
    ],
    out_specs=pl.BlockSpec((BLK, 1), lambda p, i: (i, 0)),
    out_shape=jax.ShapeDtypeStruct((B, 1), _f32),
    scratch_shapes=[
        pltpu.VMEM((B, 128), _f32),
        pltpu.VMEM((1, 128), _f32),
        pltpu.VMEM((1, 128), _f32),
        pltpu.VMEM((1, 128), _f32),
    ],
)


def kernel(u_id, m_id, u_age, u_gender, m_year, m_genre,
           user_emb, movie_emb, gender_emb, genre_emb,
           W1, b1, gamma, beta, W2, b2, W3, b3, W4, b4):
    (xuT,) = _sc_user_gather(u_id, user_emb.T)
    mtab_pad = jnp.pad(movie_emb, ((0, 0), (0, 96)))
    (xm,) = _sc_movie_gather(m_id, mtab_pad)

    extras = jnp.stack(
        [u_age, m_year, u_gender.astype(_f32), m_genre.astype(_f32)], axis=1)
    gemb8 = jnp.zeros((8, 8), _f32).at[0:3, :].set(gender_emb)
    wpack = jnp.concatenate(
        [W1[:, 32:64].T, gemb8 @ W1[:, 64:72].T, genre_emb @ W1[:, 72:88].T],
        axis=0)

    return _mlp_call(
        xuT, xm, extras,
        wpack,
        W1[:, 0:32].T,
        W1[:, 88].reshape(1, 128), W1[:, 89].reshape(1, 128),
        b1.reshape(1, 128), gamma.reshape(1, 128), beta.reshape(1, 128),
        W2.T, b2.reshape(1, 64), W3.T, b3.reshape(1, 32),
        W4.T, b4.reshape(1, 1),
    )

# --- scband reference (transcript-rebuilt; emitter-appended) ---
"""Pipeline reference for scband-hetero-recommender-51805895524987 (READ-ONLY COPY).

The authoritative reference and input builder live on the scoring server;
editing this copy changes nothing except your own understanding.
"""

import jax, jax.numpy as jnp
import numpy as np

NUM_USERS = 1000000
NUM_MOVIES = 100000
NUM_GENRES = 32
EMB_DIM = 32
B = 16384
TOTAL_DIM = EMB_DIM * 2 + 8 + 16 + 2  # 90


def setup_inputs(seed: int = 0) -> dict:
    key = jax.random.key(seed)
    ks = jax.random.split(key, 18)
    inp = {}
    inp["u_id"] = jax.random.randint(ks[0], (B,), 0, NUM_USERS, dtype=jnp.int32)
    inp["m_id"] = jax.random.randint(ks[1], (B,), 0, NUM_MOVIES, dtype=jnp.int32)
    inp["u_age"] = jax.random.uniform(ks[2], (B,), dtype=jnp.float32)
    inp["u_gender"] = jax.random.randint(ks[3], (B,), 0, 3, dtype=jnp.int32)
    inp["m_year"] = jax.random.uniform(ks[4], (B,), dtype=jnp.float32)
    inp["m_genre"] = jax.random.randint(ks[5], (B,), 0, NUM_GENRES, dtype=jnp.int32)
    # learned parameters
    inp["user_emb"] = jax.random.normal(ks[6], (NUM_USERS, EMB_DIM), dtype=jnp.float32) * 0.05
    inp["movie_emb"] = jax.random.normal(ks[7], (NUM_MOVIES, EMB_DIM), dtype=jnp.float32) * 0.05
    inp["gender_emb"] = jax.random.normal(ks[8], (3, 8), dtype=jnp.float32) * 0.05
    inp["genre_emb"] = jax.random.normal(ks[9], (NUM_GENRES, 16), dtype=jnp.float32) * 0.05
    inp["W1"] = jax.random.normal(ks[10], (128, TOTAL_DIM), dtype=jnp.float32) * (1.0 / np.sqrt(TOTAL_DIM))
    inp["b1"] = jnp.zeros((128,), dtype=jnp.float32)
    inp["gamma"] = jnp.ones((128,), dtype=jnp.float32)
    inp["beta"] = jnp.zeros((128,), dtype=jnp.float32)
    inp["W2"] = jax.random.normal(ks[11], (64, 128), dtype=jnp.float32) * (1.0 / np.sqrt(128))
    inp["b2"] = jnp.zeros((64,), dtype=jnp.float32)
    inp["W3"] = jax.random.normal(ks[12], (32, 64), dtype=jnp.float32) * (1.0 / np.sqrt(64))
    inp["b3"] = jnp.zeros((32,), dtype=jnp.float32)
    inp["W4"] = jax.random.normal(ks[13], (1, 32), dtype=jnp.float32) * (1.0 / np.sqrt(32))
    inp["b4"] = jnp.zeros((1,), dtype=jnp.float32)
    return inp


def reference(u_id, m_id, u_age, u_gender, m_year, m_genre,
              user_emb, movie_emb, gender_emb, genre_emb,
              W1, b1, gamma, beta, W2, b2, W3, b3, W4, b4):
    u_emb = jnp.take(user_emb, u_id, axis=0)
    m_emb = jnp.take(movie_emb, m_id, axis=0)
    gen_emb = jnp.take(gender_emb, u_gender, axis=0)
    genre_e = jnp.take(genre_emb, m_genre, axis=0)
    u_age_scaled = ((u_age - 30.0) / 20.0)[:, None]
    m_year_scaled = ((m_year - 2000.0) / 20.0)[:, None]
    x = jnp.concatenate([u_emb, m_emb, gen_emb, genre_e, u_age_scaled, m_year_scaled], axis=1)
    # Linear -> BatchNorm1d (training-mode batch statistics) -> ReLU
    h = x @ W1.T + b1
    mu = jnp.mean(h, axis=0)
    var = jnp.var(h, axis=0)
    h = (h - mu) / jnp.sqrt(var + 1e-5) * gamma + beta
    h = jax.nn.relu(h)
    h = jax.nn.relu(h @ W2.T + b2)
    h = jax.nn.relu(h @ W3.T + b3)
    out = jax.nn.sigmoid(h @ W4.T + b4)
    return out * 10.0

if __name__ == "__main__":
    import jax
    _d = setup_inputs()
    print(jax.jit(kernel)(*tuple(_d.values())))

</pallas_src>

<mosaic_0001>
#map = affine_map<(d0, d1) -> (0)>
#map1 = affine_map<(d0, d1) -> (0, 0)>
module attributes {stable_mosaic.version = 14 : i64} {
  func.func @_sc_movie_gather(%arg0: i32, %arg1: i32, %arg2: memref<16384xi32, #tpu.memory_space<hbm>>, %arg3: memref<100000x128xf32, #tpu.memory_space<hbm>>, %arg4: memref<16384x128xf32, #tpu.memory_space<hbm>>, %arg5: memref<16384xi32, #tpu.memory_space<vmem>>, %arg6: memref<512xi32, #tpu.memory_space<vmem>>, %arg7: memref<512x128xf32, #tpu.memory_space<vmem>>, %arg8: memref<!tpu.dma_semaphore, #tpu.memory_space<semaphore_mem>>) attributes {dimension_semantics = [#tpu.dimension_semantics<core_parallel>, #tpu.dimension_semantics<subcore_parallel>], iteration_bounds = array<i64: 2, 16>, scalar_prefetch = 0 : i64, scratch_operands = 4 : i64, tpu.core_type = #tpu.core_type<sc_vector_subcore>, window_params = [{transform_indices = #map}, {transform_indices = #map1}, {transform_indices = #map1}]} {
    %mul3A = arith.constant 2 : i32
    %mul3A_0 = arith.muli %arg1, %mul3A : i32
    %add3A = arith.addi %mul3A_0, %arg0 : i32
    %mul3A_1 = arith.constant 512 : i32
    %mul3A_2 = arith.muli %add3A, %mul3A_1 : i32
    "tpu.region"() ({
      %run_scoped3A = tpu.sem_alloc : memref<!tpu.dma_semaphore, #tpu.memory_space<semaphore_mem>>
      tpu.enqueue_dma source(%arg2 : memref<16384xi32, #tpu.memory_space<hbm>>) target(%arg5 : memref<16384xi32, #tpu.memory_space<vmem>>) target_semaphore(%run_scoped3A : memref<!tpu.dma_semaphore, #tpu.memory_space<semaphore_mem>>)
      tpu.wait_dma2 semaphore(%run_scoped3A : memref<!tpu.dma_semaphore, #tpu.memory_space<semaphore_mem>>) src(%arg2 : memref<16384xi32, #tpu.memory_space<hbm>>) dst(%arg5 : memref<16384xi32, #tpu.memory_space<vmem>>)
      tpu.yield
    }) : () -> ()
    %add3A_3 = arith.constant 0 : i32
    %add3A_4 = arith.addi %mul3A_2, %add3A_3 : i32
    %get3A = arith.index_cast %add3A_4 : i32 to index
    %get3A_5 = tpu.vector_load %arg5[%get3A] {strides = array<i32>} : memref<16384xi32, #tpu.memory_space<vmem>>, vector<16xi32>,
    %swap3A = arith.constant 0 : index
    %swap3A_6 = tpu.vector_load %arg6[%swap3A] {strides = array<i32>} : memref<512xi32, #tpu.memory_space<vmem>>, vector<16xi32>,
    tpu.vector_store %arg6[%swap3A], %get3A_5 {strides = array<i32>} : memref<512xi32, #tpu.memory_space<vmem>>, vector<16xi32>,
    %add3A_7 = arith.constant 16 : i32
    %add3A_8 = arith.addi %mul3A_2, %add3A_7 : i32
    %get3A_9 = arith.index_cast %add3A_8 : i32 to index
    %get3A_10 = tpu.vector_load %arg5[%get3A_9] {strides = array<i32>} : memref<16384xi32, #tpu.memory_space<vmem>>, vector<16xi32>,
    %swap3A_11 = arith.constant 16 : index
    %swap3A_12 = tpu.vector_load %arg6[%swap3A_11] {strides = array<i32>} : memref<512xi32, #tpu.memory_space<vmem>>, vector<16xi32>,
    tpu.vector_store %arg6[%swap3A_11], %get3A_10 {strides = array<i32>} : memref<512xi32, #tpu.memory_space<vmem>>, vector<16xi32>,
    %add3A_13 = arith.constant 32 : i32
    %add3A_14 = arith.addi %mul3A_2, %add3A_13 : i32
    %get3A_15 = arith.index_cast %add3A_14 : i32 to index
    %get3A_16 = tpu.vector_load %arg5[%get3A_15] {strides = array<i32>} : memref<16384xi32, #tpu.memory_space<vmem>>, vector<16xi32>,
    %swap3A_17 = arith.constant 32 : index
    %swap3A_18 = tpu.vector_load %arg6[%swap3A_17] {strides = array<i32>} : memref<512xi32, #tpu.memory_space<vmem>>, vector<16xi32>,
    tpu.vector_store %arg6[%swap3A_17], %get3A_16 {strides = array<i32>} : memref<512xi32, #tpu.memory_space<vmem>>, vector<16xi32>,
    %add3A_19 = arith.constant 48 : i32
    %add3A_20 = arith.addi %mul3A_2, %add3A_19 : i32
    %get3A_21 = arith.index_cast %add3A_20 : i32 to index
    %get3A_22 = tpu.vector_load %arg5[%get3A_21] {strides = array<i32>} : memref<16384xi32, #tpu.memory_space<vmem>>, vector<16xi32>,
    %swap3A_23 = arith.constant 48 : index
    %swap3A_24 = tpu.vector_load %arg6[%swap3A_23] {strides = array<i32>} : memref<512xi32, #tpu.memory_space<vmem>>, vector<16xi32>,
    tpu.vector_store %arg6[%swap3A_23], %get3A_22 {strides = array<i32>} : memref<512xi32, #tpu.memory_space<vmem>>, vector<16xi32>,
    %add3A_25 = arith.constant 64 : i32
    %add3A_26 = arith.addi %mul3A_2, %add3A_25 : i32
    %get3A_27 = arith.index_cast %add3A_26 : i32 to index
    %get3A_28 = tpu.vector_load %arg5[%get3A_27] {strides = array<i32>} : memref<16384xi32, #tpu.memory_space<vmem>>, vector<16xi32>,
    %swap3A_29 = arith.constant 64 : index
    %swap3A_30 = tpu.vector_load %arg6[%swap3A_29] {strides = array<i32>} : memref<512xi32, #tpu.memory_space<vmem>>, vector<16xi32>,
    tpu.vector_store %arg6[%swap3A_29], %get3A_28 {strides = array<i32>} : memref<512xi32, #tpu.memory_space<vmem>>, vector<16xi32>,
    %add3A_31 = arith.constant 80 : i32
    %add3A_32 = arith.addi %mul3A_2, %add3A_31 : i32
    %get3A_33 = arith.index_cast %add3A_32 : i32 to index
    %get3A_34 = tpu.vector_load %arg5[%get3A_33] {strides = array<i32>} : memref<16384xi32, #tpu.memory_space<vmem>>, vector<16xi32>,
    %swap3A_35 = arith.constant 80 : index
    %swap3A_36 = tpu.vector_load %arg6[%swap3A_35] {strides = array<i32>} : memref<512xi32, #tpu.memory_space<vmem>>, vector<16xi32>,
    tpu.vector_store %arg6[%swap3A_35], %get3A_34 {strides = array<i32>} : memref<512xi32, #tpu.memory_space<vmem>>, vector<16xi32>,
    %add3A_37 = arith.constant 96 : i32
    %add3A_38 = arith.addi %mul3A_2, %add3A_37 : i32
    %get3A_39 = arith.index_cast %add3A_38 : i32 to index
    %get3A_40 = tpu.vector_load %arg5[%get3A_39] {strides = array<i32>} : memref<16384xi32, #tpu.memory_space<vmem>>, vector<16xi32>,
    %swap3A_41 = arith.constant 96 : index
    %swap3A_42 = tpu.vector_load %arg6[%swap3A_41] {strides = array<i32>} : memref<512xi32, #tpu.memory_space<vmem>>, vector<16xi32>,
    tpu.vector_store %arg6[%swap3A_41], %get3A_40 {strides = array<i32>} : memref<512xi32, #tpu.memory_space<vmem>>, vector<16xi32>,
    %add3A_43 = arith.constant 112 : i32
    %add3A_44 = arith.addi %mul3A_2, %add3A_43 : i32
    %get3A_45 = arith.index_cast %add3A_44 : i32 to index
    %get3A_46 = tpu.vector_load %arg5[%get3A_45] {strides = array<i32>} : memref<16384xi32, #tpu.memory_space<vmem>>, vector<16xi32>,
    %swap3A_47 = arith.constant 112 : index
    %swap3A_48 = tpu.vector_load %arg6[%swap3A_47] {strides = array<i32>} : memref<512xi32, #tpu.memory_space<vmem>>, vector<16xi32>,
    tpu.vector_store %arg6[%swap3A_47], %get3A_46 {strides = array<i32>} : memref<512xi32, #tpu.memory_space<vmem>>, vector<16xi32>,
    %add3A_49 = arith.constant 128 : i32
    %add3A_50 = arith.addi %mul3A_2, %add3A_49 : i32
    %get3A_51 = arith.index_cast %add3A_50 : i32 to index
    %get3A_52 = tpu.vector_load %arg5[%get3A_51] {strides = array<i32>} : memref<16384xi32, #tpu.memory_space<vmem>>, vector<16xi32>,
    %swap3A_53 = arith.constant 128 : index
    %swap3A_54 = tpu.vector_load %arg6[%swap3A_53] {strides = array<i32>} : memref<512xi32, #tpu.memory_space<vmem>>, vector<16xi32>,
    tpu.vector_store %arg6[%swap3A_53], %get3A_52 {strides = array<i32>} : memref<512xi32, #tpu.memory_space<vmem>>, vector<16xi32>,
    %add3A_55 = arith.constant 144 : i32
    %add3A_56 = arith.addi %mul3A_2, %add3A_55 : i32
    %get3A_57 = arith.index_cast %add3A_56 : i32 to index
    %get3A_58 = tpu.vector_load %arg5[%get3A_57] {strides = array<i32>} : memref<16384xi32, #tpu.memory_space<vmem>>, vector<16xi32>,
    %swap3A_59 = arith.constant 144 : index
    %swap3A_60 = tpu.vector_load %arg6[%swap3A_59] {strides = array<i32>} : memref<512xi32, #tpu.memory_space<vmem>>, vector<16xi32>,
    tpu.vector_store %arg6[%swap3A_59], %get3A_58 {strides = array<i32>} : memref<512xi32, #tpu.memory_space<vmem>>, vector<16xi32>,
    %add3A_61 = arith.constant 160 : i32
    %add3A_62 = arith.addi %mul3A_2, %add3A_61 : i32
    %get3A_63 = arith.index_cast %add3A_62 : i32 to index
    %get3A_64 = tpu.vector_load %arg5[%get3A_63] {strides = array<i32>} : memref<16384xi32, #tpu.memory_space<vmem>>, vector<16xi32>,
    %swap3A_65 = arith.constant 160 : index
    %swap3A_66 = tpu.vector_load %arg6[%swap3A_65] {strides = array<i32>} : memref<512xi32, #tpu.memory_space<vmem>>, vector<16xi32>,
    tpu.vector_store %arg6[%swap3A_65], %get3A_64 {strides = array<i32>} : memref<512xi32, #tpu.memory_space<vmem>>, vector<16xi32>,
    %add3A_67 = arith.constant 176 : i32
    %add3A_68 = arith.addi %mul3A_2, %add3A_67 : i32
    %get3A_69 = arith.index_cast %add3A_68 : i32 to index
    %get3A_70 = tpu.vector_load %arg5[%get3A_69] {strides = array<i32>} : memref<16384xi32, #tpu.memory_space<vmem>>, vector<16xi32>,
    %swap3A_71 = arith.constant 176 : index
    %swap3A_72 = tpu.vector_load %arg6[%swap3A_71] {strides = array<i32>} : memref<512xi32, #tpu.memory_space<vmem>>, vector<16xi32>,
    tpu.vector_store %arg6[%swap3A_71], %get3A_70 {strides = array<i32>} : memref<512xi32, #tpu.memory_space<vmem>>, vector<16xi32>,
    %add3A_73 = arith.constant 192 : i32
    %add3A_74 = arith.addi %mul3A_2, %add3A_73 : i32
    %get3A_75 = arith.index_cast %add3A_74 : i32 to index
    %get3A_76 = tpu.vector_load %arg5[%get3A_75] {strides = array<i32>} : memref<16384xi32, #tpu.memory_space<vmem>>, vector<16xi32>,
    %swap3A_77 = arith.constant 192 : index
    %swap3A_78 = tpu.vector_load %arg6[%swap3A_77] {strides = array<i32>} : memref<512xi32, #tpu.memory_space<vmem>>, vector<16xi32>,
    tpu.vector_store %arg6[%swap3A_77], %get3A_76 {strides = array<i32>} : memref<512xi32, #tpu.memory_space<vmem>>, vector<16xi32>,
    %add3A_79 = arith.constant 208 : i32
    %add3A_80 = arith.addi %mul3A_2, %add3A_79 : i32
    %get3A_81 = arith.index_cast %add3A_80 : i32 to index
    %get3A_82 = tpu.vector_load %arg5[%get3A_81] {strides = array<i32>} : memref<16384xi32, #tpu.memory_space<vmem>>, vector<16xi32>,
    %swap3A_83 = arith.constant 208 : index
    %swap3A_84 = tpu.vector_load %arg6[%swap3A_83] {strides = array<i32>} : memref<512xi32, #tpu.memory_space<vmem>>, vector<16xi32>,
    tpu.vector_store %arg6[%swap3A_83], %get3A_82 {strides = array<i32>} : memref<512xi32, #tpu.memory_space<vmem>>, vector<16xi32>,
    %add3A_85 = arith.constant 224 : i32
    %add3A_86 = arith.addi %mul3A_2, %add3A_85 : i32
    %get3A_87 = arith.index_cast %add3A_86 : i32 to index
    %get3A_88 = tpu.vector_load %arg5[%get3A_87] {strides = array<i32>} : memref<16384xi32, #tpu.memory_space<vmem>>, vector<16xi32>,
    %swap3A_89 = arith.constant 224 : index
    %swap3A_90 = tpu.vector_load %arg6[%swap3A_89] {strides = array<i32>} : memref<512xi32, #tpu.memory_space<vmem>>, vector<16xi32>,
    tpu.vector_store %arg6[%swap3A_89], %get3A_88 {strides = array<i32>} : memref<512xi32, #tpu.memory_space<vmem>>, vector<16xi32>,
    %add3A_91 = arith.constant 240 : i32
    %add3A_92 = arith.addi %mul3A_2, %add3A_91 : i32
    %get3A_93 = arith.index_cast %add3A_92 : i32 to index
    %get3A_94 = tpu.vector_load %arg5[%get3A_93] {strides = array<i32>} : memref<16384xi32, #tpu.memory_space<vmem>>, vector<16xi32>,
    %swap3A_95 = arith.constant 240 : index
    %swap3A_96 = tpu.vector_load %arg6[%swap3A_95] {strides = array<i32>} : memref<512xi32, #tpu.memory_space<vmem>>, vector<16xi32>,
    tpu.vector_store %arg6[%swap3A_95], %get3A_94 {strides = array<i32>} : memref<512xi32, #tpu.memory_space<vmem>>, vector<16xi32>,
    %add3A_97 = arith.constant 256 : i32
    %add3A_98 = arith.addi %mul3A_2, %add3A_97 : i32
    %get3A_99 = arith.index_cast %add3A_98 : i32 to index
    %get3A_100 = tpu.vector_load %arg5[%get3A_99] {strides = array<i32>} : memref<16384xi32, #tpu.memory_space<vmem>>, vector<16xi32>,
    %swap3A_101 = arith.constant 256 : index
    %swap3A_102 = tpu.vector_load %arg6[%swap3A_101] {strides = array<i32>} : memref<512xi32, #tpu.memory_space<vmem>>, vector<16xi32>,
    tpu.vector_store %arg6[%swap3A_101], %get3A_100 {strides = array<i32>} : memref<512xi32, #tpu.memory_space<vmem>>, vector<16xi32>,
    %add3A_103 = arith.constant 272 : i32
    %add3A_104 = arith.addi %mul3A_2, %add3A_103 : i32
    %get3A_105 = arith.index_cast %add3A_104 : i32 to index
    %get3A_106 = tpu.vector_load %arg5[%get3A_105] {strides = array<i32>} : memref<16384xi32, #tpu.memory_space<vmem>>, vector<16xi32>,
    %swap3A_107 = arith.constant 272 : index
    %swap3A_108 = tpu.vector_load %arg6[%swap3A_107] {strides = array<i32>} : memref<512xi32, #tpu.memory_space<vmem>>, vector<16xi32>,
    tpu.vector_store %arg6[%swap3A_107], %get3A_106 {strides = array<i32>} : memref<512xi32, #tpu.memory_space<vmem>>, vector<16xi32>,
    %add3A_109 = arith.constant 288 : i32
    %add3A_110 = arith.addi %mul3A_2, %add3A_109 : i32
    %get3A_111 = arith.index_cast %add3A_110 : i32 to index
    %get3A_112 = tpu.vector_load %arg5[%get3A_111] {strides = array<i32>} : memref<16384xi32, #tpu.memory_space<vmem>>, vector<16xi32>,
    %swap3A_113 = arith.constant 288 : index
    %swap3A_114 = tpu.vector_load %arg6[%swap3A_113] {strides = array<i32>} : memref<512xi32, #tpu.memory_space<vmem>>, vector<16xi32>,
    tpu.vector_store %arg6[%swap3A_113], %get3A_112 {strides = array<i32>} : memref<512xi32, #tpu.memory_space<vmem>>, vector<16xi32>,
    %add3A_115 = arith.constant 304 : i32
    %add3A_116 = arith.addi %mul3A_2, %add3A_115 : i32
    %get3A_117 = arith.index_cast %add3A_116 : i32 to index
    %get3A_118 = tpu.vector_load %arg5[%get3A_117] {strides = array<i32>} : memref<16384xi32, #tpu.memory_space<vmem>>, vector<16xi32>,
    %swap3A_119 = arith.constant 304 : index
    %swap3A_120 = tpu.vector_load %arg6[%swap3A_119] {strides = array<i32>} : memref<512xi32, #tpu.memory_space<vmem>>, vector<16xi32>,
    tpu.vector_store %arg6[%swap3A_119], %get3A_118 {strides = array<i32>} : memref<512xi32, #tpu.memory_space<vmem>>, vector<16xi32>,
    %add3A_121 = arith.constant 320 : i32
    %add3A_122 = arith.addi %mul3A_2, %add3A_121 : i32
    %get3A_123 = arith.index_cast %add3A_122 : i32 to index
    %get3A_124 = tpu.vector_load %arg5[%get3A_123] {strides = array<i32>} : memref<16384xi32, #tpu.memory_space<vmem>>, vector<16xi32>,
    %swap3A_125 = arith.constant 320 : index
    %swap3A_126 = tpu.vector_load %arg6[%swap3A_125] {strides = array<i32>} : memref<512xi32, #tpu.memory_space<vmem>>, vector<16xi32>,
    tpu.vector_store %arg6[%swap3A_125], %get3A_124 {strides = array<i32>} : memref<512xi32, #tpu.memory_space<vmem>>, vector<16xi32>,
    %add3A_127 = arith.constant 336 : i32
    %add3A_128 = arith.addi %mul3A_2, %add3A_127 : i32
    %get3A_129 = arith.index_cast %add3A_128 : i32 to index
    %get3A_130 = tpu.vector_load %arg5[%get3A_129] {strides = array<i32>} : memref<16384xi32, #tpu.memory_space<vmem>>, vector<16xi32>,
    %swap3A_131 = arith.constant 336 : index
    %swap3A_132 = tpu.vector_load %arg6[%swap3A_131] {strides = array<i32>} : memref<512xi32, #tpu.memory_space<vmem>>, vector<16xi32>,
    tpu.vector_store %arg6[%swap3A_131], %get3A_130 {strides = array<i32>} : memref<512xi32, #tpu.memory_space<vmem>>, vector<16xi32>,
    %add3A_133 = arith.constant 352 : i32
    %add3A_134 = arith.addi %mul3A_2, %add3A_133 : i32
    %get3A_135 = arith.index_cast %add3A_134 : i32 to index
    %get3A_136 = tpu.vector_load %arg5[%get3A_135] {strides = array<i32>} : memref<16384xi32, #tpu.memory_space<vmem>>, vector<16xi32>,
    %swap3A_137 = arith.constant 352 : index
    %swap3A_138 = tpu.vector_load %arg6[%swap3A_137] {strides = array<i32>} : memref<512xi32, #tpu.memory_space<vmem>>, vector<16xi32>,
    tpu.vector_store %arg6[%swap3A_137], %get3A_136 {strides = array<i32>} : memref<512xi32, #tpu.memory_space<vmem>>, vector<16xi32>,
    %add3A_139 = arith.constant 368 : i32
    %add3A_140 = arith.addi %mul3A_2, %add3A_139 : i32
    %get3A_141 = arith.index_cast %add3A_140 : i32 to index
    %get3A_142 = tpu.vector_load %arg5[%get3A_141] {strides = array<i32>} : memref<16384xi32, #tpu.memory_space<vmem>>, vector<16xi32>,
    %swap3A_143 = arith.constant 368 : index
    %swap3A_144 = tpu.vector_load %arg6[%swap3A_143] {strides = array<i32>} : memref<512xi32, #tpu.memory_space<vmem>>, vector<16xi32>,
    tpu.vector_store %arg6[%swap3A_143], %get3A_142 {strides = array<i32>} : memref<512xi32, #tpu.memory_space<vmem>>, vector<16xi32>,
    %add3A_145 = arith.constant 384 : i32
    %add3A_146 = arith.addi %mul3A_2, %add3A_145 : i32
    %get3A_147 = arith.index_cast %add3A_146 : i32 to index
    %get3A_148 = tpu.vector_load %arg5[%get3A_147] {strides = array<i32>} : memref<16384xi32, #tpu.memory_space<vmem>>, vector<16xi32>,
    %swap3A_149 = arith.constant 384 : index
    %swap3A_150 = tpu.vector_load %arg6[%swap3A_149] {strides = array<i32>} : memref<512xi32, #tpu.memory_space<vmem>>, vector<16xi32>,
    tpu.vector_store %arg6[%swap3A_149], %get3A_148 {strides = array<i32>} : memref<512xi32, #tpu.memory_space<vmem>>, vector<16xi32>,
    %add3A_151 = arith.constant 400 : i32
    %add3A_152 = arith.addi %mul3A_2, %add3A_151 : i32
    %get3A_153 = arith.index_cast %add3A_152 : i32 to index
    %get3A_154 = tpu.vector_load %arg5[%get3A_153] {strides = array<i32>} : memref<16384xi32, #tpu.memory_space<vmem>>, vector<16xi32>,
    %swap3A_155 = arith.constant 400 : index
    %swap3A_156 = tpu.vector_load %arg6[%swap3A_155] {strides = array<i32>} : memref<512xi32, #tpu.memory_space<vmem>>, vector<16xi32>,
    tpu.vector_store %arg6[%swap3A_155], %get3A_154 {strides = array<i32>} : memref<512xi32, #tpu.memory_space<vmem>>, vector<16xi32>,
    %add3A_157 = arith.constant 416 : i32
    %add3A_158 = arith.addi %mul3A_2, %add3A_157 : i32
    %get3A_159 = arith.index_cast %add3A_158 : i32 to index
    %get3A_160 = tpu.vector_load %arg5[%get3A_159] {strides = array<i32>} : memref<16384xi32, #tpu.memory_space<vmem>>, vector<16xi32>,
    %swap3A_161 = arith.constant 416 : index
    %swap3A_162 = tpu.vector_load %arg6[%swap3A_161] {strides = array<i32>} : memref<512xi32, #tpu.memory_space<vmem>>, vector<16xi32>,
    tpu.vector_store %arg6[%swap3A_161], %get3A_160 {strides = array<i32>} : memref<512xi32, #tpu.memory_space<vmem>>, vector<16xi32>,
    %add3A_163 = arith.constant 432 : i32
    %add3A_164 = arith.addi %mul3A_2, %add3A_163 : i32
    %get3A_165 = arith.index_cast %add3A_164 : i32 to index
    %get3A_166 = tpu.vector_load %arg5[%get3A_165] {strides = array<i32>} : memref<16384xi32, #tpu.memory_space<vmem>>, vector<16xi32>,
    %swap3A_167 = arith.constant 432 : index
    %swap3A_168 = tpu.vector_load %arg6[%swap3A_167] {strides = array<i32>} : memref<512xi32, #tpu.memory_space<vmem>>, vector<16xi32>,
    tpu.vector_store %arg6[%swap3A_167], %get3A_166 {strides = array<i32>} : memref<512xi32, #tpu.memory_space<vmem>>, vector<16xi32>,
    %add3A_169 = arith.constant 448 : i32
    %add3A_170 = arith.addi %mul3A_2, %add3A_169 : i32
    %get3A_171 = arith.index_cast %add3A_170 : i32 to index
    %get3A_172 = tpu.vector_load %arg5[%get3A_171] {strides = array<i32>} : memref<16384xi32, #tpu.memory_space<vmem>>, vector<16xi32>,
    %swap3A_173 = arith.constant 448 : index
    %swap3A_174 = tpu.vector_load %arg6[%swap3A_173] {strides = array<i32>} : memref<512xi32, #tpu.memory_space<vmem>>, vector<16xi32>,
    tpu.vector_store %arg6[%swap3A_173], %get3A_172 {strides = array<i32>} : memref<512xi32, #tpu.memory_space<vmem>>, vector<16xi32>,
    %add3A_175 = arith.constant 464 : i32
    %add3A_176 = arith.addi %mul3A_2, %add3A_175 : i32
    %get3A_177 = arith.index_cast %add3A_176 : i32 to index
    %get3A_178 = tpu.vector_load %arg5[%get3A_177] {strides = array<i32>} : memref<16384xi32, #tpu.memory_space<vmem>>, vector<16xi32>,
    %swap3A_179 = arith.constant 464 : index
    %swap3A_180 = tpu.vector_load %arg6[%swap3A_179] {strides = array<i32>} : memref<512xi32, #tpu.memory_space<vmem>>, vector<16xi32>,
    tpu.vector_store %arg6[%swap3A_179], %get3A_178 {strides = array<i32>} : memref<512xi32, #tpu.memory_space<vmem>>, vector<16xi32>,
    %add3A_181 = arith.constant 480 : i32
    %add3A_182 = arith.addi %mul3A_2, %add3A_181 : i32
    %get3A_183 = arith.index_cast %add3A_182 : i32 to index
    %get3A_184 = tpu.vector_load %arg5[%get3A_183] {strides = array<i32>} : memref<16384xi32, #tpu.memory_space<vmem>>, vector<16xi32>,
    %swap3A_185 = arith.constant 480 : index
    %swap3A_186 = tpu.vector_load %arg6[%swap3A_185] {strides = array<i32>} : memref<512xi32, #tpu.memory_space<vmem>>, vector<16xi32>,
    tpu.vector_store %arg6[%swap3A_185], %get3A_184 {strides = array<i32>} : memref<512xi32, #tpu.memory_space<vmem>>, vector<16xi32>,
    %add3A_187 = arith.constant 496 : i32
    %add3A_188 = arith.addi %mul3A_2, %add3A_187 : i32
    %get3A_189 = arith.index_cast %add3A_188 : i32 to index
    %get3A_190 = tpu.vector_load %arg5[%get3A_189] {strides = array<i32>} : memref<16384xi32, #tpu.memory_space<vmem>>, vector<16xi32>,
    %swap3A_191 = arith.constant 496 : index
    %swap3A_192 = tpu.vector_load %arg6[%swap3A_191] {strides = array<i32>} : memref<512xi32, #tpu.memory_space<vmem>>, vector<16xi32>,
    tpu.vector_store %arg6[%swap3A_191], %get3A_190 {strides = array<i32>} : memref<512xi32, #tpu.memory_space<vmem>>, vector<16xi32>,
    %dma_start3A = arith.constant 0 : i32
    %dma_start3A_193 = arith.constant 0 : i32
    %dma_start3A_194 = tpu.memref_slice %arg3[%dma_start3A, %dma_start3A_193] : memref<100000x128xf32, #tpu.memory_space<hbm>> -> memref<100000x128xf32, #tpu.memory_space<hbm>>
    tpu.enqueue_indirect_dma source(%dma_start3A_194 : memref<100000x128xf32, #tpu.memory_space<hbm>>) target(%arg7 : memref<512x128xf32, #tpu.memory_space<vmem>>) offsets(%arg6 : memref<512xi32, #tpu.memory_space<vmem>>) semaphore(%arg8 : memref<!tpu.dma_semaphore, #tpu.memory_space<semaphore_mem>>)
    %dma_wait3A = arith.constant 0 : i32
    %dma_wait3A_195 = arith.constant 0 : i32
    %dma_wait3A_196 = tpu.memref_slice %arg3[%dma_wait3A, %dma_wait3A_195] : memref<100000x128xf32, #tpu.memory_space<hbm>> -> memref<100000x128xf32, #tpu.memory_space<hbm>>
    tpu.wait_indirect_dma semaphore(%arg8 : memref<!tpu.dma_semaphore, #tpu.memory_space<semaphore_mem>>) src(%dma_wait3A_196 : memref<100000x128xf32, #tpu.memory_space<hbm>>) dst(%arg7 : memref<512x128xf32, #tpu.memory_space<vmem>>)
    %multiple_of3A = tpu.assume_multiple %mul3A_2, 128 : i32
    "tpu.region"() ({
      %run_scoped3A = tpu.sem_alloc : memref<!tpu.dma_semaphore, #tpu.memory_space<semaphore_mem>>
      %dma_start3A_197 = arith.constant 0 : i32
      %dma_start3A_198 = tpu.memref_slice %arg4[%multiple_of3A, %dma_start3A_197] : memref<16384x128xf32, #tpu.memory_space<hbm>> -> memref<512x128xf32, #tpu.memory_space<hbm>>
      %dma_start3A_199 = arith.constant 0 : i32
      %dma_start3A_200 = tpu.memref_slice %arg4[%multiple_of3A, %dma_start3A_199] : memref<16384x128xf32, #tpu.memory_space<hbm>> -> memref<512x128xf32, #tpu.memory_space<hbm>>
      tpu.enqueue_dma source(%arg7 : memref<512x128xf32, #tpu.memory_space<vmem>>) target(%dma_start3A_200 : memref<512x128xf32, #tpu.memory_space<hbm>>) target_semaphore(%run_scoped3A : memref<!tpu.dma_semaphore, #tpu.memory_space<semaphore_mem>>)
      %dma_wait3A_201 = arith.constant 0 : i32
      %dma_wait3A_202 = tpu.memref_slice %arg4[%multiple_of3A, %dma_wait3A_201] : memref<16384x128xf32, #tpu.memory_space<hbm>> -> memref<512x128xf32, #tpu.memory_space<hbm>>
      %dma_wait3A_203 = arith.constant 0 : i32
      %dma_wait3A_204 = tpu.memref_slice %arg4[%multiple_of3A, %dma_wait3A_203] : memref<16384x128xf32, #tpu.memory_space<hbm>> -> memref<512x128xf32, #tpu.memory_space<hbm>>
      tpu.wait_dma2 semaphore(%run_scoped3A : memref<!tpu.dma_semaphore, #tpu.memory_space<semaphore_mem>>) src(%arg7 : memref<512x128xf32, #tpu.memory_space<vmem>>) dst(%dma_wait3A_204 : memref<512x128xf32, #tpu.memory_space<hbm>>)
      tpu.yield
    }) : () -> ()
    return
  }
}

#map = affine_map<(d0, d1) -> (0)>
#map1 = affine_map<(d0, d1) -> (0, 0)>
module attributes {stable_mosaic.version = 14 : i64} {
  func.func @_sc_user_gather(%arg0: i32, %arg1: i32, %arg2: memref<16384xi32, #tpu.memory_space<hbm>>, %arg3: memref<32x1000000xf32, #tpu.memory_space<hbm>>, %arg4: memref<32x16384xf32, #tpu.memory_space<hbm>>, %arg5: memref<16384xi32, #tpu.memory_space<vmem>>, %arg6: memref<16x32x128xf32, #tpu.memory_space<vmem>>, %arg7: memref<32x512xf32, #tpu.memory_space<vmem>>, %arg8: memref<!tpu.dma_semaphore, #tpu.memory_space<semaphore_mem>>, %arg9: memref<!tpu.dma_semaphore, #tpu.memory_space<semaphore_mem>>) attributes {dimension_semantics = [#tpu.dimension_semantics<core_parallel>, #tpu.dimension_semantics<subcore_parallel>], iteration_bounds = array<i64: 2, 16>, scalar_prefetch = 0 : i64, scratch_operands = 5 : i64, tpu.core_type = #tpu.core_type<sc_vector_subcore>, window_params = [{transform_indices = #map}, {transform_indices = #map1}, {transform_indices = #map1}]} {
    %mul3A = arith.constant 2 : i32
    %mul3A_0 = arith.muli %arg1, %mul3A : i32
    %add3A = arith.addi %mul3A_0, %arg0 : i32
    %mul3A_1 = arith.constant 512 : i32
    %mul3A_2 = arith.muli %add3A, %mul3A_1 : i32
    "tpu.region"() ({
      %run_scoped3A = tpu.sem_alloc : memref<!tpu.dma_semaphore, #tpu.memory_space<semaphore_mem>>
      tpu.enqueue_dma source(%arg2 : memref<16384xi32, #tpu.memory_space<hbm>>) target(%arg5 : memref<16384xi32, #tpu.memory_space<vmem>>) target_semaphore(%run_scoped3A : memref<!tpu.dma_semaphore, #tpu.memory_space<semaphore_mem>>)
      tpu.wait_dma2 semaphore(%run_scoped3A : memref<!tpu.dma_semaphore, #tpu.memory_space<semaphore_mem>>) src(%arg2 : memref<16384xi32, #tpu.memory_space<hbm>>) dst(%arg5 : memref<16384xi32, #tpu.memory_space<vmem>>)
      tpu.yield
    }) : () -> ()
    %iota3A = tpu.iota {dimensions = array<i32: 0>} : vector<16xi32>
    %add3A_3 = arith.constant 16 : i32
    %add3A_4 = vector.broadcast %add3A_3 : i32 to vector<16xi32>
    %add3A_5 = arith.addi %iota3A, %add3A_4 : vector<16xi32>
    %get3A = arith.index_cast %mul3A_2 : i32 to index
    %get3A_6 = tpu.vector_load %arg5[%get3A] {strides = array<i32>} : memref<16384xi32, #tpu.memory_space<vmem>>, vector<16xi32>,
    %slice3A = vector.extract_strided_slice %get3A_6 {offsets = [0], sizes = [1], strides = [1]} : vector<16xi32> to vector<1xi32>
    %squeeze3A = vector.extract %slice3A[0] : i32 from vector<1xi32>
    %jit3A = arith.constant 128 : i32
    %div3A = arith.divsi %squeeze3A, %jit3A : i32
    %sign3A = arith.constant 0 : i32
    %sign3A_7 = arith.cmpi sgt, %squeeze3A, %sign3A : i32
    %sign3A_8 = arith.extui %sign3A_7 : i1 to i32
    %sign3A_9 = arith.constant 0 : i32
    %sign3A_10 = arith.cmpi slt, %squeeze3A, %sign3A_9 : i32
    %sign3A_11 = arith.extui %sign3A_10 : i1 to i32
    %sign3A_12 = arith.subi %sign3A_8, %sign3A_11 : i32
    %sign3A_13 = arith.constant 0 : i32
    %sign3A_14 = arith.cmpi sgt, %jit3A, %sign3A_13 : i32
    %sign3A_15 = arith.extui %sign3A_14 : i1 to i32
    %sign3A_16 = arith.constant 0 : i32
    %sign3A_17 = arith.cmpi slt, %jit3A, %sign3A_16 : i32
    %sign3A_18 = arith.extui %sign3A_17 : i1 to i32
    %sign3A_19 = arith.subi %sign3A_15, %sign3A_18 : i32
    %ne3A = arith.cmpi ne, %sign3A_12, %sign3A_19 : i32
    %rem3A = arith.remsi %squeeze3A, %jit3A : i32
    %ne3A_20 = arith.constant 0 : i32
    %ne3A_21 = arith.cmpi ne, %rem3A, %ne3A_20 : i32
    %and3A = arith.andi %ne3A, %ne3A_21 : i1
    %sub3A = arith.constant 1 : i32
    %sub3A_22 = arith.subi %div3A, %sub3A : i32
    %select_n3A = arith.select %and3A, %sub3A_22, %div3A : i32
    %mul3A_23 = arith.constant 128 : i32
    %mul3A_24 = arith.muli %select_n3A, %mul3A_23 : i32
    %multiple_of3A = tpu.assume_multiple %mul3A_24, 128 : i32
    %dma_start3A = arith.constant 0 : i32
    %dma_start3A_25 = arith.constant 0 : i32
    %dma_start3A_26 = arith.constant 0 : i32
    %dma_start3A_27 = tpu.memref_slice %arg6[%dma_start3A, %dma_start3A_25, %dma_start3A_26] : memref<16x32x128xf32, #tpu.memory_space<vmem>> -> memref<1x32x128xf32, #tpu.memory_space<vmem>>
    %dma_start3A_28 = tpu.memref_squeeze %dma_start3A_27 : memref<1x32x128xf32, #tpu.memory_space<vmem>> -> memref<32x128xf32, #tpu.memory_space<vmem>>
    %dma_start3A_29 = arith.constant 0 : i32
    %dma_start3A_30 = tpu.memref_slice %arg3[%dma_start3A_29, %multiple_of3A] : memref<32x1000000xf32, #tpu.memory_space<hbm>> -> memref<32x128xf32, #tpu.memory_space<hbm>>
    %dma_start3A_31 = arith.constant 0 : i32
    %dma_start3A_32 = arith.constant 0 : i32
    %dma_start3A_33 = tpu.memref_slice %arg6[%dma_start3A, %dma_start3A_31, %dma_start3A_32] : memref<16x32x128xf32, #tpu.memory_space<vmem>> -> memref<1x32x128xf32, #tpu.memory_space<vmem>>
    %dma_start3A_34 = tpu.memref_squeeze %dma_start3A_33 : memref<1x32x128xf32, #tpu.memory_space<vmem>> -> memref<32x128xf32, #tpu.memory_space<vmem>>
    %dma_start3A_35 = arith.constant 0 : i32
    %dma_start3A_36 = tpu.memref_slice %arg3[%dma_start3A_35, %multiple_of3A] : memref<32x1000000xf32, #tpu.memory_space<hbm>> -> memref<32x128xf32, #tpu.memory_space<hbm>>
    tpu.enqueue_dma source(%dma_start3A_36 : memref<32x128xf32, #tpu.memory_space<hbm>>) target(%dma_start3A_34 : memref<32x128xf32, #tpu.memory_space<vmem>>) target_semaphore(%arg8 : memref<!tpu.dma_semaphore, #tpu.memory_space<semaphore_mem>>)
    %slice3A_37 = vector.extract_strided_slice %get3A_6 {offsets = [1], sizes = [1], strides = [1]} : vector<16xi32> to vector<1xi32>
    %squeeze3A_38 = vector.extract %slice3A_37[0] : i32 from vector<1xi32>
    %jit3A_39 = arith.constant 128 : i32
    %div3A_40 = arith.divsi %squeeze3A_38, %jit3A_39 : i32
    %sign3A_41 = arith.constant 0 : i32
    %sign3A_42 = arith.cmpi sgt, %squeeze3A_38, %sign3A_41 : i32
    %sign3A_43 = arith.extui %sign3A_42 : i1 to i32
    %sign3A_44 = arith.constant 0 : i32
    %sign3A_45 = arith.cmpi slt, %squeeze3A_38, %sign3A_44 : i32
    %sign3A_46 = arith.extui %sign3A_45 : i1 to i32
    %sign3A_47 = arith.subi %sign3A_43, %sign3A_46 : i32
    %sign3A_48 = arith.constant 0 : i32
    %sign3A_49 = arith.cmpi sgt, %jit3A_39, %sign3A_48 : i32
    %sign3A_50 = arith.extui %sign3A_49 : i1 to i32
    %sign3A_51 = arith.constant 0 : i32
    %sign3A_52 = arith.cmpi slt, %jit3A_39, %sign3A_51 : i32
    %sign3A_53 = arith.extui %sign3A_52 : i1 to i32
    %sign3A_54 = arith.subi %sign3A_50, %sign3A_53 : i32
    %ne3A_55 = arith.cmpi ne, %sign3A_47, %sign3A_54 : i32
    %rem3A_56 = arith.remsi %squeeze3A_38, %jit3A_39 : i32
    %ne3A_57 = arith.constant 0 : i32
    %ne3A_58 = arith.cmpi ne, %rem3A_56, %ne3A_57 : i32
    %and3A_59 = arith.andi %ne3A_55, %ne3A_58 : i1
    %sub3A_60 = arith.constant 1 : i32
    %sub3A_61 = arith.subi %div3A_40, %sub3A_60 : i32
    %select_n3A_62 = arith.select %and3A_59, %sub3A_61, %div3A_40 : i32
    %mul3A_63 = arith.constant 128 : i32
    %mul3A_64 = arith.muli %select_n3A_62, %mul3A_63 : i32
    %multiple_of3A_65 = tpu.assume_multiple %mul3A_64, 128 : i32
    %dma_start3A_66 = arith.constant 1 : i32
    %dma_start3A_67 = arith.constant 0 : i32
    %dma_start3A_68 = arith.constant 0 : i32
    %dma_start3A_69 = tpu.memref_slice %arg6[%dma_start3A_66, %dma_start3A_67, %dma_start3A_68] : memref<16x32x128xf32, #tpu.memory_space<vmem>> -> memref<1x32x128xf32, #tpu.memory_space<vmem>>
    %dma_start3A_70 = tpu.memref_squeeze %dma_start3A_69 : memref<1x32x128xf32, #tpu.memory_space<vmem>> -> memref<32x128xf32, #tpu.memory_space<vmem>>
    %dma_start3A_71 = arith.constant 0 : i32
    %dma_start3A_72 = tpu.memref_slice %arg3[%dma_start3A_71, %multiple_of3A_65] : memref<32x1000000xf32, #tpu.memory_space<hbm>> -> memref<32x128xf32, #tpu.memory_space<hbm>>
    %dma_start3A_73 = arith.constant 0 : i32
    %dma_start3A_74 = arith.constant 0 : i32
    %dma_start3A_75 = tpu.memref_slice %arg6[%dma_start3A_66, %dma_start3A_73, %dma_start3A_74] : memref<16x32x128xf32, #tpu.memory_space<vmem>> -> memref<1x32x128xf32, #tpu.memory_space<vmem>>
    %dma_start3A_76 = tpu.memref_squeeze %dma_start3A_75 : memref<1x32x128xf32, #tpu.memory_space<vmem>> -> memref<32x128xf32, #tpu.memory_space<vmem>>
    %dma_start3A_77 = arith.constant 0 : i32
    %dma_start3A_78 = tpu.memref_slice %arg3[%dma_start3A_77, %multiple_of3A_65] : memref<32x1000000xf32, #tpu.memory_space<hbm>> -> memref<32x128xf32, #tpu.memory_space<hbm>>
    tpu.enqueue_dma source(%dma_start3A_78 : memref<32x128xf32, #tpu.memory_space<hbm>>) target(%dma_start3A_76 : memref<32x128xf32, #tpu.memory_space<vmem>>) target_semaphore(%arg8 : memref<!tpu.dma_semaphore, #tpu.memory_space<semaphore_mem>>)
    %slice3A_79 = vector.extract_strided_slice %get3A_6 {offsets = [2], sizes = [1], strides = [1]} : vector<16xi32> to vector<1xi32>
    %squeeze3A_80 = vector.extract %slice3A_79[0] : i32 from vector<1xi32>
    %jit3A_81 = arith.constant 128 : i32
    %div3A_82 = arith.divsi %squeeze3A_80, %jit3A_81 : i32
    %sign3A_83 = arith.constant 0 : i32
    %sign3A_84 = arith.cmpi sgt, %squeeze3A_80, %sign3A_83 : i32
    %sign3A_85 = arith.extui %sign3A_84 : i1 to i32
    %sign3A_86 = arith.constant 0 : i32
    %sign3A_87 = arith.cmpi slt, %squeeze3A_80, %sign3A_86 : i32
    %sign3A_88 = arith.extui %sign3A_87 : i1 to i32
    %sign3A_89 = arith.subi %sign3A_85, %sign3A_88 : i32
    %sign3A_90 = arith.constant 0 : i32
    %sign3A_91 = arith.cmpi sgt, %jit3A_81, %sign3A_90 : i32
    %sign3A_92 = arith.extui %sign3A_91 : i1 to i32
    %sign3A_93 = arith.constant 0 : i32
    %sign3A_94 = arith.cmpi slt, %jit3A_81, %sign3A_93 : i32
    %sign3A_95 = arith.extui %sign3A_94 : i1 to i32
    %sign3A_96 = arith.subi %sign3A_92, %sign3A_95 : i32
    %ne3A_97 = arith.cmpi ne, %sign3A_89, %sign3A_96 : i32
    %rem3A_98 = arith.remsi %squeeze3A_80, %jit3A_81 : i32
    %ne3A_99 = arith.constant 0 : i32
    %ne3A_100 = arith.cmpi ne, %rem3A_98, %ne3A_99 : i32
    %and3A_101 = arith.andi %ne3A_97, %ne3A_100 : i1
    %sub3A_102 = arith.constant 1 : i32
    %sub3A_103 = arith.subi %div3A_82, %sub3A_102 : i32
    %select_n3A_104 = arith.select %and3A_101, %sub3A_103, %div3A_82 : i32
    %mul3A_105 = arith.constant 128 : i32
    %mul3A_106 = arith.muli %select_n3A_104, %mul3A_105 : i32
    %multiple_of3A_107 = tpu.assume_multiple %mul3A_106, 128 : i32
    %dma_start3A_108 = arith.constant 2 : i32
    %dma_start3A_109 = arith.constant 0 : i32
    %dma_start3A_110 = arith.constant 0 : i32
    %dma_start3A_111 = tpu.memref_slice %arg6[%dma_start3A_108, %dma_start3A_109, %dma_start3A_110] : memref<16x32x128xf32, #tpu.memory_space<vmem>> -> memref<1x32x128xf32, #tpu.memory_space<vmem>>
    %dma_start3A_112 = tpu.memref_squeeze %dma_start3A_111 : memref<1x32x128xf32, #tpu.memory_space<vmem>> -> memref<32x128xf32, #tpu.memory_space<vmem>>
    %dma_start3A_113 = arith.constant 0 : i32
    %dma_start3A_114 = tpu.memref_slice %arg3[%dma_start3A_113, %multiple_of3A_107] : memref<32x1000000xf32, #tpu.memory_space<hbm>> -> memref<32x128xf32, #tpu.memory_space<hbm>>
    %dma_start3A_115 = arith.constant 0 : i32
    %dma_start3A_116 = arith.constant 0 : i32
    %dma_start3A_117 = tpu.memref_slice %arg6[%dma_start3A_108, %dma_start3A_115, %dma_start3A_116] : memref<16x32x128xf32, #tpu.memory_space<vmem>> -> memref<1x32x128xf32, #tpu.memory_space<vmem>>
    %dma_start3A_118 = tpu.memref_squeeze %dma_start3A_117 : memref<1x32x128xf32, #tpu.memory_space<vmem>> -> memref<32x128xf32, #tpu.memory_space<vmem>>
    %dma_start3A_119 = arith.constant 0 : i32
    %dma_start3A_120 = tpu.memref_slice %arg3[%dma_start3A_119, %multiple_of3A_107] : memref<32x1000000xf32, #tpu.memory_space<hbm>> -> memref<32x128xf32, #tpu.memory_space<hbm>>
    tpu.enqueue_dma source(%dma_start3A_120 : memref<32x128xf32, #tpu.memory_space<hbm>>) target(%dma_start3A_118 : memref<32x128xf32, #tpu.memory_space<vmem>>) target_semaphore(%arg8 : memref<!tpu.dma_semaphore, #tpu.memory_space<semaphore_mem>>)
    %slice3A_121 = vector.extract_strided_slice %get3A_6 {offsets = [3], sizes = [1], strides = [1]} : vector<16xi32> to vector<1xi32>
    %squeeze3A_122 = vector.extract %slice3A_121[0] : i32 from vector<1xi32>
    %jit3A_123 = arith.constant 128 : i32
    %div3A_124 = arith.divsi %squeeze3A_122, %jit3A_123 : i32
    %sign3A_125 = arith.constant 0 : i32
    %sign3A_126 = arith.cmpi sgt, %squeeze3A_122, %sign3A_125 : i32
    %sign3A_127 = arith.extui %sign3A_126 : i1 to i32
    %sign3A_128 = arith.constant 0 : i32
    %sign3A_129 = arith.cmpi slt, %squeeze3A_122, %sign3A_128 : i32
    %sign3A_130 = arith.extui %sign3A_129 : i1 to i32
    %sign3A_131 = arith.subi %sign3A_127, %sign3A_130 : i32
    %sign3A_132 = arith.constant 0 : i32
    %sign3A_133 = arith.cmpi sgt, %jit3A_123, %sign3A_132 : i32
    %sign3A_134 = arith.extui %sign3A_133 : i1 to i32
    %sign3A_135 = arith.constant 0 : i32
    %sign3A_136 = arith.cmpi slt, %jit3A_123, %sign3A_135 : i32
    %sign3A_137 = arith.extui %sign3A_136 : i1 to i32
    %sign3A_138 = arith.subi %sign3A_134, %sign3A_137 : i32
    %ne3A_139 = arith.cmpi ne, %sign3A_131, %sign3A_138 : i32
    %rem3A_140 = arith.remsi %squeeze3A_122, %jit3A_123 : i32
    %ne3A_141 = arith.constant 0 : i32
    %ne3A_142 = arith.cmpi ne, %rem3A_140, %ne3A_141 : i32
    %and3A_143 = arith.andi %ne3A_139, %ne3A_142 : i1
    %sub3A_144 = arith.constant 1 : i32
    %sub3A_145 = arith.subi %div3A_124, %sub3A_144 : i32
    %select_n3A_146 = arith.select %and3A_143, %sub3A_145, %div3A_124 : i32
    %mul3A_147 = arith.constant 128 : i32
    %mul3A_148 = arith.muli %select_n3A_146, %mul3A_147 : i32
    %multiple_of3A_149 = tpu.assume_multiple %mul3A_148, 128 : i32
    %dma_start3A_150 = arith.constant 3 : i32
    %dma_start3A_151 = arith.constant 0 : i32
    %dma_start3A_152 = arith.constant 0 : i32
    %dma_start3A_153 = tpu.memref_slice %arg6[%dma_start3A_150, %dma_start3A_151, %dma_start3A_152] : memref<16x32x128xf32, #tpu.memory_space<vmem>> -> memref<1x32x128xf32, #tpu.memory_space<vmem>>
    %dma_start3A_154 = tpu.memref_squeeze %dma_start3A_153 : memref<1x32x128xf32, #tpu.memory_space<vmem>> -> memref<32x128xf32, #tpu.memory_space<vmem>>
    %dma_start3A_155 = arith.constant 0 : i32
    %dma_start3A_156 = tpu.memref_slice %arg3[%dma_start3A_155, %multiple_of3A_149] : memref<32x1000000xf32, #tpu.memory_space<hbm>> -> memref<32x128xf32, #tpu.memory_space<hbm>>
    %dma_start3A_157 = arith.constant 0 : i32
    %dma_start3A_158 = arith.constant 0 : i32
    %dma_start3A_159 = tpu.memref_slice %arg6[%dma_start3A_150, %dma_start3A_157, %dma_start3A_158] : memref<16x32x128xf32, #tpu.memory_space<vmem>> -> memref<1x32x128xf32, #tpu.memory_space<vmem>>
    %dma_start3A_160 = tpu.memref_squeeze %dma_start3A_159 : memref<1x32x128xf32, #tpu.memory_space<vmem>> -> memref<32x128xf32, #tpu.memory_space<vmem>>
    %dma_start3A_161 = arith.constant 0 : i32
    %dma_start3A_162 = tpu.memref_slice %arg3[%dma_start3A_161, %multiple_of3A_149] : memref<32x1000000xf32, #tpu.memory_space<hbm>> -> memref<32x128xf32, #tpu.memory_space<hbm>>
    tpu.enqueue_dma source(%dma_start3A_162 : memref<32x128xf32, #tpu.memory_space<hbm>>) target(%dma_start3A_160 : memref<32x128xf32, #tpu.memory_space<vmem>>) target_semaphore(%arg8 : memref<!tpu.dma_semaphore, #tpu.memory_space<semaphore_mem>>)
    %slice3A_163 = vector.extract_strided_slice %get3A_6 {offsets = [4], sizes = [1], strides = [1]} : vector<16xi32> to vector<1xi32>
    %squeeze3A_164 = vector.extract %slice3A_163[0] : i32 from vector<1xi32>
    %jit3A_165 = arith.constant 128 : i32
    %div3A_166 = arith.divsi %squeeze3A_164, %jit3A_165 : i32
    %sign3A_167 = arith.constant 0 : i32
    %sign3A_168 = arith.cmpi sgt, %squeeze3A_164, %sign3A_167 : i32
    %sign3A_169 = arith.extui %sign3A_168 : i1 to i32
    %sign3A_170 = arith.constant 0 : i32
    %sign3A_171 = arith.cmpi slt, %squeeze3A_164, %sign3A_170 : i32
    %sign3A_172 = arith.extui %sign3A_171 : i1 to i32
    %sign3A_173 = arith.subi %sign3A_169, %sign3A_172 : i32
    %sign3A_174 = arith.constant 0 : i32
    %sign3A_175 = arith.cmpi sgt, %jit3A_165, %sign3A_174 : i32
    %sign3A_176 = arith.extui %sign3A_175 : i1 to i32
    %sign3A_177 = arith.constant 0 : i32
    %sign3A_178 = arith.cmpi slt, %jit3A_165, %sign3A_177 : i32
    %sign3A_179 = arith.extui %sign3A_178 : i1 to i32
    %sign3A_180 = arith.subi %sign3A_176, %sign3A_179 : i32
    %ne3A_181 = arith.cmpi ne, %sign3A_173, %sign3A_180 : i32
    %rem3A_182 = arith.remsi %squeeze3A_164, %jit3A_165 : i32
    %ne3A_183 = arith.constant 0 : i32
    %ne3A_184 = arith.cmpi ne, %rem3A_182, %ne3A_183 : i32
    %and3A_185 = arith.andi %ne3A_181, %ne3A_184 : i1
    %sub3A_186 = arith.constant 1 : i32
    %sub3A_187 = arith.subi %div3A_166, %sub3A_186 : i32
    %select_n3A_188 = arith.select %and3A_185, %sub3A_187, %div3A_166 : i32
    %mul3A_189 = arith.constant 128 : i32
    %mul3A_190 = arith.muli %select_n3A_188, %mul3A_189 : i32
    %multiple_of3A_191 = tpu.assume_multiple %mul3A_190, 128 : i32
    %dma_start3A_192 = arith.constant 4 : i32
    %dma_start3A_193 = arith.constant 0 : i32
    %dma_start3A_194 = arith.constant 0 : i32
    %dma_start3A_195 = tpu.memref_slice %arg6[%dma_start3A_192, %dma_start3A_193, %dma_start3A_194] : memref<16x32x128xf32, #tpu.memory_space<vmem>> -> memref<1x32x128xf32, #tpu.memory_space<vmem>>
    %dma_start3A_196 = tpu.memref_squeeze %dma_start3A_195 : memref<1x32x128xf32, #tpu.memory_space<vmem>> -> memref<32x128xf32, #tpu.memory_space<vmem>>
    %dma_start3A_197 = arith.constant 0 : i32
    %dma_start3A_198 = tpu.memref_slice %arg3[%dma_start3A_197, %multiple_of3A_191] : memref<32x1000000xf32, #tpu.memory_space<hbm>> -> memref<32x128xf32, #tpu.memory_space<hbm>>
    %dma_start3A_199 = arith.constant 0 : i32
    %dma_start3A_200 = arith.constant 0 : i32
    %dma_start3A_201 = tpu.memref_slice %arg6[%dma_start3A_192, %dma_start3A_199, %dma_start3A_200] : memref<16x32x128xf32, #tpu.memory_space<vmem>> -> memref<1x32x128xf32, #tpu.memory_space<vmem>>
    %dma_start3A_202 = tpu.memref_squeeze %dma_start3A_201 : memref<1x32x128xf32, #tpu.memory_space<vmem>> -> memref<32x128xf32, #tpu.memory_space<vmem>>
    %dma_start3A_203 = arith.constant 0 : i32
    %dma_start3A_204 = tpu.memref_slice %arg3[%dma_start3A_203, %multiple_of3A_191] : memref<32x1000000xf32, #tpu.memory_space<hbm>> -> memref<32x128xf32, #tpu.memory_space<hbm>>
    tpu.enqueue_dma source(%dma_start3A_204 : memref<32x128xf32, #tpu.memory_space<hbm>>) target(%dma_start3A_202 : memref<32x128xf32, #tpu.memory_space<vmem>>) target_semaphore(%arg8 : memref<!tpu.dma_semaphore, #tpu.memory_space<semaphore_mem>>)
    %slice3A_205 = vector.extract_strided_slice %get3A_6 {offsets = [5], sizes = [1], strides = [1]} : vector<16xi32> to vector<1xi32>
    %squeeze3A_206 = vector.extract %slice3A_205[0] : i32 from vector<1xi32>
    %jit3A_207 = arith.constant 128 : i32
    %div3A_208 = arith.divsi %squeeze3A_206, %jit3A_207 : i32
    %sign3A_209 = arith.constant 0 : i32
    %sign3A_210 = arith.cmpi sgt, %squeeze3A_206, %sign3A_209 : i32
    %sign3A_211 = arith.extui %sign3A_210 : i1 to i32
    %sign3A_212 = arith.constant 0 : i32
    %sign3A_213 = arith.cmpi slt, %squeeze3A_206, %sign3A_212 : i32
    %sign3A_214 = arith.extui %sign3A_213 : i1 to i32
    %sign3A_215 = arith.subi %sign3A_211, %sign3A_214 : i32
    %sign3A_216 = arith.constant 0 : i32
    %sign3A_217 = arith.cmpi sgt, %jit3A_207, %sign3A_216 : i32
    %sign3A_218 = arith.extui %sign3A_217 : i1 to i32
    %sign3A_219 = arith.constant 0 : i32
    %sign3A_220 = arith.cmpi slt, %jit3A_207, %sign3A_219 : i32
    %sign3A_221 = arith.extui %sign3A_220 : i1 to i32
    %sign3A_222 = arith.subi %sign3A_218, %sign3A_221 : i32
    %ne3A_223 = arith.cmpi ne, %sign3A_215, %sign3A_222 : i32
    %rem3A_224 = arith.remsi %squeeze3A_206, %jit3A_207 : i32
    %ne3A_225 = arith.constant 0 : i32
    %ne3A_226 = arith.cmpi ne, %rem3A_224, %ne3A_225 : i32
    %and3A_227 = arith.andi %ne3A_223, %ne3A_226 : i1
    %sub3A_228 = arith.constant 1 : i32
    %sub3A_229 = arith.subi %div3A_208, %sub3A_228 : i32
    %select_n3A_230 = arith.select %and3A_227, %sub3A_229, %div3A_208 : i32
    %mul3A_231 = arith.constant 128 : i32
    %mul3A_232 = arith.muli %select_n3A_230, %mul3A_231 : i32
    %multiple_of3A_233 = tpu.assume_multiple %mul3A_232, 128 : i32
    %dma_start3A_234 = arith.constant 5 : i32
    %dma_start3A_235 = arith.constant 0 : i32
    %dma_start3A_236 = arith.constant 0 : i32
    %dma_start3A_237 = tpu.memref_slice %arg6[%dma_start3A_234, %dma_start3A_235, %dma_start3A_236] : memref<16x32x128xf32, #tpu.memory_space<vmem>> -> memref<1x32x128xf32, #tpu.memory_space<vmem>>
    %dma_start3A_238 = tpu.memref_squeeze %dma_start3A_237 : memref<1x32x128xf32, #tpu.memory_space<vmem>> -> memref<32x128xf32, #tpu.memory_space<vmem>>
    %dma_start3A_239 = arith.constant 0 : i32
    %dma_start3A_240 = tpu.memref_slice %arg3[%dma_start3A_239, %multiple_of3A_233] : memref<32x1000000xf32, #tpu.memory_space<hbm>> -> memref<32x128xf32, #tpu.memory_space<hbm>>
    %dma_start3A_241 = arith.constant 0 : i32
    %dma_start3A_242 = arith.constant 0 : i32
    %dma_start3A_243 = tpu.memref_slice %arg6[%dma_start3A_234, %dma_start3A_241, %dma_start3A_242] : memref<16x32x128xf32, #tpu.memory_space<vmem>> -> memref<1x32x128xf32, #tpu.memory_space<vmem>>
    %dma_start3A_244 = tpu.memref_squeeze %dma_start3A_243 : memref<1x32x128xf32, #tpu.memory_space<vmem>> -> memref<32x128xf32, #tpu.memory_space<vmem>>
    %dma_start3A_245 = arith.constant 0 : i32
    %dma_start3A_246 = tpu.memref_slice %arg3[%dma_start3A_245, %multiple_of3A_233] : memref<32x1000000xf32, #tpu.memory_space<hbm>> -> memref<32x128xf32, #tpu.memory_space<hbm>>
    tpu.enqueue_dma source(%dma_start3A_246 : memref<32x128xf32, #tpu.memory_space<hbm>>) target(%dma_start3A_244 : memref<32x128xf32, #tpu.memory_space<vmem>>) target_semaphore(%arg8 : memref<!tpu.dma_semaphore, #tpu.memory_space<semaphore_mem>>)
    %slice3A_247 = vector.extract_strided_slice %get3A_6 {offsets = [6], sizes = [1], strides = [1]} : vector<16xi32> to vector<1xi32>
    %squeeze3A_248 = vector.extract %slice3A_247[0] : i32 from vector<1xi32>
    %jit3A_249 = arith.constant 128 : i32
    %div3A_250 = arith.divsi %squeeze3A_248, %jit3A_249 : i32
    %sign3A_251 = arith.constant 0 : i32
    %sign3A_252 = arith.cmpi sgt, %squeeze3A_248, %sign3A_251 : i32
    %sign3A_253 = arith.extui %sign3A_252 : i1 to i32
    %sign3A_254 = arith.constant 0 : i32
    %sign3A_255 = arith.cmpi slt, %squeeze3A_248, %sign3A_254 : i32
    %sign3A_256 = arith.extui %sign3A_255 : i1 to i32
    %sign3A_257 = arith.subi %sign3A_253, %sign3A_256 : i32
    %sign3A_258 = arith.constant 0 : i32
    %sign3A_259 = arith.cmpi sgt, %jit3A_249, %sign3A_258 : i32
    %sign3A_260 = arith.extui %sign3A_259 : i1 to i32
    %sign3A_261 = arith.constant 0 : i32
    %sign3A_262 = arith.cmpi slt, %jit3A_249, %sign3A_261 : i32
    %sign3A_263 = arith.extui %sign3A_262 : i1 to i32
    %sign3A_264 = arith.subi %sign3A_260, %sign3A_263 : i32
    %ne3A_265 = arith.cmpi ne, %sign3A_257, %sign3A_264 : i32
    %rem3A_266 = arith.remsi %squeeze3A_248, %jit3A_249 : i32
    %ne3A_267 = arith.constant 0 : i32
    %ne3A_268 = arith.cmpi ne, %rem3A_266, %ne3A_267 : i32
    %and3A_269 = arith.andi %ne3A_265, %ne3A_268 : i1
    %sub3A_270 = arith.constant 1 : i32
    %sub3A_271 = arith.subi %div3A_250, %sub3A_270 : i32
    %select_n3A_272 = arith.select %and3A_269, %sub3A_271, %div3A_250 : i32
    %mul3A_273 = arith.constant 128 : i32
    %mul3A_274 = arith.muli %select_n3A_272, %mul3A_273 : i32
    %multiple_of3A_275 = tpu.assume_multiple %mul3A_274, 128 : i32
    %dma_start3A_276 = arith.constant 6 : i32
    %dma_start3A_277 = arith.constant 0 : i32
    %dma_start3A_278 = arith.constant 0 : i32
    %dma_start3A_279 = tpu.memref_slice %arg6[%dma_start3A_276, %dma_start3A_277, %dma_start3A_278] : memref<16x32x128xf32, #tpu.memory_space<vmem>> -> memref<1x32x128xf32, #tpu.memory_space<vmem>>
    %dma_start3A_280 = tpu.memref_squeeze %dma_start3A_279 : memref<1x32x128xf32, #tpu.memory_space<vmem>> -> memref<32x128xf32, #tpu.memory_space<vmem>>
    %dma_start3A_281 = arith.constant 0 : i32
    %dma_start3A_282 = tpu.memref_slice %arg3[%dma_start3A_281, %multiple_of3A_275] : memref<32x1000000xf32, #tpu.memory_space<hbm>> -> memref<32x128xf32, #tpu.memory_space<hbm>>
    %dma_start3A_283 = arith.constant 0 : i32
    %dma_start3A_284 = arith.constant 0 : i32
    %dma_start3A_285 = tpu.memref_slice %arg6[%dma_start3A_276, %dma_start3A_283, %dma_start3A_284] : memref<16x32x128xf32, #tpu.memory_space<vmem>> -> memref<1x32x128xf32, #tpu.memory_space<vmem>>
    %dma_start3A_286 = tpu.memref_squeeze %dma_start3A_285 : memref<1x32x128xf32, #tpu.memory_space<vmem>> -> memref<32x128xf32, #tpu.memory_space<vmem>>
    %dma_start3A_287 = arith.constant 0 : i32
    %dma_start3A_288 = tpu.memref_slice %arg3[%dma_start3A_287, %multiple_of3A_275] : memref<32x1000000xf32, #tpu.memory_space<hbm>> -> memref<32x128xf32, #tpu.memory_space<hbm>>
    tpu.enqueue_dma source(%dma_start3A_288 : memref<32x128xf32, #tpu.memory_space<hbm>>) target(%dma_start3A_286 : memref<32x128xf32, #tpu.memory_space<vmem>>) target_semaphore(%arg8 : memref<!tpu.dma_semaphore, #tpu.memory_space<semaphore_mem>>)
    %slice3A_289 = vector.extract_strided_slice %get3A_6 {offsets = [7], sizes = [1], strides = [1]} : vector<16xi32> to vector<1xi32>
    %squeeze3A_290 = vector.extract %slice3A_289[0] : i32 from vector<1xi32>
    %jit3A_291 = arith.constant 128 : i32
    %div3A_292 = arith.divsi %squeeze3A_290, %jit3A_291 : i32
    %sign3A_293 = arith.constant 0 : i32
    %sign3A_294 = arith.cmpi sgt, %squeeze3A_290, %sign3A_293 : i32
    %sign3A_295 = arith.extui %sign3A_294 : i1 to i32
    %sign3A_296 = arith.constant 0 : i32
    %sign3A_297 = arith.cmpi slt, %squeeze3A_290, %sign3A_296 : i32
    %sign3A_298 = arith.extui %sign3A_297 : i1 to i32
    %sign3A_299 = arith.subi %sign3A_295, %sign3A_298 : i32
    %sign3A_300 = arith.constant 0 : i32
    %sign3A_301 = arith.cmpi sgt, %jit3A_291, %sign3A_300 : i32
    %sign3A_302 = arith.extui %sign3A_301 : i1 to i32
    %sign3A_303 = arith.constant 0 : i32
    %sign3A_304 = arith.cmpi slt, %jit3A_291, %sign3A_303 : i32
    %sign3A_305 = arith.extui %sign3A_304 : i1 to i32
    %sign3A_306 = arith.subi %sign3A_302, %sign3A_305 : i32
    %ne3A_307 = arith.cmpi ne, %sign3A_299, %sign3A_306 : i32
    %rem3A_308 = arith.remsi %squeeze3A_290, %jit3A_291 : i32
    %ne3A_309 = arith.constant 0 : i32
    %ne3A_310 = arith.cmpi ne, %rem3A_308, %ne3A_309 : i32
    %and3A_311 = arith.andi %ne3A_307, %ne3A_310 : i1
    %sub3A_312 = arith.constant 1 : i32
    %sub3A_313 = arith.subi %div3A_292, %sub3A_312 : i32
    %select_n3A_314 = arith.select %and3A_311, %sub3A_313, %div3A_292 : i32
    %mul3A_315 = arith.constant 128 : i32
    %mul3A_316 = arith.muli %select_n3A_314, %mul3A_315 : i32
    %multiple_of3A_317 = tpu.assume_multiple %mul3A_316, 128 : i32
    %dma_start3A_318 = arith.constant 7 : i32
    %dma_start3A_319 = arith.constant 0 : i32
    %dma_start3A_320 = arith.constant 0 : i32
    %dma_start3A_321 = tpu.memref_slice %arg6[%dma_start3A_318, %dma_start3A_319, %dma_start3A_320] : memref<16x32x128xf32, #tpu.memory_space<vmem>> -> memref<1x32x128xf32, #tpu.memory_space<vmem>>
    %dma_start3A_322 = tpu.memref_squeeze %dma_start3A_321 : memref<1x32x128xf32, #tpu.memory_space<vmem>> -> memref<32x128xf32, #tpu.memory_space<vmem>>
    %dma_start3A_323 = arith.constant 0 : i32
    %dma_start3A_324 = tpu.memref_slice %arg3[%dma_start3A_323, %multiple_of3A_317] : memref<32x1000000xf32, #tpu.memory_space<hbm>> -> memref<32x128xf32, #tpu.memory_space<hbm>>
    %dma_start3A_325 = arith.constant 0 : i32
    %dma_start3A_326 = arith.constant 0 : i32
    %dma_start3A_327 = tpu.memref_slice %arg6[%dma_start3A_318, %dma_start3A_325, %dma_start3A_326] : memref<16x32x128xf32, #tpu.memory_space<vmem>> -> memref<1x32x128xf32, #tpu.memory_space<vmem>>
    %dma_start3A_328 = tpu.memref_squeeze %dma_start3A_327 : memref<1x32x128xf32, #tpu.memory_space<vmem>> -> memref<32x128xf32, #tpu.memory_space<vmem>>
    %dma_start3A_329 = arith.constant 0 : i32
    %dma_start3A_330 = tpu.memref_slice %arg3[%dma_start3A_329, %multiple_of3A_317] : memref<32x1000000xf32, #tpu.memory_space<hbm>> -> memref<32x128xf32, #tpu.memory_space<hbm>>
    tpu.enqueue_dma source(%dma_start3A_330 : memref<32x128xf32, #tpu.memory_space<hbm>>) target(%dma_start3A_328 : memref<32x128xf32, #tpu.memory_space<vmem>>) target_semaphore(%arg8 : memref<!tpu.dma_semaphore, #tpu.memory_space<semaphore_mem>>)
    %scan3A = arith.constant 0 : i32
    %scan3A_331 = arith.constant 0 : i32
    %scan3A_332 = arith.constant 32 : i32
    %scan3A_333 = arith.addi %scan3A_331, %scan3A_332 : i32
    %scan3A_334 = arith.constant 1 : i32
    scf.for %scan3A_337 = %scan3A_331 to %scan3A_333 step %scan3A_334  : i32 {
      %mul3A_338 = arith.constant 2 : i32
      %mul3A_339 = arith.muli %scan3A_337, %mul3A_338 : i32
      %mul3A_340 = arith.constant 8 : i32
      %mul3A_341 = arith.muli %mul3A_339, %mul3A_340 : i32
      %add3A_342 = arith.addi %mul3A_2, %mul3A_341 : i32
      %get3A_343 = arith.index_cast %add3A_342 : i32 to index
      %get3A_344 = tpu.vector_load %arg5[%get3A_343] {strides = array<i32>} : memref<16384xi32, #tpu.memory_space<vmem>>, vector<16xi32>,
      %slice3A_345 = vector.extract_strided_slice %get3A_344 {offsets = [8], sizes = [1], strides = [1]} : vector<16xi32> to vector<1xi32>
      %squeeze3A_346 = vector.extract %slice3A_345[0] : i32 from vector<1xi32>
      %jit3A_347 = arith.constant 128 : i32
      %div3A_348 = arith.divsi %squeeze3A_346, %jit3A_347 : i32
      %sign3A_349 = arith.constant 0 : i32
      %sign3A_350 = arith.cmpi sgt, %squeeze3A_346, %sign3A_349 : i32
      %sign3A_351 = arith.extui %sign3A_350 : i1 to i32
      %sign3A_352 = arith.constant 0 : i32
      %sign3A_353 = arith.cmpi slt, %squeeze3A_346, %sign3A_352 : i32
      %sign3A_354 = arith.extui %sign3A_353 : i1 to i32
      %sign3A_355 = arith.subi %sign3A_351, %sign3A_354 : i32
      %sign3A_356 = arith.constant 0 : i32
      %sign3A_357 = arith.cmpi sgt, %jit3A_347, %sign3A_356 : i32
      %sign3A_358 = arith.extui %sign3A_357 : i1 to i32
      %sign3A_359 = arith.constant 0 : i32
      %sign3A_360 = arith.cmpi slt, %jit3A_347, %sign3A_359 : i32
      %sign3A_361 = arith.extui %sign3A_360 : i1 to i32
      %sign3A_362 = arith.subi %sign3A_358, %sign3A_361 : i32
      %ne3A_363 = arith.cmpi ne, %sign3A_355, %sign3A_362 : i32
      %rem3A_364 = arith.remsi %squeeze3A_346, %jit3A_347 : i32
      %ne3A_365 = arith.constant 0 : i32
      %ne3A_366 = arith.cmpi ne, %rem3A_364, %ne3A_365 : i32
      %and3A_367 = arith.andi %ne3A_363, %ne3A_366 : i1
      %sub3A_368 = arith.constant 1 : i32
      %sub3A_369 = arith.subi %div3A_348, %sub3A_368 : i32
      %select_n3A_370 = arith.select %and3A_367, %sub3A_369, %div3A_348 : i32
      %mul3A_371 = arith.constant 128 : i32
      %mul3A_372 = arith.muli %select_n3A_370, %mul3A_371 : i32
      %multiple_of3A_373 = tpu.assume_multiple %mul3A_372, 128 : i32
      %dma_start3A_374 = arith.constant 8 : i32
      %dma_start3A_375 = arith.constant 0 : i32
      %dma_start3A_376 = arith.constant 0 : i32
      %dma_start3A_377 = tpu.memref_slice %arg6[%dma_start3A_374, %dma_start3A_375, %dma_start3A_376] : memref<16x32x128xf32, #tpu.memory_space<vmem>> -> memref<1x32x128xf32, #tpu.memory_space<vmem>>
      %dma_start3A_378 = tpu.memref_squeeze %dma_start3A_377 : memref<1x32x128xf32, #tpu.memory_space<vmem>> -> memref<32x128xf32, #tpu.memory_space<vmem>>
      %dma_start3A_379 = arith.constant 0 : i32
      %dma_start3A_380 = tpu.memref_slice %arg3[%dma_start3A_379, %multiple_of3A_373] : memref<32x1000000xf32, #tpu.memory_space<hbm>> -> memref<32x128xf32, #tpu.memory_space<hbm>>
      %dma_start3A_381 = arith.constant 0 : i32
      %dma_start3A_382 = arith.constant 0 : i32
      %dma_start3A_383 = tpu.memref_slice %arg6[%dma_start3A_374, %dma_start3A_381, %dma_start3A_382] : memref<16x32x128xf32, #tpu.memory_space<vmem>> -> memref<1x32x128xf32, #tpu.memory_space<vmem>>
      %dma_start3A_384 = tpu.memref_squeeze %dma_start3A_383 : memref<1x32x128xf32, #tpu.memory_space<vmem>> -> memref<32x128xf32, #tpu.memory_space<vmem>>
      %dma_start3A_385 = arith.constant 0 : i32
      %dma_start3A_386 = tpu.memref_slice %arg3[%dma_start3A_385, %multiple_of3A_373] : memref<32x1000000xf32, #tpu.memory_space<hbm>> -> memref<32x128xf32, #tpu.memory_space<hbm>>
      tpu.enqueue_dma source(%dma_start3A_386 : memref<32x128xf32, #tpu.memory_space<hbm>>) target(%dma_start3A_384 : memref<32x128xf32, #tpu.memory_space<vmem>>) target_semaphore(%arg9 : memref<!tpu.dma_semaphore, #tpu.memory_space<semaphore_mem>>)
      %slice3A_387 = vector.extract_strided_slice %get3A_344 {offsets = [9], sizes = [1], strides = [1]} : vector<16xi32> to vector<1xi32>
      %squeeze3A_388 = vector.extract %slice3A_387[0] : i32 from vector<1xi32>
      %jit3A_389 = arith.constant 128 : i32
      %div3A_390 = arith.divsi %squeeze3A_388, %jit3A_389 : i32
      %sign3A_391 = arith.constant 0 : i32
      %sign3A_392 = arith.cmpi sgt, %squeeze3A_388, %sign3A_391 : i32
      %sign3A_393 = arith.extui %sign3A_392 : i1 to i32
      %sign3A_394 = arith.constant 0 : i32
      %sign3A_395 = arith.cmpi slt, %squeeze3A_388, %sign3A_394 : i32
      %sign3A_396 = arith.extui %sign3A_395 : i1 to i32
      %sign3A_397 = arith.subi %sign3A_393, %sign3A_396 : i32
      %sign3A_398 = arith.constant 0 : i32
      %sign3A_399 = arith.cmpi sgt, %jit3A_389, %sign3A_398 : i32
      %sign3A_400 = arith.extui %sign3A_399 : i1 to i32
      %sign3A_401 = arith.constant 0 : i32
      %sign3A_402 = arith.cmpi slt, %jit3A_389, %sign3A_401 : i32
      %sign3A_403 = arith.extui %sign3A_402 : i1 to i32
      %sign3A_404 = arith.subi %sign3A_400, %sign3A_403 : i32
      %ne3A_405 = arith.cmpi ne, %sign3A_397, %sign3A_404 : i32
      %rem3A_406 = arith.remsi %squeeze3A_388, %jit3A_389 : i32
      %ne3A_407 = arith.constant 0 : i32
      %ne3A_408 = arith.cmpi ne, %rem3A_406, %ne3A_407 : i32
      %and3A_409 = arith.andi %ne3A_405, %ne3A_408 : i1
      %sub3A_410 = arith.constant 1 : i32
      %sub3A_411 = arith.subi %div3A_390, %sub3A_410 : i32
      %select_n3A_412 = arith.select %and3A_409, %sub3A_411, %div3A_390 : i32
      %mul3A_413 = arith.constant 128 : i32
      %mul3A_414 = arith.muli %select_n3A_412, %mul3A_413 : i32
      %multiple_of3A_415 = tpu.assume_multiple %mul3A_414, 128 : i32
      %dma_start3A_416 = arith.constant 9 : i32
      %dma_start3A_417 = arith.constant 0 : i32
      %dma_start3A_418 = arith.constant 0 : i32
      %dma_start3A_419 = tpu.memref_slice %arg6[%dma_start3A_416, %dma_start3A_417, %dma_start3A_418] : memref<16x32x128xf32, #tpu.memory_space<vmem>> -> memref<1x32x128xf32, #tpu.memory_space<vmem>>
      %dma_start3A_420 = tpu.memref_squeeze %dma_start3A_419 : memref<1x32x128xf32, #tpu.memory_space<vmem>> -> memref<32x128xf32, #tpu.memory_space<vmem>>
      %dma_start3A_421 = arith.constant 0 : i32
      %dma_start3A_422 = tpu.memref_slice %arg3[%dma_start3A_421, %multiple_of3A_415] : memref<32x1000000xf32, #tpu.memory_space<hbm>> -> memref<32x128xf32, #tpu.memory_space<hbm>>
      %dma_start3A_423 = arith.constant 0 : i32
      %dma_start3A_424 = arith.constant 0 : i32
      %dma_start3A_425 = tpu.memref_slice %arg6[%dma_start3A_416, %dma_start3A_423, %dma_start3A_424] : memref<16x32x128xf32, #tpu.memory_space<vmem>> -> memref<1x32x128xf32, #tpu.memory_space<vmem>>
      %dma_start3A_426 = tpu.memref_squeeze %dma_start3A_425 : memref<1x32x128xf32, #tpu.memory_space<vmem>> -> memref<32x128xf32, #tpu.memory_space<vmem>>
      %dma_start3A_427 = arith.constant 0 : i32
      %dma_start3A_428 = tpu.memref_slice %arg3[%dma_start3A_427, %multiple_of3A_415] : memref<32x1000000xf32, #tpu.memory_space<hbm>> -> memref<32x128xf32, #tpu.memory_space<hbm>>
      tpu.enqueue_dma source(%dma_start3A_428 : memref<32x128xf32, #tpu.memory_space<hbm>>) target(%dma_start3A_426 : memref<32x128xf32, #tpu.memory_space<vmem>>) target_semaphore(%arg9 : memref<!tpu.dma_semaphore, #tpu.memory_space<semaphore_mem>>)
      %slice3A_429 = vector.extract_strided_slice %get3A_344 {offsets = [10], sizes = [1], strides = [1]} : vector<16xi32> to vector<1xi32>
      %squeeze3A_430 = vector.extract %slice3A_429[0] : i32 from vector<1xi32>
      %jit3A_431 = arith.constant 128 : i32
      %div3A_432 = arith.divsi %squeeze3A_430, %jit3A_431 : i32
      %sign3A_433 = arith.constant 0 : i32
      %sign3A_434 = arith.cmpi sgt, %squeeze3A_430, %sign3A_433 : i32
      %sign3A_435 = arith.extui %sign3A_434 : i1 to i32
      %sign3A_436 = arith.constant 0 : i32
      %sign3A_437 = arith.cmpi slt, %squeeze3A_430, %sign3A_436 : i32
      %sign3A_438 = arith.extui %sign3A_437 : i1 to i32
      %sign3A_439 = arith.subi %sign3A_435, %sign3A_438 : i32
      %sign3A_440 = arith.constant 0 : i32
      %sign3A_441 = arith.cmpi sgt, %jit3A_431, %sign3A_440 : i32
      %sign3A_442 = arith.extui %sign3A_441 : i1 to i32
      %sign3A_443 = arith.constant 0 : i32
      %sign3A_444 = arith.cmpi slt, %jit3A_431, %sign3A_443 : i32
      %sign3A_445 = arith.extui %sign3A_444 : i1 to i32
      %sign3A_446 = arith.subi %sign3A_442, %sign3A_445 : i32
      %ne3A_447 = arith.cmpi ne, %sign3A_439, %sign3A_446 : i32
      %rem3A_448 = arith.remsi %squeeze3A_430, %jit3A_431 : i32
      %ne3A_449 = arith.constant 0 : i32
      %ne3A_450 = arith.cmpi ne, %rem3A_448, %ne3A_449 : i32
      %and3A_451 = arith.andi %ne3A_447, %ne3A_450 : i1
      %sub3A_452 = arith.constant 1 : i32
      %sub3A_453 = arith.subi %div3A_432, %sub3A_452 : i32
      %select_n3A_454 = arith.select %and3A_451, %sub3A_453, %div3A_432 : i32
      %mul3A_455 = arith.constant 128 : i32
      %mul3A_456 = arith.muli %select_n3A_454, %mul3A_455 : i32
      %multiple_of3A_457 = tpu.assume_multiple %mul3A_456, 128 : i32
      %dma_start3A_458 = arith.constant 10 : i32
      %dma_start3A_459 = arith.constant 0 : i32
      %dma_start3A_460 = arith.constant 0 : i32
      %dma_start3A_461 = tpu.memref_slice %arg6[%dma_start3A_458, %dma_start3A_459, %dma_start3A_460] : memref<16x32x128xf32, #tpu.memory_space<vmem>> -> memref<1x32x128xf32, #tpu.memory_space<vmem>>
      %dma_start3A_462 = tpu.memref_squeeze %dma_start3A_461 : memref<1x32x128xf32, #tpu.memory_space<vmem>> -> memref<32x128xf32, #tpu.memory_space<vmem>>
      %dma_start3A_463 = arith.constant 0 : i32
      %dma_start3A_464 = tpu.memref_slice %arg3[%dma_start3A_463, %multiple_of3A_457] : memref<32x1000000xf32, #tpu.memory_space<hbm>> -> memref<32x128xf32, #tpu.memory_space<hbm>>
      %dma_start3A_465 = arith.constant 0 : i32
      %dma_start3A_466 = arith.constant 0 : i32
      %dma_start3A_467 = tpu.memref_slice %arg6[%dma_start3A_458, %dma_start3A_465, %dma_start3A_466] : memref<16x32x128xf32, #tpu.memory_space<vmem>> -> memref<1x32x128xf32, #tpu.memory_space<vmem>>
      %dma_start3A_468 = tpu.memref_squeeze %dma_start3A_467 : memref<1x32x128xf32, #tpu.memory_space<vmem>> -> memref<32x128xf32, #tpu.memory_space<vmem>>
      %dma_start3A_469 = arith.constant 0 : i32
      %dma_start3A_470 = tpu.memref_slice %arg3[%dma_start3A_469, %multiple_of3A_457] : memref<32x1000000xf32, #tpu.memory_space<hbm>> -> memref<32x128xf32, #tpu.memory_space<hbm>>
      tpu.enqueue_dma source(%dma_start3A_470 : memref<32x128xf32, #tpu.memory_space<hbm>>) target(%dma_start3A_468 : memref<32x128xf32, #tpu.memory_space<vmem>>) target_semaphore(%arg9 : memref<!tpu.dma_semaphore, #tpu.memory_space<semaphore_mem>>)
      %slice3A_471 = vector.extract_strided_slice %get3A_344 {offsets = [11], sizes = [1], strides = [1]} : vector<16xi32> to vector<1xi32>
      %squeeze3A_472 = vector.extract %slice3A_471[0] : i32 from vector<1xi32>
      %jit3A_473 = arith.constant 128 : i32
      %div3A_474 = arith.divsi %squeeze3A_472, %jit3A_473 : i32
      %sign3A_475 = arith.constant 0 : i32
      %sign3A_476 = arith.cmpi sgt, %squeeze3A_472, %sign3A_475 : i32
      %sign3A_477 = arith.extui %sign3A_476 : i1 to i32
      %sign3A_478 = arith.constant 0 : i32
      %sign3A_479 = arith.cmpi slt, %squeeze3A_472, %sign3A_478 : i32
      %sign3A_480 = arith.extui %sign3A_479 : i1 to i32
      %sign3A_481 = arith.subi %sign3A_477, %sign3A_480 : i32
      %sign3A_482 = arith.constant 0 : i32
      %sign3A_483 = arith.cmpi sgt, %jit3A_473, %sign3A_482 : i32
      %sign3A_484 = arith.extui %sign3A_483 : i1 to i32
      %sign3A_485 = arith.constant 0 : i32
      %sign3A_486 = arith.cmpi slt, %jit3A_473, %sign3A_485 : i32
      %sign3A_487 = arith.extui %sign3A_486 : i1 to i32
      %sign3A_488 = arith.subi %sign3A_484, %sign3A_487 : i32
      %ne3A_489 = arith.cmpi ne, %sign3A_481, %sign3A_488 : i32
      %rem3A_490 = arith.remsi %squeeze3A_472, %jit3A_473 : i32
      %ne3A_491 = arith.constant 0 : i32
      %ne3A_492 = arith.cmpi ne, %rem3A_490, %ne3A_491 : i32
      %and3A_493 = arith.andi %ne3A_489, %ne3A_492 : i1
      %sub3A_494 = arith.constant 1 : i32
      %sub3A_495 = arith.subi %div3A_474, %sub3A_494 : i32
      %select_n3A_496 = arith.select %and3A_493, %sub3A_495, %div3A_474 : i32
      %mul3A_497 = arith.constant 128 : i32
      %mul3A_498 = arith.muli %select_n3A_496, %mul3A_497 : i32
      %multiple_of3A_499 = tpu.assume_multiple %mul3A_498, 128 : i32
      %dma_start3A_500 = arith.constant 11 : i32
      %dma_start3A_501 = arith.constant 0 : i32
      %dma_start3A_502 = arith.constant 0 : i32
      %dma_start3A_503 = tpu.memref_slice %arg6[%dma_start3A_500, %dma_start3A_501, %dma_start3A_502] : memref<16x32x128xf32, #tpu.memory_space<vmem>> -> memref<1x32x128xf32, #tpu.memory_space<vmem>>
      %dma_start3A_504 = tpu.memref_squeeze %dma_start3A_503 : memref<1x32x128xf32, #tpu.memory_space<vmem>> -> memref<32x128xf32, #tpu.memory_space<vmem>>
      %dma_start3A_505 = arith.constant 0 : i32
      %dma_start3A_506 = tpu.memref_slice %arg3[%dma_start3A_505, %multiple_of3A_499] : memref<32x1000000xf32, #tpu.memory_space<hbm>> -> memref<32x128xf32, #tpu.memory_space<hbm>>
      %dma_start3A_507 = arith.constant 0 : i32
      %dma_start3A_508 = arith.constant 0 : i32
      %dma_start3A_509 = tpu.memref_slice %arg6[%dma_start3A_500, %dma_start3A_507, %dma_start3A_508] : memref<16x32x128xf32, #tpu.memory_space<vmem>> -> memref<1x32x128xf32, #tpu.memory_space<vmem>>
      %dma_start3A_510 = tpu.memref_squeeze %dma_start3A_509 : memref<1x32x128xf32, #tpu.memory_space<vmem>> -> memref<32x128xf32, #tpu.memory_space<vmem>>
      %dma_start3A_511 = arith.constant 0 : i32
      %dma_start3A_512 = tpu.memref_slice %arg3[%dma_start3A_511, %multiple_of3A_499] : memref<32x1000000xf32, #tpu.memory_space<hbm>> -> memref<32x128xf32, #tpu.memory_space<hbm>>
      tpu.enqueue_dma source(%dma_start3A_512 : memref<32x128xf32, #tpu.memory_space<hbm>>) target(%dma_start3A_510 : memref<32x128xf32, #tpu.memory_space<vmem>>) target_semaphore(%arg9 : memref<!tpu.dma_semaphore, #tpu.memory_space<semaphore_mem>>)
      %slice3A_513 = vector.extract_strided_slice %get3A_344 {offsets = [12], sizes = [1], strides = [1]} : vector<16xi32> to vector<1xi32>
      %squeeze3A_514 = vector.extract %slice3A_513[0] : i32 from vector<1xi32>
      %jit3A_515 = arith.constant 128 : i32
      %div3A_516 = arith.divsi %squeeze3A_514, %jit3A_515 : i32
      %sign3A_517 = arith.constant 0 : i32
      %sign3A_518 = arith.cmpi sgt, %squeeze3A_514, %sign3A_517 : i32
      %sign3A_519 = arith.extui %sign3A_518 : i1 to i32
      %sign3A_520 = arith.constant 0 : i32
      %sign3A_521 = arith.cmpi slt, %squeeze3A_514, %sign3A_520 : i32
      %sign3A_522 = arith.extui %sign3A_521 : i1 to i32
      %sign3A_523 = arith.subi %sign3A_519, %sign3A_522 : i32
      %sign3A_524 = arith.constant 0 : i32
      %sign3A_525 = arith.cmpi sgt, %jit3A_515, %sign3A_524 : i32
      %sign3A_526 = arith.extui %sign3A_525 : i1 to i32
      %sign3A_527 = arith.constant 0 : i32
      %sign3A_528 = arith.cmpi slt, %jit3A_515, %sign3A_527 : i32
      %sign3A_529 = arith.extui %sign3A_528 : i1 to i32
      %sign3A_530 = arith.subi %sign3A_526, %sign3A_529 : i32
      %ne3A_531 = arith.cmpi ne, %sign3A_523, %sign3A_530 : i32
      %rem3A_532 = arith.remsi %squeeze3A_514, %jit3A_515 : i32
      %ne3A_533 = arith.constant 0 : i32
      %ne3A_534 = arith.cmpi ne, %rem3A_532, %ne3A_533 : i32
      %and3A_535 = arith.andi %ne3A_531, %ne3A_534 : i1
      %sub3A_536 = arith.constant 1 : i32
      %sub3A_537 = arith.subi %div3A_516, %sub3A_536 : i32
      %select_n3A_538 = arith.select %and3A_535, %sub3A_537, %div3A_516 : i32
      %mul3A_539 = arith.constant 128 : i32
      %mul3A_540 = arith.muli %select_n3A_538, %mul3A_539 : i32
      %multiple_of3A_541 = tpu.assume_multiple %mul3A_540, 128 : i32
      %dma_start3A_542 = arith.constant 12 : i32
      %dma_start3A_543 = arith.constant 0 : i32
      %dma_start3A_544 = arith.constant 0 : i32
      %dma_start3A_545 = tpu.memref_slice %arg6[%dma_start3A_542, %dma_start3A_543, %dma_start3A_544] : memref<16x32x128xf32, #tpu.memory_space<vmem>> -> memref<1x32x128xf32, #tpu.memory_space<vmem>>
      %dma_start3A_546 = tpu.memref_squeeze %dma_start3A_545 : memref<1x32x128xf32, #tpu.memory_space<vmem>> -> memref<32x128xf32, #tpu.memory_space<vmem>>
      %dma_start3A_547 = arith.constant 0 : i32
      %dma_start3A_548 = tpu.memref_slice %arg3[%dma_start3A_547, %multiple_of3A_541] : memref<32x1000000xf32, #tpu.memory_space<hbm>> -> memref<32x128xf32, #tpu.memory_space<hbm>>
      %dma_start3A_549 = arith.constant 0 : i32
      %dma_start3A_550 = arith.constant 0 : i32
      %dma_start3A_551 = tpu.memref_slice %arg6[%dma_start3A_542, %dma_start3A_549, %dma_start3A_550] : memref<16x32x128xf32, #tpu.memory_space<vmem>> -> memref<1x32x128xf32, #tpu.memory_space<vmem>>
      %dma_start3A_552 = tpu.memref_squeeze %dma_start3A_551 : memref<1x32x128xf32, #tpu.memory_space<vmem>> -> memref<32x128xf32, #tpu.memory_space<vmem>>
      %dma_start3A_553 = arith.constant 0 : i32
      %dma_start3A_554 = tpu.memref_slice %arg3[%dma_start3A_553, %multiple_of3A_541] : memref<32x1000000xf32, #tpu.memory_space<hbm>> -> memref<32x128xf32, #tpu.memory_space<hbm>>
      tpu.enqueue_dma source(%dma_start3A_554 : memref<32x128xf32, #tpu.memory_space<hbm>>) target(%dma_start3A_552 : memref<32x128xf32, #tpu.memory_space<vmem>>) target_semaphore(%arg9 : memref<!tpu.dma_semaphore, #tpu.memory_space<semaphore_mem>>)
      %slice3A_555 = vector.extract_strided_slice %get3A_344 {offsets = [13], sizes = [1], strides = [1]} : vector<16xi32> to vector<1xi32>
      %squeeze3A_556 = vector.extract %slice3A_555[0] : i32 from vector<1xi32>
      %jit3A_557 = arith.constant 128 : i32
      %div3A_558 = arith.divsi %squeeze3A_556, %jit3A_557 : i32
      %sign3A_559 = arith.constant 0 : i32
      %sign3A_560 = arith.cmpi sgt, %squeeze3A_556, %sign3A_559 : i32
      %sign3A_561 = arith.extui %sign3A_560 : i1 to i32
      %sign3A_562 = arith.constant 0 : i32
      %sign3A_563 = arith.cmpi slt, %squeeze3A_556, %sign3A_562 : i32
      %sign3A_564 = arith.extui %sign3A_563 : i1 to i32
      %sign3A_565 = arith.subi %sign3A_561, %sign3A_564 : i32
      %sign3A_566 = arith.constant 0 : i32
      %sign3A_567 = arith.cmpi sgt, %jit3A_557, %sign3A_566 : i32
      %sign3A_568 = arith.extui %sign3A_567 : i1 to i32
      %sign3A_569 = arith.constant 0 : i32
      %sign3A_570 = arith.cmpi slt, %jit3A_557, %sign3A_569 : i32
      %sign3A_571 = arith.extui %sign3A_570 : i1 to i32
      %sign3A_572 = arith.subi %sign3A_568, %sign3A_571 : i32
      %ne3A_573 = arith.cmpi ne, %sign3A_565, %sign3A_572 : i32
      %rem3A_574 = arith.remsi %squeeze3A_556, %jit3A_557 : i32
      %ne3A_575 = arith.constant 0 : i32
      %ne3A_576 = arith.cmpi ne, %rem3A_574, %ne3A_575 : i32
      %and3A_577 = arith.andi %ne3A_573, %ne3A_576 : i1
      %sub3A_578 = arith.constant 1 : i32
      %sub3A_579 = arith.subi %div3A_558, %sub3A_578 : i32
      %select_n3A_580 = arith.select %and3A_577, %sub3A_579, %div3A_558 : i32
      %mul3A_581 = arith.constant 128 : i32
      %mul3A_582 = arith.muli %select_n3A_580, %mul3A_581 : i32
      %multiple_of3A_583 = tpu.assume_multiple %mul3A_582, 128 : i32
      %dma_start3A_584 = arith.constant 13 : i32
      %dma_start3A_585 = arith.constant 0 : i32
      %dma_start3A_586 = arith.constant 0 : i32
      %dma_start3A_587 = tpu.memref_slice %arg6[%dma_start3A_584, %dma_start3A_585, %dma_start3A_586] : memref<16x32x128xf32, #tpu.memory_space<vmem>> -> memref<1x32x128xf32, #tpu.memory_space<vmem>>
      %dma_start3A_588 = tpu.memref_squeeze %dma_start3A_587 : memref<1x32x128xf32, #tpu.memory_space<vmem>> -> memref<32x128xf32, #tpu.memory_space<vmem>>
      %dma_start3A_589 = arith.constant 0 : i32
      %dma_start3A_590 = tpu.memref_slice %arg3[%dma_start3A_589, %multiple_of3A_583] : memref<32x1000000xf32, #tpu.memory_space<hbm>> -> memref<32x128xf32, #tpu.memory_space<hbm>>
      %dma_start3A_591 = arith.constant 0 : i32
      %dma_start3A_592 = arith.constant 0 : i32
      %dma_start3A_593 = tpu.memref_slice %arg6[%dma_start3A_584, %dma_start3A_591, %dma_start3A_592] : memref<16x32x128xf32, #tpu.memory_space<vmem>> -> memref<1x32x128xf32, #tpu.memory_space<vmem>>
      %dma_start3A_594 = tpu.memref_squeeze %dma_start3A_593 : memref<1x32x128xf32, #tpu.memory_space<vmem>> -> memref<32x128xf32, #tpu.memory_space<vmem>>
      %dma_start3A_595 = arith.constant 0 : i32
      %dma_start3A_596 = tpu.memref_slice %arg3[%dma_start3A_595, %multiple_of3A_583] : memref<32x1000000xf32, #tpu.memory_space<hbm>> -> memref<32x128xf32, #tpu.memory_space<hbm>>
      tpu.enqueue_dma source(%dma_start3A_596 : memref<32x128xf32, #tpu.memory_space<hbm>>) target(%dma_start3A_594 : memref<32x128xf32, #tpu.memory_space<vmem>>) target_semaphore(%arg9 : memref<!tpu.dma_semaphore, #tpu.memory_space<semaphore_mem>>)
      %slice3A_597 = vector.extract_strided_slice %get3A_344 {offsets = [14], sizes = [1], strides = [1]} : vector<16xi32> to vector<1xi32>
      %squeeze3A_598 = vector.extract %slice3A_597[0] : i32 from vector<1xi32>
      %jit3A_599 = arith.constant 128 : i32
      %div3A_600 = arith.divsi %squeeze3A_598, %jit3A_599 : i32
      %sign3A_601 = arith.constant 0 : i32
      %sign3A_602 = arith.cmpi sgt, %squeeze3A_598, %sign3A_601 : i32
      %sign3A_603 = arith.extui %sign3A_602 : i1 to i32
      %sign3A_604 = arith.constant 0 : i32
      %sign3A_605 = arith.cmpi slt, %squeeze3A_598, %sign3A_604 : i32
      %sign3A_606 = arith.extui %sign3A_605 : i1 to i32
      %sign3A_607 = arith.subi %sign3A_603, %sign3A_606 : i32
      %sign3A_608 = arith.constant 0 : i32
      %sign3A_609 = arith.cmpi sgt, %jit3A_599, %sign3A_608 : i32
      %sign3A_610 = arith.extui %sign3A_609 : i1 to i32
      %sign3A_611 = arith.constant 0 : i32
      %sign3A_612 = arith.cmpi slt, %jit3A_599, %sign3A_611 : i32
      %sign3A_613 = arith.extui %sign3A_612 : i1 to i32
      %sign3A_614 = arith.subi %sign3A_610, %sign3A_613 : i32
      %ne3A_615 = arith.cmpi ne, %sign3A_607, %sign3A_614 : i32
      %rem3A_616 = arith.remsi %squeeze3A_598, %jit3A_599 : i32
      %ne3A_617 = arith.constant 0 : i32
      %ne3A_618 = arith.cmpi ne, %rem3A_616, %ne3A_617 : i32
      %and3A_619 = arith.andi %ne3A_615, %ne3A_618 : i1
      %sub3A_620 = arith.constant 1 : i32
      %sub3A_621 = arith.subi %div3A_600, %sub3A_620 : i32
      %select_n3A_622 = arith.select %and3A_619, %sub3A_621, %div3A_600 : i32
      %mul3A_623 = arith.constant 128 : i32
      %mul3A_624 = arith.muli %select_n3A_622, %mul3A_623 : i32
      %multiple_of3A_625 = tpu.assume_multiple %mul3A_624, 128 : i32
      %dma_start3A_626 = arith.constant 14 : i32
      %dma_start3A_627 = arith.constant 0 : i32
      %dma_start3A_628 = arith.constant 0 : i32
      %dma_start3A_629 = tpu.memref_slice %arg6[%dma_start3A_626, %dma_start3A_627, %dma_start3A_628] : memref<16x32x128xf32, #tpu.memory_space<vmem>> -> memref<1x32x128xf32, #tpu.memory_space<vmem>>
      %dma_start3A_630 = tpu.memref_squeeze %dma_start3A_629 : memref<1x32x128xf32, #tpu.memory_space<vmem>> -> memref<32x128xf32, #tpu.memory_space<vmem>>
      %dma_start3A_631 = arith.constant 0 : i32
      %dma_start3A_632 = tpu.memref_slice %arg3[%dma_start3A_631, %multiple_of3A_625] : memref<32x1000000xf32, #tpu.memory_space<hbm>> -> memref<32x128xf32, #tpu.memory_space<hbm>>
      %dma_start3A_633 = arith.constant 0 : i32
      %dma_start3A_634 = arith.constant 0 : i32
      %dma_start3A_635 = tpu.memref_slice %arg6[%dma_start3A_626, %dma_start3A_633, %dma_start3A_634] : memref<16x32x128xf32, #tpu.memory_space<vmem>> -> memref<1x32x128xf32, #tpu.memory_space<vmem>>
      %dma_start3A_636 = tpu.memref_squeeze %dma_start3A_635 : memref<1x32x128xf32, #tpu.memory_space<vmem>> -> memref<32x128xf32, #tpu.memory_space<vmem>>
      %dma_start3A_637 = arith.constant 0 : i32
      %dma_start3A_638 = tpu.memref_slice %arg3[%dma_start3A_637, %multiple_of3A_625] : memref<32x1000000xf32, #tpu.memory_space<hbm>> -> memref<32x128xf32, #tpu.memory_space<hbm>>
      tpu.enqueue_dma source(%dma_start3A_638 : memref<32x128xf32, #tpu.memory_space<hbm>>) target(%dma_start3A_636 : memref<32x128xf32, #tpu.memory_space<vmem>>) target_semaphore(%arg9 : memref<!tpu.dma_semaphore, #tpu.memory_space<semaphore_mem>>)
      %slice3A_639 = vector.extract_strided_slice %get3A_344 {offsets = [15], sizes = [1], strides = [1]} : vector<16xi32> to vector<1xi32>
      %squeeze3A_640 = vector.extract %slice3A_639[0] : i32 from vector<1xi32>
      %jit3A_641 = arith.constant 128 : i32
      %div3A_642 = arith.divsi %squeeze3A_640, %jit3A_641 : i32
      %sign3A_643 = arith.constant 0 : i32
      %sign3A_644 = arith.cmpi sgt, %squeeze3A_640, %sign3A_643 : i32
      %sign3A_645 = arith.extui %sign3A_644 : i1 to i32
      %sign3A_646 = arith.constant 0 : i32
      %sign3A_647 = arith.cmpi slt, %squeeze3A_640, %sign3A_646 : i32
      %sign3A_648 = arith.extui %sign3A_647 : i1 to i32
      %sign3A_649 = arith.subi %sign3A_645, %sign3A_648 : i32
      %sign3A_650 = arith.constant 0 : i32
      %sign3A_651 = arith.cmpi sgt, %jit3A_641, %sign3A_650 : i32
      %sign3A_652 = arith.extui %sign3A_651 : i1 to i32
      %sign3A_653 = arith.constant 0 : i32
      %sign3A_654 = arith.cmpi slt, %jit3A_641, %sign3A_653 : i32
      %sign3A_655 = arith.extui %sign3A_654 : i1 to i32
      %sign3A_656 = arith.subi %sign3A_652, %sign3A_655 : i32
      %ne3A_657 = arith.cmpi ne, %sign3A_649, %sign3A_656 : i32
      %rem3A_658 = arith.remsi %squeeze3A_640, %jit3A_641 : i32
      %ne3A_659 = arith.constant 0 : i32
      %ne3A_660 = arith.cmpi ne, %rem3A_658, %ne3A_659 : i32
      %and3A_661 = arith.andi %ne3A_657, %ne3A_660 : i1
      %sub3A_662 = arith.constant 1 : i32
      %sub3A_663 = arith.subi %div3A_642, %sub3A_662 : i32
      %select_n3A_664 = arith.select %and3A_661, %sub3A_663, %div3A_642 : i32
      %mul3A_665 = arith.constant 128 : i32
      %mul3A_666 = arith.muli %select_n3A_664, %mul3A_665 : i32
      %multiple_of3A_667 = tpu.assume_multiple %mul3A_666, 128 : i32
      %dma_start3A_668 = arith.constant 15 : i32
      %dma_start3A_669 = arith.constant 0 : i32
      %dma_start3A_670 = arith.constant 0 : i32
      %dma_start3A_671 = tpu.memref_slice %arg6[%dma_start3A_668, %dma_start3A_669, %dma_start3A_670] : memref<16x32x128xf32, #tpu.memory_space<vmem>> -> memref<1x32x128xf32, #tpu.memory_space<vmem>>
      %dma_start3A_672 = tpu.memref_squeeze %dma_start3A_671 : memref<1x32x128xf32, #tpu.memory_space<vmem>> -> memref<32x128xf32, #tpu.memory_space<vmem>>
      %dma_start3A_673 = arith.constant 0 : i32
      %dma_start3A_674 = tpu.memref_slice %arg3[%dma_start3A_673, %multiple_of3A_667] : memref<32x1000000xf32, #tpu.memory_space<hbm>> -> memref<32x128xf32, #tpu.memory_space<hbm>>
      %dma_start3A_675 = arith.constant 0 : i32
      %dma_start3A_676 = arith.constant 0 : i32
      %dma_start3A_677 = tpu.memref_slice %arg6[%dma_start3A_668, %dma_start3A_675, %dma_start3A_676] : memref<16x32x128xf32, #tpu.memory_space<vmem>> -> memref<1x32x128xf32, #tpu.memory_space<vmem>>
      %dma_start3A_678 = tpu.memref_squeeze %dma_start3A_677 : memref<1x32x128xf32, #tpu.memory_space<vmem>> -> memref<32x128xf32, #tpu.memory_space<vmem>>
      %dma_start3A_679 = arith.constant 0 : i32
      %dma_start3A_680 = tpu.memref_slice %arg3[%dma_start3A_679, %multiple_of3A_667] : memref<32x1000000xf32, #tpu.memory_space<hbm>> -> memref<32x128xf32, #tpu.memory_space<hbm>>
      tpu.enqueue_dma source(%dma_start3A_680 : memref<32x128xf32, #tpu.memory_space<hbm>>) target(%dma_start3A_678 : memref<32x128xf32, #tpu.memory_space<vmem>>) target_semaphore(%arg9 : memref<!tpu.dma_semaphore, #tpu.memory_space<semaphore_mem>>)
      %dma_wait3A = arith.constant 0 : i32
      %dma_wait3A_681 = arith.constant 0 : i32
      %dma_wait3A_682 = arith.constant 0 : i32
      %dma_wait3A_683 = tpu.memref_slice %arg6[%dma_wait3A, %dma_wait3A_681, %dma_wait3A_682] : memref<16x32x128xf32, #tpu.memory_space<vmem>> -> memref<1x32x128xf32, #tpu.memory_space<vmem>>
      %dma_wait3A_684 = tpu.memref_squeeze %dma_wait3A_683 : memref<1x32x128xf32, #tpu.memory_space<vmem>> -> memref<32x128xf32, #tpu.memory_space<vmem>>
      %dma_wait3A_685 = arith.constant 0 : i32
      %dma_wait3A_686 = arith.constant 0 : i32
      %dma_wait3A_687 = tpu.memref_slice %arg3[%dma_wait3A_685, %dma_wait3A_686] : memref<32x1000000xf32, #tpu.memory_space<hbm>> -> memref<32x128xf32, #tpu.memory_space<hbm>>
      %dma_wait3A_688 = arith.constant 0 : i32
      %dma_wait3A_689 = arith.constant 0 : i32
      %dma_wait3A_690 = tpu.memref_slice %arg6[%dma_wait3A, %dma_wait3A_688, %dma_wait3A_689] : memref<16x32x128xf32, #tpu.memory_space<vmem>> -> memref<1x32x128xf32, #tpu.memory_space<vmem>>
      %dma_wait3A_691 = tpu.memref_squeeze %dma_wait3A_690 : memref<1x32x128xf32, #tpu.memory_space<vmem>> -> memref<32x128xf32, #tpu.memory_space<vmem>>
      %dma_wait3A_692 = arith.constant 0 : i32
      %dma_wait3A_693 = arith.constant 0 : i32
      %dma_wait3A_694 = tpu.memref_slice %arg3[%dma_wait3A_692, %dma_wait3A_693] : memref<32x1000000xf32, #tpu.memory_space<hbm>> -> memref<32x128xf32, #tpu.memory_space<hbm>>
      tpu.wait_dma2 semaphore(%arg8 : memref<!tpu.dma_semaphore, #tpu.memory_space<semaphore_mem>>) src(%dma_wait3A_694 : memref<32x128xf32, #tpu.memory_space<hbm>>) dst(%dma_wait3A_691 : memref<32x128xf32, #tpu.memory_space<vmem>>)
      %dma_wait3A_695 = arith.constant 1 : i32
      %dma_wait3A_696 = arith.constant 0 : i32
      %dma_wait3A_697 = arith.constant 0 : i32
      %dma_wait3A_698 = tpu.memref_slice %arg6[%dma_wait3A_695, %dma_wait3A_696, %dma_wait3A_697] : memref<16x32x128xf32, #tpu.memory_space<vmem>> -> memref<1x32x128xf32, #tpu.memory_space<vmem>>
      %dma_wait3A_699 = tpu.memref_squeeze %dma_wait3A_698 : memref<1x32x128xf32, #tpu.memory_space<vmem>> -> memref<32x128xf32, #tpu.memory_space<vmem>>
      %dma_wait3A_700 = arith.constant 0 : i32
      %dma_wait3A_701 = arith.constant 0 : i32
      %dma_wait3A_702 = tpu.memref_slice %arg3[%dma_wait3A_700, %dma_wait3A_701] : memref<32x1000000xf32, #tpu.memory_space<hbm>> -> memref<32x128xf32, #tpu.memory_space<hbm>>
      %dma_wait3A_703 = arith.constant 0 : i32
      %dma_wait3A_704 = arith.constant 0 : i32
      %dma_wait3A_705 = tpu.memref_slice %arg6[%dma_wait3A_695, %dma_wait3A_703, %dma_wait3A_704] : memref<16x32x128xf32, #tpu.memory_space<vmem>> -> memref<1x32x128xf32, #tpu.memory_space<vmem>>
      %dma_wait3A_706 = tpu.memref_squeeze %dma_wait3A_705 : memref<1x32x128xf32, #tpu.memory_space<vmem>> -> memref<32x128xf32, #tpu.memory_space<vmem>>
      %dma_wait3A_707 = arith.constant 0 : i32
      %dma_wait3A_708 = arith.constant 0 : i32
      %dma_wait3A_709 = tpu.memref_slice %arg3[%dma_wait3A_707, %dma_wait3A_708] : memref<32x1000000xf32, #tpu.memory_space<hbm>> -> memref<32x128xf32, #tpu.memory_space<hbm>>
      tpu.wait_dma2 semaphore(%arg8 : memref<!tpu.dma_semaphore, #tpu.memory_space<semaphore_mem>>) src(%dma_wait3A_709 : memref<32x128xf32, #tpu.memory_space<hbm>>) dst(%dma_wait3A_706 : memref<32x128xf32, #tpu.memory_space<vmem>>)
      %dma_wait3A_710 = arith.constant 2 : i32
      %dma_wait3A_711 = arith.constant 0 : i32
      %dma_wait3A_712 = arith.constant 0 : i32
      %dma_wait3A_713 = tpu.memref_slice %arg6[%dma_wait3A_710, %dma_wait3A_711, %dma_wait3A_712] : memref<16x32x128xf32, #tpu.memory_space<vmem>> -> memref<1x32x128xf32, #tpu.memory_space<vmem>>
      %dma_wait3A_714 = tpu.memref_squeeze %dma_wait3A_713 : memref<1x32x128xf32, #tpu.memory_space<vmem>> -> memref<32x128xf32, #tpu.memory_space<vmem>>
      %dma_wait3A_715 = arith.constant 0 : i32
      %dma_wait3A_716 = arith.constant 0 : i32
      %dma_wait3A_717 = tpu.memref_slice %arg3[%dma_wait3A_715, %dma_wait3A_716] : memref<32x1000000xf32, #tpu.memory_space<hbm>> -> memref<32x128xf32, #tpu.memory_space<hbm>>
      %dma_wait3A_718 = arith.constant 0 : i32
      %dma_wait3A_719 = arith.constant 0 : i32
      %dma_wait3A_720 = tpu.memref_slice %arg6[%dma_wait3A_710, %dma_wait3A_718, %dma_wait3A_719] : memref<16x32x128xf32, #tpu.memory_space<vmem>> -> memref<1x32x128xf32, #tpu.memory_space<vmem>>
      %dma_wait3A_721 = tpu.memref_squeeze %dma_wait3A_720 : memref<1x32x128xf32, #tpu.memory_space<vmem>> -> memref<32x128xf32, #tpu.memory_space<vmem>>
      %dma_wait3A_722 = arith.constant 0 : i32
      %dma_wait3A_723 = arith.constant 0 : i32
      %dma_wait3A_724 = tpu.memref_slice %arg3[%dma_wait3A_722, %dma_wait3A_723] : memref<32x1000000xf32, #tpu.memory_space<hbm>> -> memref<32x128xf32, #tpu.memory_space<hbm>>
      tpu.wait_dma2 semaphore(%arg8 : memref<!tpu.dma_semaphore, #tpu.memory_space<semaphore_mem>>) src(%dma_wait3A_724 : memref<32x128xf32, #tpu.memory_space<hbm>>) dst(%dma_wait3A_721 : memref<32x128xf32, #tpu.memory_space<vmem>>)
      %dma_wait3A_725 = arith.constant 3 : i32
      %dma_wait3A_726 = arith.constant 0 : i32
      %dma_wait3A_727 = arith.constant 0 : i32
      %dma_wait3A_728 = tpu.memref_slice %arg6[%dma_wait3A_725, %dma_wait3A_726, %dma_wait3A_727] : memref<16x32x128xf32, #tpu.memory_space<vmem>> -> memref<1x32x128xf32, #tpu.memory_space<vmem>>
      %dma_wait3A_729 = tpu.memref_squeeze %dma_wait3A_728 : memref<1x32x128xf32, #tpu.memory_space<vmem>> -> memref<32x128xf32, #tpu.memory_space<vmem>>
      %dma_wait3A_730 = arith.constant 0 : i32
      %dma_wait3A_731 = arith.constant 0 : i32
      %dma_wait3A_732 = tpu.memref_slice %arg3[%dma_wait3A_730, %dma_wait3A_731] : memref<32x1000000xf32, #tpu.memory_space<hbm>> -> memref<32x128xf32, #tpu.memory_space<hbm>>
      %dma_wait3A_733 = arith.constant 0 : i32
      %dma_wait3A_734 = arith.constant 0 : i32
      %dma_wait3A_735 = tpu.memref_slice %arg6[%dma_wait3A_725, %dma_wait3A_733, %dma_wait3A_734] : memref<16x32x128xf32, #tpu.memory_space<vmem>> -> memref<1x32x128xf32, #tpu.memory_space<vmem>>
      %dma_wait3A_736 = tpu.memref_squeeze %dma_wait3A_735 : memref<1x32x128xf32, #tpu.memory_space<vmem>> -> memref<32x128xf32, #tpu.memory_space<vmem>>
      %dma_wait3A_737 = arith.constant 0 : i32
      %dma_wait3A_738 = arith.constant 0 : i32
      %dma_wait3A_739 = tpu.memref_slice %arg3[%dma_wait3A_737, %dma_wait3A_738] : memref<32x1000000xf32, #tpu.memory_space<hbm>> -> memref<32x128xf32, #tpu.memory_space<hbm>>
      tpu.wait_dma2 semaphore(%arg8 : memref<!tpu.dma_semaphore, #tpu.memory_space<semaphore_mem>>) src(%dma_wait3A_739 : memref<32x128xf32, #tpu.memory_space<hbm>>) dst(%dma_wait3A_736 : memref<32x128xf32, #tpu.memory_space<vmem>>)
      %dma_wait3A_740 = arith.constant 4 : i32
      %dma_wait3A_741 = arith.constant 0 : i32
      %dma_wait3A_742 = arith.constant 0 : i32
      %dma_wait3A_743 = tpu.memref_slice %arg6[%dma_wait3A_740, %dma_wait3A_741, %dma_wait3A_742] : memref<16x32x128xf32, #tpu.memory_space<vmem>> -> memref<1x32x128xf32, #tpu.memory_space<vmem>>
      %dma_wait3A_744 = tpu.memref_squeeze %dma_wait3A_743 : memref<1x32x128xf32, #tpu.memory_space<vmem>> -> memref<32x128xf32, #tpu.memory_space<vmem>>
      %dma_wait3A_745 = arith.constant 0 : i32
      %dma_wait3A_746 = arith.constant 0 : i32
      %dma_wait3A_747 = tpu.memref_slice %arg3[%dma_wait3A_745, %dma_wait3A_746] : memref<32x1000000xf32, #tpu.memory_space<hbm>> -> memref<32x128xf32, #tpu.memory_space<hbm>>
      %dma_wait3A_748 = arith.constant 0 : i32
      %dma_wait3A_749 = arith.constant 0 : i32
      %dma_wait3A_750 = tpu.memref_slice %arg6[%dma_wait3A_740, %dma_wait3A_748, %dma_wait3A_749] : memref<16x32x128xf32, #tpu.memory_space<vmem>> -> memref<1x32x128xf32, #tpu.memory_space<vmem>>
      %dma_wait3A_751 = tpu.memref_squeeze %dma_wait3A_750 : memref<1x32x128xf32, #tpu.memory_space<vmem>> -> memref<32x128xf32, #tpu.memory_space<vmem>>
      %dma_wait3A_752 = arith.constant 0 : i32
      %dma_wait3A_753 = arith.constant 0 : i32
      %dma_wait3A_754 = tpu.memref_slice %arg3[%dma_wait3A_752, %dma_wait3A_753] : memref<32x1000000xf32, #tpu.memory_space<hbm>> -> memref<32x128xf32, #tpu.memory_space<hbm>>
      tpu.wait_dma2 semaphore(%arg8 : memref<!tpu.dma_semaphore, #tpu.memory_space<semaphore_mem>>) src(%dma_wait3A_754 : memref<32x128xf32, #tpu.memory_space<hbm>>) dst(%dma_wait3A_751 : memref<32x128xf32, #tpu.memory_space<vmem>>)
      %dma_wait3A_755 = arith.constant 5 : i32
      %dma_wait3A_756 = arith.constant 0 : i32
      %dma_wait3A_757 = arith.constant 0 : i32
      %dma_wait3A_758 = tpu.memref_slice %arg6[%dma_wait3A_755, %dma_wait3A_756, %dma_wait3A_757] : memref<16x32x128xf32, #tpu.memory_space<vmem>> -> memref<1x32x128xf32, #tpu.memory_space<vmem>>
      %dma_wait3A_759 = tpu.memref_squeeze %dma_wait3A_758 : memref<1x32x128xf32, #tpu.memory_space<vmem>> -> memref<32x128xf32, #tpu.memory_space<vmem>>
      %dma_wait3A_760 = arith.constant 0 : i32
      %dma_wait3A_761 = arith.constant 0 : i32
      %dma_wait3A_762 = tpu.memref_slice %arg3[%dma_wait3A_760, %dma_wait3A_761] : memref<32x1000000xf32, #tpu.memory_space<hbm>> -> memref<32x128xf32, #tpu.memory_space<hbm>>
      %dma_wait3A_763 = arith.constant 0 : i32
      %dma_wait3A_764 = arith.constant 0 : i32
      %dma_wait3A_765 = tpu.memref_slice %arg6[%dma_wait3A_755, %dma_wait3A_763, %dma_wait3A_764] : memref<16x32x128xf32, #tpu.memory_space<vmem>> -> memref<1x32x128xf32, #tpu.memory_space<vmem>>
      %dma_wait3A_766 = tpu.memref_squeeze %dma_wait3A_765 : memref<1x32x128xf32, #tpu.memory_space<vmem>> -> memref<32x128xf32, #tpu.memory_space<vmem>>
      %dma_wait3A_767 = arith.constant 0 : i32
      %dma_wait3A_768 = arith.constant 0 : i32
      %dma_wait3A_769 = tpu.memref_slice %arg3[%dma_wait3A_767, %dma_wait3A_768] : memref<32x1000000xf32, #tpu.memory_space<hbm>> -> memref<32x128xf32, #tpu.memory_space<hbm>>
      tpu.wait_dma2 semaphore(%arg8 : memref<!tpu.dma_semaphore, #tpu.memory_space<semaphore_mem>>) src(%dma_wait3A_769 : memref<32x128xf32, #tpu.memory_space<hbm>>) dst(%dma_wait3A_766 : memref<32x128xf32, #tpu.memory_space<vmem>>)
      %dma_wait3A_770 = arith.constant 6 : i32
      %dma_wait3A_771 = arith.constant 0 : i32
      %dma_wait3A_772 = arith.constant 0 : i32
      %dma_wait3A_773 = tpu.memref_slice %arg6[%dma_wait3A_770, %dma_wait3A_771, %dma_wait3A_772] : memref<16x32x128xf32, #tpu.memory_space<vmem>> -> memref<1x32x128xf32, #tpu.memory_space<vmem>>
      %dma_wait3A_774 = tpu.memref_squeeze %dma_wait3A_773 : memref<1x32x128xf32, #tpu.memory_space<vmem>> -> memref<32x128xf32, #tpu.memory_space<vmem>>
      %dma_wait3A_775 = arith.constant 0 : i32
      %dma_wait3A_776 = arith.constant 0 : i32
      %dma_wait3A_777 = tpu.memref_slice %arg3[%dma_wait3A_775, %dma_wait3A_776] : memref<32x1000000xf32, #tpu.memory_space<hbm>> -> memref<32x128xf32, #tpu.memory_space<hbm>>
      %dma_wait3A_778 = arith.constant 0 : i32
      %dma_wait3A_779 = arith.constant 0 : i32
      %dma_wait3A_780 = tpu.memref_slice %arg6[%dma_wait3A_770, %dma_wait3A_778, %dma_wait3A_779] : memref<16x32x128xf32, #tpu.memory_space<vmem>> -> memref<1x32x128xf32, #tpu.memory_space<vmem>>
      %dma_wait3A_781 = tpu.memref_squeeze %dma_wait3A_780 : memref<1x32x128xf32, #tpu.memory_space<vmem>> -> memref<32x128xf32, #tpu.memory_space<vmem>>
      %dma_wait3A_782 = arith.constant 0 : i32
      %dma_wait3A_783 = arith.constant 0 : i32
      %dma_wait3A_784 = tpu.memref_slice %arg3[%dma_wait3A_782, %dma_wait3A_783] : memref<32x1000000xf32, #tpu.memory_space<hbm>> -> memref<32x128xf32, #tpu.memory_space<hbm>>
      tpu.wait_dma2 semaphore(%arg8 : memref<!tpu.dma_semaphore, #tpu.memory_space<semaphore_mem>>) src(%dma_wait3A_784 : memref<32x128xf32, #tpu.memory_space<hbm>>) dst(%dma_wait3A_781 : memref<32x128xf32, #tpu.memory_space<vmem>>)
      %dma_wait3A_785 = arith.constant 7 : i32
      %dma_wait3A_786 = arith.constant 0 : i32
      %dma_wait3A_787 = arith.constant 0 : i32
      %dma_wait3A_788 = tpu.memref_slice %arg6[%dma_wait3A_785, %dma_wait3A_786, %dma_wait3A_787] : memref<16x32x128xf32, #tpu.memory_space<vmem>> -> memref<1x32x128xf32, #tpu.memory_space<vmem>>
      %dma_wait3A_789 = tpu.memref_squeeze %dma_wait3A_788 : memref<1x32x128xf32, #tpu.memory_space<vmem>> -> memref<32x128xf32, #tpu.memory_space<vmem>>
      %dma_wait3A_790 = arith.constant 0 : i32
      %dma_wait3A_791 = arith.constant 0 : i32
      %dma_wait3A_792 = tpu.memref_slice %arg3[%dma_wait3A_790, %dma_wait3A_791] : memref<32x1000000xf32, #tpu.memory_space<hbm>> -> memref<32x128xf32, #tpu.memory_space<hbm>>
      %dma_wait3A_793 = arith.constant 0 : i32
      %dma_wait3A_794 = arith.constant 0 : i32
      %dma_wait3A_795 = tpu.memref_slice %arg6[%dma_wait3A_785, %dma_wait3A_793, %dma_wait3A_794] : memref<16x32x128xf32, #tpu.memory_space<vmem>> -> memref<1x32x128xf32, #tpu.memory_space<vmem>>
      %dma_wait3A_796 = tpu.memref_squeeze %dma_wait3A_795 : memref<1x32x128xf32, #tpu.memory_space<vmem>> -> memref<32x128xf32, #tpu.memory_space<vmem>>
      %dma_wait3A_797 = arith.constant 0 : i32
      %dma_wait3A_798 = arith.constant 0 : i32
      %dma_wait3A_799 = tpu.memref_slice %arg3[%dma_wait3A_797, %dma_wait3A_798] : memref<32x1000000xf32, #tpu.memory_space<hbm>> -> memref<32x128xf32, #tpu.memory_space<hbm>>
      tpu.wait_dma2 semaphore(%arg8 : memref<!tpu.dma_semaphore, #tpu.memory_space<semaphore_mem>>) src(%dma_wait3A_799 : memref<32x128xf32, #tpu.memory_space<hbm>>) dst(%dma_wait3A_796 : memref<32x128xf32, #tpu.memory_space<vmem>>)
      %slice3A_800 = vector.extract_strided_slice %get3A_344 {offsets = [0], sizes = [1], strides = [1]} : vector<16xi32> to vector<1xi32>
      %squeeze3A_801 = vector.extract %slice3A_800[0] : i32 from vector<1xi32>
      %rem3A_802 = arith.constant 128 : i32
      %rem3A_803 = arith.remsi %squeeze3A_801, %rem3A_802 : i32
      %broadcast_in_dim3A = vector.broadcast %rem3A_803 : i32 to vector<16xi32>
      %mul3A_804 = arith.constant 2 : i32
      %mul3A_805 = arith.muli %scan3A_337, %mul3A_804 : i32
      %mul3A_806 = arith.constant 8 : i32
      %mul3A_807 = arith.muli %mul3A_805, %mul3A_806 : i32
      %add3A_808 = arith.constant 0 : i32
      %add3A_809 = arith.addi %mul3A_807, %add3A_808 : i32
      %add3A_810 = arith.constant 0 : i32
      %add3A_811 = arith.addi %add3A_809, %add3A_810 : i32
      %broadcast_in_dim3A_812 = vector.broadcast %add3A_811 : i32 to vector<16xi32>
      %gather3A = arith.constant 0 : i32
      %gather3A_813 = arith.constant 0 : i32
      %gather3A_814 = arith.constant 0 : i32
      %gather3A_815 = tpu.memref_slice %arg6[%gather3A, %gather3A_813, %gather3A_814] : memref<16x32x128xf32, #tpu.memory_space<vmem>> -> memref<1x32x128xf32, #tpu.memory_space<vmem>>
      %gather3A_816 = tpu.memref_squeeze %gather3A_815 : memref<1x32x128xf32, #tpu.memory_space<vmem>> -> memref<32x128xf32, #tpu.memory_space<vmem>>
      %gather3A_817 = tpu.vector_load_idx %gather3A_816[%iota3A, %broadcast_in_dim3A] : memref<32x128xf32, #tpu.memory_space<vmem>>[vector<16xi32>, vector<16xi32>], vector<16xf32>,
      %gather3A_818 = arith.constant 0 : i32
      %gather3A_819 = arith.constant 0 : i32
      %gather3A_820 = arith.constant 0 : i32
      %gather3A_821 = tpu.memref_slice %arg6[%gather3A_818, %gather3A_819, %gather3A_820] : memref<16x32x128xf32, #tpu.memory_space<vmem>> -> memref<1x32x128xf32, #tpu.memory_space<vmem>>
      %gather3A_822 = tpu.memref_squeeze %gather3A_821 : memref<1x32x128xf32, #tpu.memory_space<vmem>> -> memref<32x128xf32, #tpu.memory_space<vmem>>
      %gather3A_823 = tpu.vector_load_idx %gather3A_822[%add3A_5, %broadcast_in_dim3A] : memref<32x128xf32, #tpu.memory_space<vmem>>[vector<16xi32>, vector<16xi32>], vector<16xf32>,
      tpu.vector_store_idx %arg7[%iota3A, %broadcast_in_dim3A_812], %gather3A_817 : memref<32x512xf32, #tpu.memory_space<vmem>>[vector<16xi32>, vector<16xi32>], vector<16xf32>,
      tpu.vector_store_idx %arg7[%add3A_5, %broadcast_in_dim3A_812], %gather3A_823 : memref<32x512xf32, #tpu.memory_space<vmem>>[vector<16xi32>, vector<16xi32>], vector<16xf32>,
      %slice3A_824 = vector.extract_strided_slice %get3A_344 {offsets = [1], sizes = [1], strides = [1]} : vector<16xi32> to vector<1xi32>
      %squeeze3A_825 = vector.extract %slice3A_824[0] : i32 from vector<1xi32>
      %rem3A_826 = arith.constant 128 : i32
      %rem3A_827 = arith.remsi %squeeze3A_825, %rem3A_826 : i32
      %broadcast_in_dim3A_828 = vector.broadcast %rem3A_827 : i32 to vector<16xi32>
      %mul3A_829 = arith.constant 2 : i32
      %mul3A_830 = arith.muli %scan3A_337, %mul3A_829 : i32
      %mul3A_831 = arith.constant 8 : i32
      %mul3A_832 = arith.muli %mul3A_830, %mul3A_831 : i32
      %add3A_833 = arith.constant 0 : i32
      %add3A_834 = arith.addi %mul3A_832, %add3A_833 : i32
      %add3A_835 = arith.constant 1 : i32
      %add3A_836 = arith.addi %add3A_834, %add3A_835 : i32
      %broadcast_in_dim3A_837 = vector.broadcast %add3A_836 : i32 to vector<16xi32>
      %gather3A_838 = arith.constant 1 : i32
      %gather3A_839 = arith.constant 0 : i32
      %gather3A_840 = arith.constant 0 : i32
      %gather3A_841 = tpu.memref_slice %arg6[%gather3A_838, %gather3A_839, %gather3A_840] : memref<16x32x128xf32, #tpu.memory_space<vmem>> -> memref<1x32x128xf32, #tpu.memory_space<vmem>>
      %gather3A_842 = tpu.memref_squeeze %gather3A_841 : memref<1x32x128xf32, #tpu.memory_space<vmem>> -> memref<32x128xf32, #tpu.memory_space<vmem>>
      %gather3A_843 = tpu.vector_load_idx %gather3A_842[%iota3A, %broadcast_in_dim3A_828] : memref<32x128xf32, #tpu.memory_space<vmem>>[vector<16xi32>, vector<16xi32>], vector<16xf32>,
      %gather3A_844 = arith.constant 1 : i32
      %gather3A_845 = arith.constant 0 : i32
      %gather3A_846 = arith.constant 0 : i32
      %gather3A_847 = tpu.memref_slice %arg6[%gather3A_844, %gather3A_845, %gather3A_846] : memref<16x32x128xf32, #tpu.memory_space<vmem>> -> memref<1x32x128xf32, #tpu.memory_space<vmem>>
      %gather3A_848 = tpu.memref_squeeze %gather3A_847 : memref<1x32x128xf32, #tpu.memory_space<vmem>> -> memref<32x128xf32, #tpu.memory_space<vmem>>
      %gather3A_849 = tpu.vector_load_idx %gather3A_848[%add3A_5, %broadcast_in_dim3A_828] : memref<32x128xf32, #tpu.memory_space<vmem>>[vector<16xi32>, vector<16xi32>], vector<16xf32>,
      tpu.vector_store_idx %arg7[%iota3A, %broadcast_in_dim3A_837], %gather3A_843 : memref<32x512xf32, #tpu.memory_space<vmem>>[vector<16xi32>, vector<16xi32>], vector<16xf32>,
      tpu.vector_store_idx %arg7[%add3A_5, %broadcast_in_dim3A_837], %gather3A_849 : memref<32x512xf32, #tpu.memory_space<vmem>>[vector<16xi32>, vector<16xi32>], vector<16xf32>,
      %slice3A_850 = vector.extract_strided_slice %get3A_344 {offsets = [2], sizes = [1], strides = [1]} : vector<16xi32> to vector<1xi32>
      %squeeze3A_851 = vector.extract %slice3A_850[0] : i32 from vector<1xi32>
      %rem3A_852 = arith.constant 128 : i32
      %rem3A_853 = arith.remsi %squeeze3A_851, %rem3A_852 : i32
      %broadcast_in_dim3A_854 = vector.broadcast %rem3A_853 : i32 to vector<16xi32>
      %mul3A_855 = arith.constant 2 : i32
      %mul3A_856 = arith.muli %scan3A_337, %mul3A_855 : i32
      %mul3A_857 = arith.constant 8 : i32
      %mul3A_858 = arith.muli %mul3A_856, %mul3A_857 : i32
      %add3A_859 = arith.constant 0 : i32
      %add3A_860 = arith.addi %mul3A_858, %add3A_859 : i32
      %add3A_861 = arith.constant 2 : i32
      %add3A_862 = arith.addi %add3A_860, %add3A_861 : i32
      %broadcast_in_dim3A_863 = vector.broadcast %add3A_862 : i32 to vector<16xi32>
      %gather3A_864 = arith.constant 2 : i32
      %gather3A_865 = arith.constant 0 : i32
      %gather3A_866 = arith.constant 0 : i32
      %gather3A_867 = tpu.memref_slice %arg6[%gather3A_864, %gather3A_865, %gather3A_866] : memref<16x32x128xf32, #tpu.memory_space<vmem>> -> memref<1x32x128xf32, #tpu.memory_space<vmem>>
      %gather3A_868 = tpu.memref_squeeze %gather3A_867 : memref<1x32x128xf32, #tpu.memory_space<vmem>> -> memref<32x128xf32, #tpu.memory_space<vmem>>
      %gather3A_869 = tpu.vector_load_idx %gather3A_868[%iota3A, %broadcast_in_dim3A_854] : memref<32x128xf32, #tpu.memory_space<vmem>>[vector<16xi32>, vector<16xi32>], vector<16xf32>,
      %gather3A_870 = arith.constant 2 : i32
      %gather3A_871 = arith.constant 0 : i32
      %gather3A_872 = arith.constant 0 : i32
      %gather3A_873 = tpu.memref_slice %arg6[%gather3A_870, %gather3A_871, %gather3A_872] : memref<16x32x128xf32, #tpu.memory_space<vmem>> -> memref<1x32x128xf32, #tpu.memory_space<vmem>>
      %gather3A_874 = tpu.memref_squeeze %gather3A_873 : memref<1x32x128xf32, #tpu.memory_space<vmem>> -> memref<32x128xf32, #tpu.memory_space<vmem>>
      %gather3A_875 = tpu.vector_load_idx %gather3A_874[%add3A_5, %broadcast_in_dim3A_854] : memref<32x128xf32, #tpu.memory_space<vmem>>[vector<16xi32>, vector<16xi32>], vector<16xf32>,
      tpu.vector_store_idx %arg7[%iota3A, %broadcast_in_dim3A_863], %gather3A_869 : memref<32x512xf32, #tpu.memory_space<vmem>>[vector<16xi32>, vector<16xi32>], vector<16xf32>,
      tpu.vector_store_idx %arg7[%add3A_5, %broadcast_in_dim3A_863], %gather3A_875 : memref<32x512xf32, #tpu.memory_space<vmem>>[vector<16xi32>, vector<16xi32>], vector<16xf32>,
      %slice3A_876 = vector.extract_strided_slice %get3A_344 {offsets = [3], sizes = [1], strides = [1]} : vector<16xi32> to vector<1xi32>
      %squeeze3A_877 = vector.extract %slice3A_876[0] : i32 from vector<1xi32>
      %rem3A_878 = arith.constant 128 : i32
      %rem3A_879 = arith.remsi %squeeze3A_877, %rem3A_878 : i32
      %broadcast_in_dim3A_880 = vector.broadcast %rem3A_879 : i32 to vector<16xi32>
      %mul3A_881 = arith.constant 2 : i32
      %mul3A_882 = arith.muli %scan3A_337, %mul3A_881 : i32
      %mul3A_883 = arith.constant 8 : i32
      %mul3A_884 = arith.muli %mul3A_882, %mul3A_883 : i32
      %add3A_885 = arith.constant 0 : i32
      %add3A_886 = arith.addi %mul3A_884, %add3A_885 : i32
      %add3A_887 = arith.constant 3 : i32
      %add3A_888 = arith.addi %add3A_886, %add3A_887 : i32
      %broadcast_in_dim3A_889 = vector.broadcast %add3A_888 : i32 to vector<16xi32>
      %gather3A_890 = arith.constant 3 : i32
      %gather3A_891 = arith.constant 0 : i32
      %gather3A_892 = arith.constant 0 : i32
      %gather3A_893 = tpu.memref_slice %arg6[%gather3A_890, %gather3A_891, %gather3A_892] : memref<16x32x128xf32, #tpu.memory_space<vmem>> -> memref<1x32x128xf32, #tpu.memory_space<vmem>>
      %gather3A_894 = tpu.memref_squeeze %gather3A_893 : memref<1x32x128xf32, #tpu.memory_space<vmem>> -> memref<32x128xf32, #tpu.memory_space<vmem>>
      %gather3A_895 = tpu.vector_load_idx %gather3A_894[%iota3A, %broadcast_in_dim3A_880] : memref<32x128xf32, #tpu.memory_space<vmem>>[vector<16xi32>, vector<16xi32>], vector<16xf32>,
      %gather3A_896 = arith.constant 3 : i32
      %gather3A_897 = arith.constant 0 : i32
      %gather3A_898 = arith.constant 0 : i32
      %gather3A_899 = tpu.memref_slice %arg6[%gather3A_896, %gather3A_897, %gather3A_898] : memref<16x32x128xf32, #tpu.memory_space<vmem>> -> memref<1x32x128xf32, #tpu.memory_space<vmem>>
      %gather3A_900 = tpu.memref_squeeze %gather3A_899 : memref<1x32x128xf32, #tpu.memory_space<vmem>> -> memref<32x128xf32, #tpu.memory_space<vmem>>
      %gather3A_901 = tpu.vector_load_idx %gather3A_900[%add3A_5, %broadcast_in_dim3A_880] : memref<32x128xf32, #tpu.memory_space<vmem>>[vector<16xi32>, vector<16xi32>], vector<16xf32>,
      tpu.vector_store_idx %arg7[%iota3A, %broadcast_in_dim3A_889], %gather3A_895 : memref<32x512xf32, #tpu.memory_space<vmem>>[vector<16xi32>, vector<16xi32>], vector<16xf32>,
      tpu.vector_store_idx %arg7[%add3A_5, %broadcast_in_dim3A_889], %gather3A_901 : memref<32x512xf32, #tpu.memory_space<vmem>>[vector<16xi32>, vector<16xi32>], vector<16xf32>,
      %slice3A_902 = vector.extract_strided_slice %get3A_344 {offsets = [4], sizes = [1], strides = [1]} : vector<16xi32> to vector<1xi32>
      %squeeze3A_903 = vector.extract %slice3A_902[0] : i32 from vector<1xi32>
      %rem3A_904 = arith.constant 128 : i32
      %rem3A_905 = arith.remsi %squeeze3A_903, %rem3A_904 : i32
      %broadcast_in_dim3A_906 = vector.broadcast %rem3A_905 : i32 to vector<16xi32>
      %mul3A_907 = arith.constant 2 : i32
      %mul3A_908 = arith.muli %scan3A_337, %mul3A_907 : i32
      %mul3A_909 = arith.constant 8 : i32
      %mul3A_910 = arith.muli %mul3A_908, %mul3A_909 : i32
      %add3A_911 = arith.constant 0 : i32
      %add3A_912 = arith.addi %mul3A_910, %add3A_911 : i32
      %add3A_913 = arith.constant 4 : i32
      %add3A_914 = arith.addi %add3A_912, %add3A_913 : i32
      %broadcast_in_dim3A_915 = vector.broadcast %add3A_914 : i32 to vector<16xi32>
      %gather3A_916 = arith.constant 4 : i32
      %gather3A_917 = arith.constant 0 : i32
      %gather3A_918 = arith.constant 0 : i32
      %gather3A_919 = tpu.memref_slice %arg6[%gather3A_916, %gather3A_917, %gather3A_918] : memref<16x32x128xf32, #tpu.memory_space<vmem>> -> memref<1x32x128xf32, #tpu.memory_space<vmem>>
      %gather3A_920 = tpu.memref_squeeze %gather3A_919 : memref<1x32x128xf32, #tpu.memory_space<vmem>> -> memref<32x128xf32, #tpu.memory_space<vmem>>
      %gather3A_921 = tpu.vector_load_idx %gather3A_920[%iota3A, %broadcast_in_dim3A_906] : memref<32x128xf32, #tpu.memory_space<vmem>>[vector<16xi32>, vector<16xi32>], vector<16xf32>,
      %gather3A_922 = arith.constant 4 : i32
      %gather3A_923 = arith.constant 0 : i32
      %gather3A_924 = arith.constant 0 : i32
      %gather3A_925 = tpu.memref_slice %arg6[%gather3A_922, %gather3A_923, %gather3A_924] : memref<16x32x128xf32, #tpu.memory_space<vmem>> -> memref<1x32x128xf32, #tpu.memory_space<vmem>>
      %gather3A_926 = tpu.memref_squeeze %gather3A_925 : memref<1x32x128xf32, #tpu.memory_space<vmem>> -> memref<32x128xf32, #tpu.memory_space<vmem>>
      %gather3A_927 = tpu.vector_load_idx %gather3A_926[%add3A_5, %broadcast_in_dim3A_906] : memref<32x128xf32, #tpu.memory_space<vmem>>[vector<16xi32>, vector<16xi32>], vector<16xf32>,
      tpu.vector_store_idx %arg7[%iota3A, %broadcast_in_dim3A_915], %gather3A_921 : memref<32x512xf32, #tpu.memory_space<vmem>>[vector<16xi32>, vector<16xi32>], vector<16xf32>,
      tpu.vector_store_idx %arg7[%add3A_5, %broadcast_in_dim3A_915], %gather3A_927 : memref<32x512xf32, #tpu.memory_space<vmem>>[vector<16xi32>, vector<16xi32>], vector<16xf32>,
      %slice3A_928 = vector.extract_strided_slice %get3A_344 {offsets = [5], sizes = [1], strides = [1]} : vector<16xi32> to vector<1xi32>
      %squeeze3A_929 = vector.extract %slice3A_928[0] : i32 from vector<1xi32>
      %rem3A_930 = arith.constant 128 : i32
      %rem3A_931 = arith.remsi %squeeze3A_929, %rem3A_930 : i32
      %broadcast_in_dim3A_932 = vector.broadcast %rem3A_931 : i32 to vector<16xi32>
      %mul3A_933 = arith.constant 2 : i32
      %mul3A_934 = arith.muli %scan3A_337, %mul3A_933 : i32
      %mul3A_935 = arith.constant 8 : i32
      %mul3A_936 = arith.muli %mul3A_934, %mul3A_935 : i32
      %add3A_937 = arith.constant 0 : i32
      %add3A_938 = arith.addi %mul3A_936, %add3A_937 : i32
      %add3A_939 = arith.constant 5 : i32
      %add3A_940 = arith.addi %add3A_938, %add3A_939 : i32
      %broadcast_in_dim3A_941 = vector.broadcast %add3A_940 : i32 to vector<16xi32>
      %gather3A_942 = arith.constant 5 : i32
      %gather3A_943 = arith.constant 0 : i32
      %gather3A_944 = arith.constant 0 : i32
      %gather3A_945 = tpu.memref_slice %arg6[%gather3A_942, %gather3A_943, %gather3A_944] : memref<16x32x128xf32, #tpu.memory_space<vmem>> -> memref<1x32x128xf32, #tpu.memory_space<vmem>>
      %gather3A_946 = tpu.memref_squeeze %gather3A_945 : memref<1x32x128xf32, #tpu.memory_space<vmem>> -> memref<32x128xf32, #tpu.memory_space<vmem>>
      %gather3A_947 = tpu.vector_load_idx %gather3A_946[%iota3A, %broadcast_in_dim3A_932] : memref<32x128xf32, #tpu.memory_space<vmem>>[vector<16xi32>, vector<16xi32>], vector<16xf32>,
      %gather3A_948 = arith.constant 5 : i32
      %gather3A_949 = arith.constant 0 : i32
      %gather3A_950 = arith.constant 0 : i32
      %gather3A_951 = tpu.memref_slice %arg6[%gather3A_948, %gather3A_949, %gather3A_950] : memref<16x32x128xf32, #tpu.memory_space<vmem>> -> memref<1x32x128xf32, #tpu.memory_space<vmem>>
      %gather3A_952 = tpu.memref_squeeze %gather3A_951 : memref<1x32x128xf32, #tpu.memory_space<vmem>> -> memref<32x128xf32, #tpu.memory_space<vmem>>
      %gather3A_953 = tpu.vector_load_idx %gather3A_952[%add3A_5, %broadcast_in_dim3A_932] : memref<32x128xf32, #tpu.memory_space<vmem>>[vector<16xi32>, vector<16xi32>], vector<16xf32>,
      tpu.vector_store_idx %arg7[%iota3A, %broadcast_in_dim3A_941], %gather3A_947 : memref<32x512xf32, #tpu.memory_space<vmem>>[vector<16xi32>, vector<16xi32>], vector<16xf32>,
      tpu.vector_store_idx %arg7[%add3A_5, %broadcast_in_dim3A_941], %gather3A_953 : memref<32x512xf32, #tpu.memory_space<vmem>>[vector<16xi32>, vector<16xi32>], vector<16xf32>,
      %slice3A_954 = vector.extract_strided_slice %get3A_344 {offsets = [6], sizes = [1], strides = [1]} : vector<16xi32> to vector<1xi32>
      %squeeze3A_955 = vector.extract %slice3A_954[0] : i32 from vector<1xi32>
      %rem3A_956 = arith.constant 128 : i32
      %rem3A_957 = arith.remsi %squeeze3A_955, %rem3A_956 : i32
      %broadcast_in_dim3A_958 = vector.broadcast %rem3A_957 : i32 to vector<16xi32>
      %mul3A_959 = arith.constant 2 : i32
      %mul3A_960 = arith.muli %scan3A_337, %mul3A_959 : i32
      %mul3A_961 = arith.constant 8 : i32
      %mul3A_962 = arith.muli %mul3A_960, %mul3A_961 : i32
      %add3A_963 = arith.constant 0 : i32
      %add3A_964 = arith.addi %mul3A_962, %add3A_963 : i32
      %add3A_965 = arith.constant 6 : i32
      %add3A_966 = arith.addi %add3A_964, %add3A_965 : i32
      %broadcast_in_dim3A_967 = vector.broadcast %add3A_966 : i32 to vector<16xi32>
      %gather3A_968 = arith.constant 6 : i32
      %gather3A_969 = arith.constant 0 : i32
      %gather3A_970 = arith.constant 0 : i32
      %gather3A_971 = tpu.memref_slice %arg6[%gather3A_968, %gather3A_969, %gather3A_970] : memref<16x32x128xf32, #tpu.memory_space<vmem>> -> memref<1x32x128xf32, #tpu.memory_space<vmem>>
      %gather3A_972 = tpu.memref_squeeze %gather3A_971 : memref<1x32x128xf32, #tpu.memory_space<vmem>> -> memref<32x128xf32, #tpu.memory_space<vmem>>
      %gather3A_973 = tpu.vector_load_idx %gather3A_972[%iota3A, %broadcast_in_dim3A_958] : memref<32x128xf32, #tpu.memory_space<vmem>>[vector<16xi32>, vector<16xi32>], vector<16xf32>,
      %gather3A_974 = arith.constant 6 : i32
      %gather3A_975 = arith.constant 0 : i32
      %gather3A_976 = arith.constant 0 : i32
      %gather3A_977 = tpu.memref_slice %arg6[%gather3A_974, %gather3A_975, %gather3A_976] : memref<16x32x128xf32, #tpu.memory_space<vmem>> -> memref<1x32x128xf32, #tpu.memory_space<vmem>>
      %gather3A_978 = tpu.memref_squeeze %gather3A_977 : memref<1x32x128xf32, #tpu.memory_space<vmem>> -> memref<32x128xf32, #tpu.memory_space<vmem>>
      %gather3A_979 = tpu.vector_load_idx %gather3A_978[%add3A_5, %broadcast_in_dim3A_958] : memref<32x128xf32, #tpu.memory_space<vmem>>[vector<16xi32>, vector<16xi32>], vector<16xf32>,
      tpu.vector_store_idx %arg7[%iota3A, %broadcast_in_dim3A_967], %gather3A_973 : memref<32x512xf32, #tpu.memory_space<vmem>>[vector<16xi32>, vector<16xi32>], vector<16xf32>,
      tpu.vector_store_idx %arg7[%add3A_5, %broadcast_in_dim3A_967], %gather3A_979 : memref<32x512xf32, #tpu.memory_space<vmem>>[vector<16xi32>, vector<16xi32>], vector<16xf32>,
      %slice3A_980 = vector.extract_strided_slice %get3A_344 {offsets = [7], sizes = [1], strides = [1]} : vector<16xi32> to vector<1xi32>
      %squeeze3A_981 = vector.extract %slice3A_980[0] : i32 from vector<1xi32>
      %rem3A_982 = arith.constant 128 : i32
      %rem3A_983 = arith.remsi %squeeze3A_981, %rem3A_982 : i32
      %broadcast_in_dim3A_984 = vector.broadcast %rem3A_983 : i32 to vector<16xi32>
      %mul3A_985 = arith.constant 2 : i32
      %mul3A_986 = arith.muli %scan3A_337, %mul3A_985 : i32
      %mul3A_987 = arith.constant 8 : i32
      %mul3A_988 = arith.muli %mul3A_986, %mul3A_987 : i32
      %add3A_989 = arith.constant 0 : i32
      %add3A_990 = arith.addi %mul3A_988, %add3A_989 : i32
      %add3A_991 = arith.constant 7 : i32
      %add3A_992 = arith.addi %add3A_990, %add3A_991 : i32
      %broadcast_in_dim3A_993 = vector.broadcast %add3A_992 : i32 to vector<16xi32>
      %gather3A_994 = arith.constant 7 : i32
      %gather3A_995 = arith.constant 0 : i32
      %gather3A_996 = arith.constant 0 : i32
      %gather3A_997 = tpu.memref_slice %arg6[%gather3A_994, %gather3A_995, %gather3A_996] : memref<16x32x128xf32, #tpu.memory_space<vmem>> -> memref<1x32x128xf32, #tpu.memory_space<vmem>>
      %gather3A_998 = tpu.memref_squeeze %gather3A_997 : memref<1x32x128xf32, #tpu.memory_space<vmem>> -> memref<32x128xf32, #tpu.memory_space<vmem>>
      %gather3A_999 = tpu.vector_load_idx %gather3A_998[%iota3A, %broadcast_in_dim3A_984] : memref<32x128xf32, #tpu.memory_space<vmem>>[vector<16xi32>, vector<16xi32>], vector<16xf32>,
      %gather3A_1000 = arith.constant 7 : i32
      %gather3A_1001 = arith.constant 0 : i32
      %gather3A_1002 = arith.constant 0 : i32
      %gather3A_1003 = tpu.memref_slice %arg6[%gather3A_1000, %gather3A_1001, %gather3A_1002] : memref<16x32x128xf32, #tpu.memory_space<vmem>> -> memref<1x32x128xf32, #tpu.memory_space<vmem>>
      %gather3A_1004 = tpu.memref_squeeze %gather3A_1003 : memref<1x32x128xf32, #tpu.memory_space<vmem>> -> memref<32x128xf32, #tpu.memory_space<vmem>>
      %gather3A_1005 = tpu.vector_load_idx %gather3A_1004[%add3A_5, %broadcast_in_dim3A_984] : memref<32x128xf32, #tpu.memory_space<vmem>>[vector<16xi32>, vector<16xi32>], vector<16xf32>,
      tpu.vector_store_idx %arg7[%iota3A, %broadcast_in_dim3A_993], %gather3A_999 : memref<32x512xf32, #tpu.memory_space<vmem>>[vector<16xi32>, vector<16xi32>], vector<16xf32>,
      tpu.vector_store_idx %arg7[%add3A_5, %broadcast_in_dim3A_993], %gather3A_1005 : memref<32x512xf32, #tpu.memory_space<vmem>>[vector<16xi32>, vector<16xi32>], vector<16xf32>,
      %lt3A = arith.constant 31 : i32
      %lt3A_1006 = arith.cmpi slt, %scan3A_337, %lt3A : i32
      %convert_element_type3A = arith.extui %lt3A_1006 : i1 to i32
      %cond3A = arith.constant 0 : i32
      %cond3A_1007 = arith.cmpi ne, %convert_element_type3A, %cond3A : i32
      scf.if %cond3A_1007 {
        %add3A_1336 = arith.constant 1 : i32
        %add3A_1337 = arith.addi %scan3A_337, %add3A_1336 : i32
        %mul3A_1338 = arith.constant 2 : i32
        %mul3A_1339 = arith.muli %add3A_1337, %mul3A_1338 : i32
        %mul3A_1340 = arith.constant 8 : i32
        %mul3A_1341 = arith.muli %mul3A_1339, %mul3A_1340 : i32
        %add3A_1342 = arith.addi %mul3A_2, %mul3A_1341 : i32
        %get3A_1343 = arith.index_cast %add3A_1342 : i32 to index
        %get3A_1344 = tpu.vector_load %arg5[%get3A_1343] {strides = array<i32>} : memref<16384xi32, #tpu.memory_space<vmem>>, vector<16xi32>,
        %slice3A_1345 = vector.extract_strided_slice %get3A_1344 {offsets = [0], sizes = [1], strides = [1]} : vector<16xi32> to vector<1xi32>
        %squeeze3A_1346 = vector.extract %slice3A_1345[0] : i32 from vector<1xi32>
        %jit3A_1347 = arith.constant 128 : i32
        %div3A_1348 = arith.divsi %squeeze3A_1346, %jit3A_1347 : i32
        %sign3A_1349 = arith.constant 0 : i32
        %sign3A_1350 = arith.cmpi sgt, %squeeze3A_1346, %sign3A_1349 : i32
        %sign3A_1351 = arith.extui %sign3A_1350 : i1 to i32
        %sign3A_1352 = arith.constant 0 : i32
        %sign3A_1353 = arith.cmpi slt, %squeeze3A_1346, %sign3A_1352 : i32
        %sign3A_1354 = arith.extui %sign3A_1353 : i1 to i32
        %sign3A_1355 = arith.subi %sign3A_1351, %sign3A_1354 : i32
        %sign3A_1356 = arith.constant 0 : i32
        %sign3A_1357 = arith.cmpi sgt, %jit3A_1347, %sign3A_1356 : i32
        %sign3A_1358 = arith.extui %sign3A_1357 : i1 to i32
        %sign3A_1359 = arith.constant 0 : i32
        %sign3A_1360 = arith.cmpi slt, %jit3A_1347, %sign3A_1359 : i32
        %sign3A_1361 = arith.extui %sign3A_1360 : i1 to i32
        %sign3A_1362 = arith.subi %sign3A_1358, %sign3A_1361 : i32
        %ne3A_1363 = arith.cmpi ne, %sign3A_1355, %sign3A_1362 : i32
        %rem3A_1364 = arith.remsi %squeeze3A_1346, %jit3A_1347 : i32
        %ne3A_1365 = arith.constant 0 : i32
        %ne3A_1366 = arith.cmpi ne, %rem3A_1364, %ne3A_1365 : i32
        %and3A_1367 = arith.andi %ne3A_1363, %ne3A_1366 : i1
        %sub3A_1368 = arith.constant 1 : i32
        %sub3A_1369 = arith.subi %div3A_1348, %sub3A_1368 : i32
        %select_n3A_1370 = arith.select %and3A_1367, %sub3A_1369, %div3A_1348 : i32
        %mul3A_1371 = arith.constant 128 : i32
        %mul3A_1372 = arith.muli %select_n3A_1370, %mul3A_1371 : i32
        %multiple_of3A_1373 = tpu.assume_multiple %mul3A_1372, 128 : i32
        %dma_start3A_1374 = arith.constant 0 : i32
        %dma_start3A_1375 = arith.constant 0 : i32
        %dma_start3A_1376 = arith.constant 0 : i32
        %dma_start3A_1377 = tpu.memref_slice %arg6[%dma_start3A_1374, %dma_start3A_1375, %dma_start3A_1376] : memref<16x32x128xf32, #tpu.memory_space<vmem>> -> memref<1x32x128xf32, #tpu.memory_space<vmem>>
        %dma_start3A_1378 = tpu.memref_squeeze %dma_start3A_1377 : memref<1x32x128xf32, #tpu.memory_space<vmem>> -> memref<32x128xf32, #tpu.memory_space<vmem>>
        %dma_start3A_1379 = arith.constant 0 : i32
        %dma_start3A_1380 = tpu.memref_slice %arg3[%dma_start3A_1379, %multiple_of3A_1373] : memref<32x1000000xf32, #tpu.memory_space<hbm>> -> memref<32x128xf32, #tpu.memory_space<hbm>>
        %dma_start3A_1381 = arith.constant 0 : i32
        %dma_start3A_1382 = arith.constant 0 : i32
        %dma_start3A_1383 = tpu.memref_slice %arg6[%dma_start3A_1374, %dma_start3A_1381, %dma_start3A_1382] : memref<16x32x128xf32, #tpu.memory_space<vmem>> -> memref<1x32x128xf32, #tpu.memory_space<vmem>>
        %dma_start3A_1384 = tpu.memref_squeeze %dma_start3A_1383 : memref<1x32x128xf32, #tpu.memory_space<vmem>> -> memref<32x128xf32, #tpu.memory_space<vmem>>
        %dma_start3A_1385 = arith.constant 0 : i32
        %dma_start3A_1386 = tpu.memref_slice %arg3[%dma_start3A_1385, %multiple_of3A_1373] : memref<32x1000000xf32, #tpu.memory_space<hbm>> -> memref<32x128xf32, #tpu.memory_space<hbm>>
        tpu.enqueue_dma source(%dma_start3A_1386 : memref<32x128xf32, #tpu.memory_space<hbm>>) target(%dma_start3A_1384 : memref<32x128xf32, #tpu.memory_space<vmem>>) target_semaphore(%arg8 : memref<!tpu.dma_semaphore, #tpu.memory_space<semaphore_mem>>)
        %slice3A_1387 = vector.extract_strided_slice %get3A_1344 {offsets = [1], sizes = [1], strides = [1]} : vector<16xi32> to vector<1xi32>
        %squeeze3A_1388 = vector.extract %slice3A_1387[0] : i32 from vector<1xi32>
        %jit3A_1389 = arith.constant 128 : i32
        %div3A_1390 = arith.divsi %squeeze3A_1388, %jit3A_1389 : i32
        %sign3A_1391 = arith.constant 0 : i32
        %sign3A_1392 = arith.cmpi sgt, %squeeze3A_1388, %sign3A_1391 : i32
        %sign3A_1393 = arith.extui %sign3A_1392 : i1 to i32
        %sign3A_1394 = arith.constant 0 : i32
        %sign3A_1395 = arith.cmpi slt, %squeeze3A_1388, %sign3A_1394 : i32
        %sign3A_1396 = arith.extui %sign3A_1395 : i1 to i32
        %sign3A_1397 = arith.subi %sign3A_1393, %sign3A_1396 : i32
        %sign3A_1398 = arith.constant 0 : i32
        %sign3A_1399 = arith.cmpi sgt, %jit3A_1389, %sign3A_1398 : i32
        %sign3A_1400 = arith.extui %sign3A_1399 : i1 to i32
        %sign3A_1401 = arith.constant 0 : i32
        %sign3A_1402 = arith.cmpi slt, %jit3A_1389, %sign3A_1401 : i32
        %sign3A_1403 = arith.extui %sign3A_1402 : i1 to i32
        %sign3A_1404 = arith.subi %sign3A_1400, %sign3A_1403 : i32
        %ne3A_1405 = arith.cmpi ne, %sign3A_1397, %sign3A_1404 : i32
        %rem3A_1406 = arith.remsi %squeeze3A_1388, %jit3A_1389 : i32
        %ne3A_1407 = arith.constant 0 : i32
        %ne3A_1408 = arith.cmpi ne, %rem3A_1406, %ne3A_1407 : i32
        %and3A_1409 = arith.andi %ne3A_1405, %ne3A_1408 : i1
        %sub3A_1410 = arith.constant 1 : i32
        %sub3A_1411 = arith.subi %div3A_1390, %sub3A_1410 : i32
        %select_n3A_1412 = arith.select %and3A_1409, %sub3A_1411, %div3A_1390 : i32
        %mul3A_1413 = arith.constant 128 : i32
        %mul3A_1414 = arith.muli %select_n3A_1412, %mul3A_1413 : i32
        %multiple_of3A_1415 = tpu.assume_multiple %mul3A_1414, 128 : i32
        %dma_start3A_1416 = arith.constant 1 : i32
        %dma_start3A_1417 = arith.constant 0 : i32
        %dma_start3A_1418 = arith.constant 0 : i32
        %dma_start3A_1419 = tpu.memref_slice %arg6[%dma_start3A_1416, %dma_start3A_1417, %dma_start3A_1418] : memref<16x32x128xf32, #tpu.memory_space<vmem>> -> memref<1x32x128xf32, #tpu.memory_space<vmem>>
        %dma_start3A_1420 = tpu.memref_squeeze %dma_start3A_1419 : memref<1x32x128xf32, #tpu.memory_space<vmem>> -> memref<32x128xf32, #tpu.memory_space<vmem>>
        %dma_start3A_1421 = arith.constant 0 : i32
        %dma_start3A_1422 = tpu.memref_slice %arg3[%dma_start3A_1421, %multiple_of3A_1415] : memref<32x1000000xf32, #tpu.memory_space<hbm>> -> memref<32x128xf32, #tpu.memory_space<hbm>>
        %dma_start3A_1423 = arith.constant 0 : i32
        %dma_start3A_1424 = arith.constant 0 : i32
        %dma_start3A_1425 = tpu.memref_slice %arg6[%dma_start3A_1416, %dma_start3A_1423, %dma_start3A_1424] : memref<16x32x128xf32, #tpu.memory_space<vmem>> -> memref<1x32x128xf32, #tpu.memory_space<vmem>>
        %dma_start3A_1426 = tpu.memref_squeeze %dma_start3A_1425 : memref<1x32x128xf32, #tpu.memory_space<vmem>> -> memref<32x128xf32, #tpu.memory_space<vmem>>
        %dma_start3A_1427 = arith.constant 0 : i32
        %dma_start3A_1428 = tpu.memref_slice %arg3[%dma_start3A_1427, %multiple_of3A_1415] : memref<32x1000000xf32, #tpu.memory_space<hbm>> -> memref<32x128xf32, #tpu.memory_space<hbm>>
        tpu.enqueue_dma source(%dma_start3A_1428 : memref<32x128xf32, #tpu.memory_space<hbm>>) target(%dma_start3A_1426 : memref<32x128xf32, #tpu.memory_space<vmem>>) target_semaphore(%arg8 : memref<!tpu.dma_semaphore, #tpu.memory_space<semaphore_mem>>)
        %slice3A_1429 = vector.extract_strided_slice %get3A_1344 {offsets = [2], sizes = [1], strides = [1]} : vector<16xi32> to vector<1xi32>
        %squeeze3A_1430 = vector.extract %slice3A_1429[0] : i32 from vector<1xi32>
        %jit3A_1431 = arith.constant 128 : i32
        %div3A_1432 = arith.divsi %squeeze3A_1430, %jit3A_1431 : i32
        %sign3A_1433 = arith.constant 0 : i32
        %sign3A_1434 = arith.cmpi sgt, %squeeze3A_1430, %sign3A_1433 : i32
        %sign3A_1435 = arith.extui %sign3A_1434 : i1 to i32
        %sign3A_1436 = arith.constant 0 : i32
        %sign3A_1437 = arith.cmpi slt, %squeeze3A_1430, %sign3A_1436 : i32
        %sign3A_1438 = arith.extui %sign3A_1437 : i1 to i32
        %sign3A_1439 = arith.subi %sign3A_1435, %sign3A_1438 : i32
        %sign3A_1440 = arith.constant 0 : i32
        %sign3A_1441 = arith.cmpi sgt, %jit3A_1431, %sign3A_1440 : i32
        %sign3A_1442 = arith.extui %sign3A_1441 : i1 to i32
        %sign3A_1443 = arith.constant 0 : i32
        %sign3A_1444 = arith.cmpi slt, %jit3A_1431, %sign3A_1443 : i32
        %sign3A_1445 = arith.extui %sign3A_1444 : i1 to i32
        %sign3A_1446 = arith.subi %sign3A_1442, %sign3A_1445 : i32
        %ne3A_1447 = arith.cmpi ne, %sign3A_1439, %sign3A_1446 : i32
        %rem3A_1448 = arith.remsi %squeeze3A_1430, %jit3A_1431 : i32
        %ne3A_1449 = arith.constant 0 : i32
        %ne3A_1450 = arith.cmpi ne, %rem3A_1448, %ne3A_1449 : i32
        %and3A_1451 = arith.andi %ne3A_1447, %ne3A_1450 : i1
        %sub3A_1452 = arith.constant 1 : i32
        %sub3A_1453 = arith.subi %div3A_1432, %sub3A_1452 : i32
        %select_n3A_1454 = arith.select %and3A_1451, %sub3A_1453, %div3A_1432 : i32
        %mul3A_1455 = arith.constant 128 : i32
        %mul3A_1456 = arith.muli %select_n3A_1454, %mul3A_1455 : i32
        %multiple_of3A_1457 = tpu.assume_multiple %mul3A_1456, 128 : i32
        %dma_start3A_1458 = arith.constant 2 : i32
        %dma_start3A_1459 = arith.constant 0 : i32
        %dma_start3A_1460 = arith.constant 0 : i32
        %dma_start3A_1461 = tpu.memref_slice %arg6[%dma_start3A_1458, %dma_start3A_1459, %dma_start3A_1460] : memref<16x32x128xf32, #tpu.memory_space<vmem>> -> memref<1x32x128xf32, #tpu.memory_space<vmem>>
        %dma_start3A_1462 = tpu.memref_squeeze %dma_start3A_1461 : memref<1x32x128xf32, #tpu.memory_space<vmem>> -> memref<32x128xf32, #tpu.memory_space<vmem>>
        %dma_start3A_1463 = arith.constant 0 : i32
        %dma_start3A_1464 = tpu.memref_slice %arg3[%dma_start3A_1463, %multiple_of3A_1457] : memref<32x1000000xf32, #tpu.memory_space<hbm>> -> memref<32x128xf32, #tpu.memory_space<hbm>>
        %dma_start3A_1465 = arith.constant 0 : i32
        %dma_start3A_1466 = arith.constant 0 : i32
        %dma_start3A_1467 = tpu.memref_slice %arg6[%dma_start3A_1458, %dma_start3A_1465, %dma_start3A_1466] : memref<16x32x128xf32, #tpu.memory_space<vmem>> -> memref<1x32x128xf32, #tpu.memory_space<vmem>>
        %dma_start3A_1468 = tpu.memref_squeeze %dma_start3A_1467 : memref<1x32x128xf32, #tpu.memory_space<vmem>> -> memref<32x128xf32, #tpu.memory_space<vmem>>
        %dma_start3A_1469 = arith.constant 0 : i32
        %dma_start3A_1470 = tpu.memref_slice %arg3[%dma_start3A_1469, %multiple_of3A_1457] : memref<32x1000000xf32, #tpu.memory_space<hbm>> -> memref<32x128xf32, #tpu.memory_space<hbm>>
        tpu.enqueue_dma source(%dma_start3A_1470 : memref<32x128xf32, #tpu.memory_space<hbm>>) target(%dma_start3A_1468 : memref<32x128xf32, #tpu.memory_space<vmem>>) target_semaphore(%arg8 : memref<!tpu.dma_semaphore, #tpu.memory_space<semaphore_mem>>)
        %slice3A_1471 = vector.extract_strided_slice %get3A_1344 {offsets = [3], sizes = [1], strides = [1]} : vector<16xi32> to vector<1xi32>
        %squeeze3A_1472 = vector.extract %slice3A_1471[0] : i32 from vector<1xi32>
        %jit3A_1473 = arith.constant 128 : i32
        %div3A_1474 = arith.divsi %squeeze3A_1472, %jit3A_1473 : i32
        %sign3A_1475 = arith.constant 0 : i32
        %sign3A_1476 = arith.cmpi sgt, %squeeze3A_1472, %sign3A_1475 : i32
        %sign3A_1477 = arith.extui %sign3A_1476 : i1 to i32
        %sign3A_1478 = arith.constant 0 : i32
        %sign3A_1479 = arith.cmpi slt, %squeeze3A_1472, %sign3A_1478 : i32
        %sign3A_1480 = arith.extui %sign3A_1479 : i1 to i32
        %sign3A_1481 = arith.subi %sign3A_1477, %sign3A_1480 : i32
        %sign3A_1482 = arith.constant 0 : i32
        %sign3A_1483 = arith.cmpi sgt, %jit3A_1473, %sign3A_1482 : i32
        %sign3A_1484 = arith.extui %sign3A_1483 : i1 to i32
        %sign3A_1485 = arith.constant 0 : i32
        %sign3A_1486 = arith.cmpi slt, %jit3A_1473, %sign3A_1485 : i32
        %sign3A_1487 = arith.extui %sign3A_1486 : i1 to i32
        %sign3A_1488 = arith.subi %sign3A_1484, %sign3A_1487 : i32
        %ne3A_1489 = arith.cmpi ne, %sign3A_1481, %sign3A_1488 : i32
        %rem3A_1490 = arith.remsi %squeeze3A_1472, %jit3A_1473 : i32
        %ne3A_1491 = arith.constant 0 : i32
        %ne3A_1492 = arith.cmpi ne, %rem3A_1490, %ne3A_1491 : i32
        %and3A_1493 = arith.andi %ne3A_1489, %ne3A_1492 : i1
        %sub3A_1494 = arith.constant 1 : i32
        %sub3A_1495 = arith.subi %div3A_1474, %sub3A_1494 : i32
        %select_n3A_1496 = arith.select %and3A_1493, %sub3A_1495, %div3A_1474 : i32
        %mul3A_1497 = arith.constant 128 : i32
        %mul3A_1498 = arith.muli %select_n3A_1496, %mul3A_1497 : i32
        %multiple_of3A_1499 = tpu.assume_multiple %mul3A_1498, 128 : i32
        %dma_start3A_1500 = arith.constant 3 : i32
        %dma_start3A_1501 = arith.constant 0 : i32
        %dma_start3A_1502 = arith.constant 0 : i32
        %dma_start3A_1503 = tpu.memref_slice %arg6[%dma_start3A_1500, %dma_start3A_1501, %dma_start3A_1502] : memref<16x32x128xf32, #tpu.memory_space<vmem>> -> memref<1x32x128xf32, #tpu.memory_space<vmem>>
        %dma_start3A_1504 = tpu.memref_squeeze %dma_start3A_1503 : memref<1x32x128xf32, #tpu.memory_space<vmem>> -> memref<32x128xf32, #tpu.memory_space<vmem>>
        %dma_start3A_1505 = arith.constant 0 : i32
        %dma_start3A_1506 = tpu.memref_slice %arg3[%dma_start3A_1505, %multiple_of3A_1499] : memref<32x1000000xf32, #tpu.memory_space<hbm>> -> memref<32x128xf32, #tpu.memory_space<hbm>>
        %dma_start3A_1507 = arith.constant 0 : i32
        %dma_start3A_1508 = arith.constant 0 : i32
        %dma_start3A_1509 = tpu.memref_slice %arg6[%dma_start3A_1500, %dma_start3A_1507, %dma_start3A_1508] : memref<16x32x128xf32, #tpu.memory_space<vmem>> -> memref<1x32x128xf32, #tpu.memory_space<vmem>>
        %dma_start3A_1510 = tpu.memref_squeeze %dma_start3A_1509 : memref<1x32x128xf32, #tpu.memory_space<vmem>> -> memref<32x128xf32, #tpu.memory_space<vmem>>
        %dma_start3A_1511 = arith.constant 0 : i32
        %dma_start3A_1512 = tpu.memref_slice %arg3[%dma_start3A_1511, %multiple_of3A_1499] : memref<32x1000000xf32, #tpu.memory_space<hbm>> -> memref<32x128xf32, #tpu.memory_space<hbm>>
        tpu.enqueue_dma source(%dma_start3A_1512 : memref<32x128xf32, #tpu.memory_space<hbm>>) target(%dma_start3A_1510 : memref<32x128xf32, #tpu.memory_space<vmem>>) target_semaphore(%arg8 : memref<!tpu.dma_semaphore, #tpu.memory_space<semaphore_mem>>)
        %slice3A_1513 = vector.extract_strided_slice %get3A_1344 {offsets = [4], sizes = [1], strides = [1]} : vector<16xi32> to vector<1xi32>
        %squeeze3A_1514 = vector.extract %slice3A_1513[0] : i32 from vector<1xi32>
        %jit3A_1515 = arith.constant 128 : i32
        %div3A_1516 = arith.divsi %squeeze3A_1514, %jit3A_1515 : i32
        %sign3A_1517 = arith.constant 0 : i32
        %sign3A_1518 = arith.cmpi sgt, %squeeze3A_1514, %sign3A_1517 : i32
        %sign3A_1519 = arith.extui %sign3A_1518 : i1 to i32
        %sign3A_1520 = arith.constant 0 : i32
        %sign3A_1521 = arith.cmpi slt, %squeeze3A_1514, %sign3A_1520 : i32
        %sign3A_1522 = arith.extui %sign3A_1521 : i1 to i32
        %sign3A_1523 = arith.subi %sign3A_1519, %sign3A_1522 : i32
        %sign3A_1524 = arith.constant 0 : i32
        %sign3A_1525 = arith.cmpi sgt, %jit3A_1515, %sign3A_1524 : i32
        %sign3A_1526 = arith.extui %sign3A_1525 : i1 to i32
        %sign3A_1527 = arith.constant 0 : i32
        %sign3A_1528 = arith.cmpi slt, %jit3A_1515, %sign3A_1527 : i32
        %sign3A_1529 = arith.extui %sign3A_1528 : i1 to i32
        %sign3A_1530 = arith.subi %sign3A_1526, %sign3A_1529 : i32
        %ne3A_1531 = arith.cmpi ne, %sign3A_1523, %sign3A_1530 : i32
        %rem3A_1532 = arith.remsi %squeeze3A_1514, %jit3A_1515 : i32
        %ne3A_1533 = arith.constant 0 : i32
        %ne3A_1534 = arith.cmpi ne, %rem3A_1532, %ne3A_1533 : i32
        %and3A_1535 = arith.andi %ne3A_1531, %ne3A_1534 : i1
        %sub3A_1536 = arith.constant 1 : i32
        %sub3A_1537 = arith.subi %div3A_1516, %sub3A_1536 : i32
        %select_n3A_1538 = arith.select %and3A_1535, %sub3A_1537, %div3A_1516 : i32
        %mul3A_1539 = arith.constant 128 : i32
        %mul3A_1540 = arith.muli %select_n3A_1538, %mul3A_1539 : i32
        %multiple_of3A_1541 = tpu.assume_multiple %mul3A_1540, 128 : i32
        %dma_start3A_1542 = arith.constant 4 : i32
        %dma_start3A_1543 = arith.constant 0 : i32
        %dma_start3A_1544 = arith.constant 0 : i32
        %dma_start3A_1545 = tpu.memref_slice %arg6[%dma_start3A_1542, %dma_start3A_1543, %dma_start3A_1544] : memref<16x32x128xf32, #tpu.memory_space<vmem>> -> memref<1x32x128xf32, #tpu.memory_space<vmem>>
        %dma_start3A_1546 = tpu.memref_squeeze %dma_start3A_1545 : memref<1x32x128xf32, #tpu.memory_space<vmem>> -> memref<32x128xf32, #tpu.memory_space<vmem>>
        %dma_start3A_1547 = arith.constant 0 : i32
        %dma_start3A_1548 = tpu.memref_slice %arg3[%dma_start3A_1547, %multiple_of3A_1541] : memref<32x1000000xf32, #tpu.memory_space<hbm>> -> memref<32x128xf32, #tpu.memory_space<hbm>>
        %dma_start3A_1549 = arith.constant 0 : i32
        %dma_start3A_1550 = arith.constant 0 : i32
        %dma_start3A_1551 = tpu.memref_slice %arg6[%dma_start3A_1542, %dma_start3A_1549, %dma_start3A_1550] : memref<16x32x128xf32, #tpu.memory_space<vmem>> -> memref<1x32x128xf32, #tpu.memory_space<vmem>>
        %dma_start3A_1552 = tpu.memref_squeeze %dma_start3A_1551 : memref<1x32x128xf32, #tpu.memory_space<vmem>> -> memref<32x128xf32, #tpu.memory_space<vmem>>
        %dma_start3A_1553 = arith.constant 0 : i32
        %dma_start3A_1554 = tpu.memref_slice %arg3[%dma_start3A_1553, %multiple_of3A_1541] : memref<32x1000000xf32, #tpu.memory_space<hbm>> -> memref<32x128xf32, #tpu.memory_space<hbm>>
        tpu.enqueue_dma source(%dma_start3A_1554 : memref<32x128xf32, #tpu.memory_space<hbm>>) target(%dma_start3A_1552 : memref<32x128xf32, #tpu.memory_space<vmem>>) target_semaphore(%arg8 : memref<!tpu.dma_semaphore, #tpu.memory_space<semaphore_mem>>)
        %slice3A_1555 = vector.extract_strided_slice %get3A_1344 {offsets = [5], sizes = [1], strides = [1]} : vector<16xi32> to vector<1xi32>
        %squeeze3A_1556 = vector.extract %slice3A_1555[0] : i32 from vector<1xi32>
        %jit3A_1557 = arith.constant 128 : i32
        %div3A_1558 = arith.divsi %squeeze3A_1556, %jit3A_1557 : i32
        %sign3A_1559 = arith.constant 0 : i32
        %sign3A_1560 = arith.cmpi sgt, %squeeze3A_1556, %sign3A_1559 : i32
        %sign3A_1561 = arith.extui %sign3A_1560 : i1 to i32
        %sign3A_1562 = arith.constant 0 : i32
        %sign3A_1563 = arith.cmpi slt, %squeeze3A_1556, %sign3A_1562 : i32
        %sign3A_1564 = arith.extui %sign3A_1563 : i1 to i32
        %sign3A_1565 = arith.subi %sign3A_1561, %sign3A_1564 : i32
        %sign3A_1566 = arith.constant 0 : i32
        %sign3A_1567 = arith.cmpi sgt, %jit3A_1557, %sign3A_1566 : i32
        %sign3A_1568 = arith.extui %sign3A_1567 : i1 to i32
        %sign3A_1569 = arith.constant 0 : i32
        %sign3A_1570 = arith.cmpi slt, %jit3A_1557, %sign3A_1569 : i32
        %sign3A_1571 = arith.extui %sign3A_1570 : i1 to i32
        %sign3A_1572 = arith.subi %sign3A_1568, %sign3A_1571 : i32
        %ne3A_1573 = arith.cmpi ne, %sign3A_1565, %sign3A_1572 : i32
        %rem3A_1574 = arith.remsi %squeeze3A_1556, %jit3A_1557 : i32
        %ne3A_1575 = arith.constant 0 : i32
        %ne3A_1576 = arith.cmpi ne, %rem3A_1574, %ne3A_1575 : i32
        %and3A_1577 = arith.andi %ne3A_1573, %ne3A_1576 : i1
        %sub3A_1578 = arith.constant 1 : i32
        %sub3A_1579 = arith.subi %div3A_1558, %sub3A_1578 : i32
        %select_n3A_1580 = arith.select %and3A_1577, %sub3A_1579, %div3A_1558 : i32
        %mul3A_1581 = arith.constant 128 : i32
        %mul3A_1582 = arith.muli %select_n3A_1580, %mul3A_1581 : i32
        %multiple_of3A_1583 = tpu.assume_multiple %mul3A_1582, 128 : i32
        %dma_start3A_1584 = arith.constant 5 : i32
        %dma_start3A_1585 = arith.constant 0 : i32
        %dma_start3A_1586 = arith.constant 0 : i32
        %dma_start3A_1587 = tpu.memref_slice %arg6[%dma_start3A_1584, %dma_start3A_1585, %dma_start3A_1586] : memref<16x32x128xf32, #tpu.memory_space<vmem>> -> memref<1x32x128xf32, #tpu.memory_space<vmem>>
        %dma_start3A_1588 = tpu.memref_squeeze %dma_start3A_1587 : memref<1x32x128xf32, #tpu.memory_space<vmem>> -> memref<32x128xf32, #tpu.memory_space<vmem>>
        %dma_start3A_1589 = arith.constant 0 : i32
        %dma_start3A_1590 = tpu.memref_slice %arg3[%dma_start3A_1589, %multiple_of3A_1583] : memref<32x1000000xf32, #tpu.memory_space<hbm>> -> memref<32x128xf32, #tpu.memory_space<hbm>>
        %dma_start3A_1591 = arith.constant 0 : i32
        %dma_start3A_1592 = arith.constant 0 : i32
        %dma_start3A_1593 = tpu.memref_slice %arg6[%dma_start3A_1584, %dma_start3A_1591, %dma_start3A_1592] : memref<16x32x128xf32, #tpu.memory_space<vmem>> -> memref<1x32x128xf32, #tpu.memory_space<vmem>>
        %dma_start3A_1594 = tpu.memref_squeeze %dma_start3A_1593 : memref<1x32x128xf32, #tpu.memory_space<vmem>> -> memref<32x128xf32, #tpu.memory_space<vmem>>
        %dma_start3A_1595 = arith.constant 0 : i32
        %dma_start3A_1596 = tpu.memref_slice %arg3[%dma_start3A_1595, %multiple_of3A_1583] : memref<32x1000000xf32, #tpu.memory_space<hbm>> -> memref<32x128xf32, #tpu.memory_space<hbm>>
        tpu.enqueue_dma source(%dma_start3A_1596 : memref<32x128xf32, #tpu.memory_space<hbm>>) target(%dma_start3A_1594 : memref<32x128xf32, #tpu.memory_space<vmem>>) target_semaphore(%arg8 : memref<!tpu.dma_semaphore, #tpu.memory_space<semaphore_mem>>)
        %slice3A_1597 = vector.extract_strided_slice %get3A_1344 {offsets = [6], sizes = [1], strides = [1]} : vector<16xi32> to vector<1xi32>
        %squeeze3A_1598 = vector.extract %slice3A_1597[0] : i32 from vector<1xi32>
        %jit3A_1599 = arith.constant 128 : i32
        %div3A_1600 = arith.divsi %squeeze3A_1598, %jit3A_1599 : i32
        %sign3A_1601 = arith.constant 0 : i32
        %sign3A_1602 = arith.cmpi sgt, %squeeze3A_1598, %sign3A_1601 : i32
        %sign3A_1603 = arith.extui %sign3A_1602 : i1 to i32
        %sign3A_1604 = arith.constant 0 : i32
        %sign3A_1605 = arith.cmpi slt, %squeeze3A_1598, %sign3A_1604 : i32
        %sign3A_1606 = arith.extui %sign3A_1605 : i1 to i32
        %sign3A_1607 = arith.subi %sign3A_1603, %sign3A_1606 : i32
        %sign3A_1608 = arith.constant 0 : i32
        %sign3A_1609 = arith.cmpi sgt, %jit3A_1599, %sign3A_1608 : i32
        %sign3A_1610 = arith.extui %sign3A_1609 : i1 to i32
        %sign3A_1611 = arith.constant 0 : i32
        %sign3A_1612 = arith.cmpi slt, %jit3A_1599, %sign3A_1611 : i32
        %sign3A_1613 = arith.extui %sign3A_1612 : i1 to i32
        %sign3A_1614 = arith.subi %sign3A_1610, %sign3A_1613 : i32
        %ne3A_1615 = arith.cmpi ne, %sign3A_1607, %sign3A_1614 : i32
        %rem3A_1616 = arith.remsi %squeeze3A_1598, %jit3A_1599 : i32
        %ne3A_1617 = arith.constant 0 : i32
        %ne3A_1618 = arith.cmpi ne, %rem3A_1616, %ne3A_1617 : i32
        %and3A_1619 = arith.andi %ne3A_1615, %ne3A_1618 : i1
        %sub3A_1620 = arith.constant 1 : i32
        %sub3A_1621 = arith.subi %div3A_1600, %sub3A_1620 : i32
        %select_n3A_1622 = arith.select %and3A_1619, %sub3A_1621, %div3A_1600 : i32
        %mul3A_1623 = arith.constant 128 : i32
        %mul3A_1624 = arith.muli %select_n3A_1622, %mul3A_1623 : i32
        %multiple_of3A_1625 = tpu.assume_multiple %mul3A_1624, 128 : i32
        %dma_start3A_1626 = arith.constant 6 : i32
        %dma_start3A_1627 = arith.constant 0 : i32
        %dma_start3A_1628 = arith.constant 0 : i32
        %dma_start3A_1629 = tpu.memref_slice %arg6[%dma_start3A_1626, %dma_start3A_1627, %dma_start3A_1628] : memref<16x32x128xf32, #tpu.memory_space<vmem>> -> memref<1x32x128xf32, #tpu.memory_space<vmem>>
        %dma_start3A_1630 = tpu.memref_squeeze %dma_start3A_1629 : memref<1x32x128xf32, #tpu.memory_space<vmem>> -> memref<32x128xf32, #tpu.memory_space<vmem>>
        %dma_start3A_1631 = arith.constant 0 : i32
        %dma_start3A_1632 = tpu.memref_slice %arg3[%dma_start3A_1631, %multiple_of3A_1625] : memref<32x1000000xf32, #tpu.memory_space<hbm>> -> memref<32x128xf32, #tpu.memory_space<hbm>>
        %dma_start3A_1633 = arith.constant 0 : i32
        %dma_start3A_1634 = arith.constant 0 : i32
        %dma_start3A_1635 = tpu.memref_slice %arg6[%dma_start3A_1626, %dma_start3A_1633, %dma_start3A_1634] : memref<16x32x128xf32, #tpu.memory_space<vmem>> -> memref<1x32x128xf32, #tpu.memory_space<vmem>>
        %dma_start3A_1636 = tpu.memref_squeeze %dma_start3A_1635 : memref<1x32x128xf32, #tpu.memory_space<vmem>> -> memref<32x128xf32, #tpu.memory_space<vmem>>
        %dma_start3A_1637 = arith.constant 0 : i32
        %dma_start3A_1638 = tpu.memref_slice %arg3[%dma_start3A_1637, %multiple_of3A_1625] : memref<32x1000000xf32, #tpu.memory_space<hbm>> -> memref<32x128xf32, #tpu.memory_space<hbm>>
        tpu.enqueue_dma source(%dma_start3A_1638 : memref<32x128xf32, #tpu.memory_space<hbm>>) target(%dma_start3A_1636 : memref<32x128xf32, #tpu.memory_space<vmem>>) target_semaphore(%arg8 : memref<!tpu.dma_semaphore, #tpu.memory_space<semaphore_mem>>)
        %slice3A_1639 = vector.extract_strided_slice %get3A_1344 {offsets = [7], sizes = [1], strides = [1]} : vector<16xi32> to vector<1xi32>
        %squeeze3A_1640 = vector.extract %slice3A_1639[0] : i32 from vector<1xi32>
        %jit3A_1641 = arith.constant 128 : i32
        %div3A_1642 = arith.divsi %squeeze3A_1640, %jit3A_1641 : i32
        %sign3A_1643 = arith.constant 0 : i32
        %sign3A_1644 = arith.cmpi sgt, %squeeze3A_1640, %sign3A_1643 : i32
        %sign3A_1645 = arith.extui %sign3A_1644 : i1 to i32
        %sign3A_1646 = arith.constant 0 : i32
        %sign3A_1647 = arith.cmpi slt, %squeeze3A_1640, %sign3A_1646 : i32
        %sign3A_1648 = arith.extui %sign3A_1647 : i1 to i32
        %sign3A_1649 = arith.subi %sign3A_1645, %sign3A_1648 : i32
        %sign3A_1650 = arith.constant 0 : i32
        %sign3A_1651 = arith.cmpi sgt, %jit3A_1641, %sign3A_1650 : i32
        %sign3A_1652 = arith.extui %sign3A_1651 : i1 to i32
        %sign3A_1653 = arith.constant 0 : i32
        %sign3A_1654 = arith.cmpi slt, %jit3A_1641, %sign3A_1653 : i32
        %sign3A_1655 = arith.extui %sign3A_1654 : i1 to i32
        %sign3A_1656 = arith.subi %sign3A_1652, %sign3A_1655 : i32
        %ne3A_1657 = arith.cmpi ne, %sign3A_1649, %sign3A_1656 : i32
        %rem3A_1658 = arith.remsi %squeeze3A_1640, %jit3A_1641 : i32
        %ne3A_1659 = arith.constant 0 : i32
        %ne3A_1660 = arith.cmpi ne, %rem3A_1658, %ne3A_1659 : i32
        %and3A_1661 = arith.andi %ne3A_1657, %ne3A_1660 : i1
        %sub3A_1662 = arith.constant 1 : i32
        %sub3A_1663 = arith.subi %div3A_1642, %sub3A_1662 : i32
        %select_n3A_1664 = arith.select %and3A_1661, %sub3A_1663, %div3A_1642 : i32
        %mul3A_1665 = arith.constant 128 : i32
        %mul3A_1666 = arith.muli %select_n3A_1664, %mul3A_1665 : i32
        %multiple_of3A_1667 = tpu.assume_multiple %mul3A_1666, 128 : i32
        %dma_start3A_1668 = arith.constant 7 : i32
        %dma_start3A_1669 = arith.constant 0 : i32
        %dma_start3A_1670 = arith.constant 0 : i32
        %dma_start3A_1671 = tpu.memref_slice %arg6[%dma_start3A_1668, %dma_start3A_1669, %dma_start3A_1670] : memref<16x32x128xf32, #tpu.memory_space<vmem>> -> memref<1x32x128xf32, #tpu.memory_space<vmem>>
        %dma_start3A_1672 = tpu.memref_squeeze %dma_start3A_1671 : memref<1x32x128xf32, #tpu.memory_space<vmem>> -> memref<32x128xf32, #tpu.memory_space<vmem>>
        %dma_start3A_1673 = arith.constant 0 : i32
        %dma_start3A_1674 = tpu.memref_slice %arg3[%dma_start3A_1673, %multiple_of3A_1667] : memref<32x1000000xf32, #tpu.memory_space<hbm>> -> memref<32x128xf32, #tpu.memory_space<hbm>>
        %dma_start3A_1675 = arith.constant 0 : i32
        %dma_start3A_1676 = arith.constant 0 : i32
        %dma_start3A_1677 = tpu.memref_slice %arg6[%dma_start3A_1668, %dma_start3A_1675, %dma_start3A_1676] : memref<16x32x128xf32, #tpu.memory_space<vmem>> -> memref<1x32x128xf32, #tpu.memory_space<vmem>>
        %dma_start3A_1678 = tpu.memref_squeeze %dma_start3A_1677 : memref<1x32x128xf32, #tpu.memory_space<vmem>> -> memref<32x128xf32, #tpu.memory_space<vmem>>
        %dma_start3A_1679 = arith.constant 0 : i32
        %dma_start3A_1680 = tpu.memref_slice %arg3[%dma_start3A_1679, %multiple_of3A_1667] : memref<32x1000000xf32, #tpu.memory_space<hbm>> -> memref<32x128xf32, #tpu.memory_space<hbm>>
        tpu.enqueue_dma source(%dma_start3A_1680 : memref<32x128xf32, #tpu.memory_space<hbm>>) target(%dma_start3A_1678 : memref<32x128xf32, #tpu.memory_space<vmem>>) target_semaphore(%arg8 : memref<!tpu.dma_semaphore, #tpu.memory_space<semaphore_mem>>)
      } else {
      }
      %dma_wait3A_1008 = arith.constant 0 : i32
      %dma_wait3A_1009 = arith.constant 0 : i32
      %dma_wait3A_1010 = arith.constant 0 : i32
      %dma_wait3A_1011 = tpu.memref_slice %arg6[%dma_wait3A_1008, %dma_wait3A_1009, %dma_wait3A_1010] : memref<16x32x128xf32, #tpu.memory_space<vmem>> -> memref<1x32x128xf32, #tpu.memory_space<vmem>>
      %dma_wait3A_1012 = tpu.memref_squeeze %dma_wait3A_1011 : memref<1x32x128xf32, #tpu.memory_space<vmem>> -> memref<32x128xf32, #tpu.memory_space<vmem>>
      %dma_wait3A_1013 = arith.constant 0 : i32
      %dma_wait3A_1014 = arith.constant 0 : i32
      %dma_wait3A_1015 = tpu.memref_slice %arg3[%dma_wait3A_1013, %dma_wait3A_1014] : memref<32x1000000xf32, #tpu.memory_space<hbm>> -> memref<32x128xf32, #tpu.memory_space<hbm>>
      %dma_wait3A_1016 = arith.constant 0 : i32
      %dma_wait3A_1017 = arith.constant 0 : i32
      %dma_wait3A_1018 = tpu.memref_slice %arg6[%dma_wait3A_1008, %dma_wait3A_1016, %dma_wait3A_1017] : memref<16x32x128xf32, #tpu.memory_space<vmem>> -> memref<1x32x128xf32, #tpu.memory_space<vmem>>
      %dma_wait3A_1019 = tpu.memref_squeeze %dma_wait3A_1018 : memref<1x32x128xf32, #tpu.memory_space<vmem>> -> memref<32x128xf32, #tpu.memory_space<vmem>>
      %dma_wait3A_1020 = arith.constant 0 : i32
      %dma_wait3A_1021 = arith.constant 0 : i32
      %dma_wait3A_1022 = tpu.memref_slice %arg3[%dma_wait3A_1020, %dma_wait3A_1021] : memref<32x1000000xf32, #tpu.memory_space<hbm>> -> memref<32x128xf32, #tpu.memory_space<hbm>>
      tpu.wait_dma2 semaphore(%arg9 : memref<!tpu.dma_semaphore, #tpu.memory_space<semaphore_mem>>) src(%dma_wait3A_1022 : memref<32x128xf32, #tpu.memory_space<hbm>>) dst(%dma_wait3A_1019 : memref<32x128xf32, #tpu.memory_space<vmem>>)
      %dma_wait3A_1023 = arith.constant 1 : i32
      %dma_wait3A_1024 = arith.constant 0 : i32
      %dma_wait3A_1025 = arith.constant 0 : i32
      %dma_wait3A_1026 = tpu.memref_slice %arg6[%dma_wait3A_1023, %dma_wait3A_1024, %dma_wait3A_1025] : memref<16x32x128xf32, #tpu.memory_space<vmem>> -> memref<1x32x128xf32, #tpu.memory_space<vmem>>
      %dma_wait3A_1027 = tpu.memref_squeeze %dma_wait3A_1026 : memref<1x32x128xf32, #tpu.memory_space<vmem>> -> memref<32x128xf32, #tpu.memory_space<vmem>>
      %dma_wait3A_1028 = arith.constant 0 : i32
      %dma_wait3A_1029 = arith.constant 0 : i32
      %dma_wait3A_1030 = tpu.memref_slice %arg3[%dma_wait3A_1028, %dma_wait3A_1029] : memref<32x1000000xf32, #tpu.memory_space<hbm>> -> memref<32x128xf32, #tpu.memory_space<hbm>>
      %dma_wait3A_1031 = arith.constant 0 : i32
      %dma_wait3A_1032 = arith.constant 0 : i32
      %dma_wait3A_1033 = tpu.memref_slice %arg6[%dma_wait3A_1023, %dma_wait3A_1031, %dma_wait3A_1032] : memref<16x32x128xf32, #tpu.memory_space<vmem>> -> memref<1x32x128xf32, #tpu.memory_space<vmem>>
      %dma_wait3A_1034 = tpu.memref_squeeze %dma_wait3A_1033 : memref<1x32x128xf32, #tpu.memory_space<vmem>> -> memref<32x128xf32, #tpu.memory_space<vmem>>
      %dma_wait3A_1035 = arith.constant 0 : i32
      %dma_wait3A_1036 = arith.constant 0 : i32
      %dma_wait3A_1037 = tpu.memref_slice %arg3[%dma_wait3A_1035, %dma_wait3A_1036] : memref<32x1000000xf32, #tpu.memory_space<hbm>> -> memref<32x128xf32, #tpu.memory_space<hbm>>
      tpu.wait_dma2 semaphore(%arg9 : memref<!tpu.dma_semaphore, #tpu.memory_space<semaphore_mem>>) src(%dma_wait3A_1037 : memref<32x128xf32, #tpu.memory_space<hbm>>) dst(%dma_wait3A_1034 : memref<32x128xf32, #tpu.memory_space<vmem>>)
      %dma_wait3A_1038 = arith.constant 2 : i32
      %dma_wait3A_1039 = arith.constant 0 : i32
      %dma_wait3A_1040 = arith.constant 0 : i32
      %dma_wait3A_1041 = tpu.memref_slice %arg6[%dma_wait3A_1038, %dma_wait3A_1039, %dma_wait3A_1040] : memref<16x32x128xf32, #tpu.memory_space<vmem>> -> memref<1x32x128xf32, #tpu.memory_space<vmem>>
      %dma_wait3A_1042 = tpu.memref_squeeze %dma_wait3A_1041 : memref<1x32x128xf32, #tpu.memory_space<vmem>> -> memref<32x128xf32, #tpu.memory_space<vmem>>
      %dma_wait3A_1043 = arith.constant 0 : i32
      %dma_wait3A_1044 = arith.constant 0 : i32
      %dma_wait3A_1045 = tpu.memref_slice %arg3[%dma_wait3A_1043, %dma_wait3A_1044] : memref<32x1000000xf32, #tpu.memory_space<hbm>> -> memref<32x128xf32, #tpu.memory_space<hbm>>
      %dma_wait3A_1046 = arith.constant 0 : i32
      %dma_wait3A_1047 = arith.constant 0 : i32
      %dma_wait3A_1048 = tpu.memref_slice %arg6[%dma_wait3A_1038, %dma_wait3A_1046, %dma_wait3A_1047] : memref<16x32x128xf32, #tpu.memory_space<vmem>> -> memref<1x32x128xf32, #tpu.memory_space<vmem>>
      %dma_wait3A_1049 = tpu.memref_squeeze %dma_wait3A_1048 : memref<1x32x128xf32, #tpu.memory_space<vmem>> -> memref<32x128xf32, #tpu.memory_space<vmem>>
      %dma_wait3A_1050 = arith.constant 0 : i32
      %dma_wait3A_1051 = arith.constant 0 : i32
      %dma_wait3A_1052 = tpu.memref_slice %arg3[%dma_wait3A_1050, %dma_wait3A_1051] : memref<32x1000000xf32, #tpu.memory_space<hbm>> -> memref<32x128xf32, #tpu.memory_space<hbm>>
      tpu.wait_dma2 semaphore(%arg9 : memref<!tpu.dma_semaphore, #tpu.memory_space<semaphore_mem>>) src(%dma_wait3A_1052 : memref<32x128xf32, #tpu.memory_space<hbm>>) dst(%dma_wait3A_1049 : memref<32x128xf32, #tpu.memory_space<vmem>>)
      %dma_wait3A_1053 = arith.constant 3 : i32
      %dma_wait3A_1054 = arith.constant 0 : i32
      %dma_wait3A_1055 = arith.constant 0 : i32
      %dma_wait3A_1056 = tpu.memref_slice %arg6[%dma_wait3A_1053, %dma_wait3A_1054, %dma_wait3A_1055] : memref<16x32x128xf32, #tpu.memory_space<vmem>> -> memref<1x32x128xf32, #tpu.memory_space<vmem>>
      %dma_wait3A_1057 = tpu.memref_squeeze %dma_wait3A_1056 : memref<1x32x128xf32, #tpu.memory_space<vmem>> -> memref<32x128xf32, #tpu.memory_space<vmem>>
      %dma_wait3A_1058 = arith.constant 0 : i32
      %dma_wait3A_1059 = arith.constant 0 : i32
      %dma_wait3A_1060 = tpu.memref_slice %arg3[%dma_wait3A_1058, %dma_wait3A_1059] : memref<32x1000000xf32, #tpu.memory_space<hbm>> -> memref<32x128xf32, #tpu.memory_space<hbm>>
      %dma_wait3A_1061 = arith.constant 0 : i32
      %dma_wait3A_1062 = arith.constant 0 : i32
      %dma_wait3A_1063 = tpu.memref_slice %arg6[%dma_wait3A_1053, %dma_wait3A_1061, %dma_wait3A_1062] : memref<16x32x128xf32, #tpu.memory_space<vmem>> -> memref<1x32x128xf32, #tpu.memory_space<vmem>>
      %dma_wait3A_1064 = tpu.memref_squeeze %dma_wait3A_1063 : memref<1x32x128xf32, #tpu.memory_space<vmem>> -> memref<32x128xf32, #tpu.memory_space<vmem>>
      %dma_wait3A_1065 = arith.constant 0 : i32
      %dma_wait3A_1066 = arith.constant 0 : i32
      %dma_wait3A_1067 = tpu.memref_slice %arg3[%dma_wait3A_1065, %dma_wait3A_1066] : memref<32x1000000xf32, #tpu.memory_space<hbm>> -> memref<32x128xf32, #tpu.memory_space<hbm>>
      tpu.wait_dma2 semaphore(%arg9 : memref<!tpu.dma_semaphore, #tpu.memory_space<semaphore_mem>>) src(%dma_wait3A_1067 : memref<32x128xf32, #tpu.memory_space<hbm>>) dst(%dma_wait3A_1064 : memref<32x128xf32, #tpu.memory_space<vmem>>)
      %dma_wait3A_1068 = arith.constant 4 : i32
      %dma_wait3A_1069 = arith.constant 0 : i32
      %dma_wait3A_1070 = arith.constant 0 : i32
      %dma_wait3A_1071 = tpu.memref_slice %arg6[%dma_wait3A_1068, %dma_wait3A_1069, %dma_wait3A_1070] : memref<16x32x128xf32, #tpu.memory_space<vmem>> -> memref<1x32x128xf32, #tpu.memory_space<vmem>>
      %dma_wait3A_1072 = tpu.memref_squeeze %dma_wait3A_1071 : memref<1x32x128xf32, #tpu.memory_space<vmem>> -> memref<32x128xf32, #tpu.memory_space<vmem>>
      %dma_wait3A_1073 = arith.constant 0 : i32
      %dma_wait3A_1074 = arith.constant 0 : i32
      %dma_wait3A_1075 = tpu.memref_slice %arg3[%dma_wait3A_1073, %dma_wait3A_1074] : memref<32x1000000xf32, #tpu.memory_space<hbm>> -> memref<32x128xf32, #tpu.memory_space<hbm>>
      %dma_wait3A_1076 = arith.constant 0 : i32
      %dma_wait3A_1077 = arith.constant 0 : i32
      %dma_wait3A_1078 = tpu.memref_slice %arg6[%dma_wait3A_1068, %dma_wait3A_1076, %dma_wait3A_1077] : memref<16x32x128xf32, #tpu.memory_space<vmem>> -> memref<1x32x128xf32, #tpu.memory_space<vmem>>
      %dma_wait3A_1079 = tpu.memref_squeeze %dma_wait3A_1078 : memref<1x32x128xf32, #tpu.memory_space<vmem>> -> memref<32x128xf32, #tpu.memory_space<vmem>>
      %dma_wait3A_1080 = arith.constant 0 : i32
      %dma_wait3A_1081 = arith.constant 0 : i32
      %dma_wait3A_1082 = tpu.memref_slice %arg3[%dma_wait3A_1080, %dma_wait3A_1081] : memref<32x1000000xf32, #tpu.memory_space<hbm>> -> memref<32x128xf32, #tpu.memory_space<hbm>>
      tpu.wait_dma2 semaphore(%arg9 : memref<!tpu.dma_semaphore, #tpu.memory_space<semaphore_mem>>) src(%dma_wait3A_1082 : memref<32x128xf32, #tpu.memory_space<hbm>>) dst(%dma_wait3A_1079 : memref<32x128xf32, #tpu.memory_space<vmem>>)
      %dma_wait3A_1083 = arith.constant 5 : i32
      %dma_wait3A_1084 = arith.constant 0 : i32
      %dma_wait3A_1085 = arith.constant 0 : i32
      %dma_wait3A_1086 = tpu.memref_slice %arg6[%dma_wait3A_1083, %dma_wait3A_1084, %dma_wait3A_1085] : memref<16x32x128xf32, #tpu.memory_space<vmem>> -> memref<1x32x128xf32, #tpu.memory_space<vmem>>
      %dma_wait3A_1087 = tpu.memref_squeeze %dma_wait3A_1086 : memref<1x32x128xf32, #tpu.memory_space<vmem>> -> memref<32x128xf32, #tpu.memory_space<vmem>>
      %dma_wait3A_1088 = arith.constant 0 : i32
      %dma_wait3A_1089 = arith.constant 0 : i32
      %dma_wait3A_1090 = tpu.memref_slice %arg3[%dma_wait3A_1088, %dma_wait3A_1089] : memref<32x1000000xf32, #tpu.memory_space<hbm>> -> memref<32x128xf32, #tpu.memory_space<hbm>>
      %dma_wait3A_1091 = arith.constant 0 : i32
      %dma_wait3A_1092 = arith.constant 0 : i32
      %dma_wait3A_1093 = tpu.memref_slice %arg6[%dma_wait3A_1083, %dma_wait3A_1091, %dma_wait3A_1092] : memref<16x32x128xf32, #tpu.memory_space<vmem>> -> memref<1x32x128xf32, #tpu.memory_space<vmem>>
      %dma_wait3A_1094 = tpu.memref_squeeze %dma_wait3A_1093 : memref<1x32x128xf32, #tpu.memory_space<vmem>> -> memref<32x128xf32, #tpu.memory_space<vmem>>
      %dma_wait3A_1095 = arith.constant 0 : i32
      %dma_wait3A_1096 = arith.constant 0 : i32
      %dma_wait3A_1097 = tpu.memref_slice %arg3[%dma_wait3A_1095, %dma_wait3A_1096] : memref<32x1000000xf32, #tpu.memory_space<hbm>> -> memref<32x128xf32, #tpu.memory_space<hbm>>
      tpu.wait_dma2 semaphore(%arg9 : memref<!tpu.dma_semaphore, #tpu.memory_space<semaphore_mem>>) src(%dma_wait3A_1097 : memref<32x128xf32, #tpu.memory_space<hbm>>) dst(%dma_wait3A_1094 : memref<32x128xf32, #tpu.memory_space<vmem>>)
      %dma_wait3A_1098 = arith.constant 6 : i32
      %dma_wait3A_1099 = arith.constant 0 : i32
      %dma_wait3A_1100 = arith.constant 0 : i32
      %dma_wait3A_1101 = tpu.memref_slice %arg6[%dma_wait3A_1098, %dma_wait3A_1099, %dma_wait3A_1100] : memref<16x32x128xf32, #tpu.memory_space<vmem>> -> memref<1x32x128xf32, #tpu.memory_space<vmem>>
      %dma_wait3A_1102 = tpu.memref_squeeze %dma_wait3A_1101 : memref<1x32x128xf32, #tpu.memory_space<vmem>> -> memref<32x128xf32, #tpu.memory_space<vmem>>
      %dma_wait3A_1103 = arith.constant 0 : i32
      %dma_wait3A_1104 = arith.constant 0 : i32
      %dma_wait3A_1105 = tpu.memref_slice %arg3[%dma_wait3A_1103, %dma_wait3A_1104] : memref<32x1000000xf32, #tpu.memory_space<hbm>> -> memref<32x128xf32, #tpu.memory_space<hbm>>
      %dma_wait3A_1106 = arith.constant 0 : i32
      %dma_wait3A_1107 = arith.constant 0 : i32
      %dma_wait3A_1108 = tpu.memref_slice %arg6[%dma_wait3A_1098, %dma_wait3A_1106, %dma_wait3A_1107] : memref<16x32x128xf32, #tpu.memory_space<vmem>> -> memref<1x32x128xf32, #tpu.memory_space<vmem>>
      %dma_wait3A_1109 = tpu.memref_squeeze %dma_wait3A_1108 : memref<1x32x128xf32, #tpu.memory_space<vmem>> -> memref<32x128xf32, #tpu.memory_space<vmem>>
      %dma_wait3A_1110 = arith.constant 0 : i32
      %dma_wait3A_1111 = arith.constant 0 : i32
      %dma_wait3A_1112 = tpu.memref_slice %arg3[%dma_wait3A_1110, %dma_wait3A_1111] : memref<32x1000000xf32, #tpu.memory_space<hbm>> -> memref<32x128xf32, #tpu.memory_space<hbm>>
      tpu.wait_dma2 semaphore(%arg9 : memref<!tpu.dma_semaphore, #tpu.memory_space<semaphore_mem>>) src(%dma_wait3A_1112 : memref<32x128xf32, #tpu.memory_space<hbm>>) dst(%dma_wait3A_1109 : memref<32x128xf32, #tpu.memory_space<vmem>>)
      %dma_wait3A_1113 = arith.constant 7 : i32
      %dma_wait3A_1114 = arith.constant 0 : i32
      %dma_wait3A_1115 = arith.constant 0 : i32
      %dma_wait3A_1116 = tpu.memref_slice %arg6[%dma_wait3A_1113, %dma_wait3A_1114, %dma_wait3A_1115] : memref<16x32x128xf32, #tpu.memory_space<vmem>> -> memref<1x32x128xf32, #tpu.memory_space<vmem>>
      %dma_wait3A_1117 = tpu.memref_squeeze %dma_wait3A_1116 : memref<1x32x128xf32, #tpu.memory_space<vmem>> -> memref<32x128xf32, #tpu.memory_space<vmem>>
      %dma_wait3A_1118 = arith.constant 0 : i32
      %dma_wait3A_1119 = arith.constant 0 : i32
      %dma_wait3A_1120 = tpu.memref_slice %arg3[%dma_wait3A_1118, %dma_wait3A_1119] : memref<32x1000000xf32, #tpu.memory_space<hbm>> -> memref<32x128xf32, #tpu.memory_space<hbm>>
      %dma_wait3A_1121 = arith.constant 0 : i32
      %dma_wait3A_1122 = arith.constant 0 : i32
      %dma_wait3A_1123 = tpu.memref_slice %arg6[%dma_wait3A_1113, %dma_wait3A_1121, %dma_wait3A_1122] : memref<16x32x128xf32, #tpu.memory_space<vmem>> -> memref<1x32x128xf32, #tpu.memory_space<vmem>>
      %dma_wait3A_1124 = tpu.memref_squeeze %dma_wait3A_1123 : memref<1x32x128xf32, #tpu.memory_space<vmem>> -> memref<32x128xf32, #tpu.memory_space<vmem>>
      %dma_wait3A_1125 = arith.constant 0 : i32
      %dma_wait3A_1126 = arith.constant 0 : i32
      %dma_wait3A_1127 = tpu.memref_slice %arg3[%dma_wait3A_1125, %dma_wait3A_1126] : memref<32x1000000xf32, #tpu.memory_space<hbm>> -> memref<32x128xf32, #tpu.memory_space<hbm>>
      tpu.wait_dma2 semaphore(%arg9 : memref<!tpu.dma_semaphore, #tpu.memory_space<semaphore_mem>>) src(%dma_wait3A_1127 : memref<32x128xf32, #tpu.memory_space<hbm>>) dst(%dma_wait3A_1124 : memref<32x128xf32, #tpu.memory_space<vmem>>)
      %slice3A_1128 = vector.extract_strided_slice %get3A_344 {offsets = [8], sizes = [1], strides = [1]} : vector<16xi32> to vector<1xi32>
      %squeeze3A_1129 = vector.extract %slice3A_1128[0] : i32 from vector<1xi32>
      %rem3A_1130 = arith.constant 128 : i32
      %rem3A_1131 = arith.remsi %squeeze3A_1129, %rem3A_1130 : i32
      %broadcast_in_dim3A_1132 = vector.broadcast %rem3A_1131 : i32 to vector<16xi32>
      %mul3A_1133 = arith.constant 2 : i32
      %mul3A_1134 = arith.muli %scan3A_337, %mul3A_1133 : i32
      %mul3A_1135 = arith.constant 8 : i32
      %mul3A_1136 = arith.muli %mul3A_1134, %mul3A_1135 : i32
      %add3A_1137 = arith.constant 8 : i32
      %add3A_1138 = arith.addi %mul3A_1136, %add3A_1137 : i32
      %add3A_1139 = arith.constant 0 : i32
      %add3A_1140 = arith.addi %add3A_1138, %add3A_1139 : i32
      %broadcast_in_dim3A_1141 = vector.broadcast %add3A_1140 : i32 to vector<16xi32>
      %gather3A_1142 = arith.constant 8 : i32
      %gather3A_1143 = arith.constant 0 : i32
      %gather3A_1144 = arith.constant 0 : i32
      %gather3A_1145 = tpu.memref_slice %arg6[%gather3A_1142, %gather3A_1143, %gather3A_1144] : memref<16x32x128xf32, #tpu.memory_space<vmem>> -> memref<1x32x128xf32, #tpu.memory_space<vmem>>
      %gather3A_1146 = tpu.memref_squeeze %gather3A_1145 : memref<1x32x128xf32, #tpu.memory_space<vmem>> -> memref<32x128xf32, #tpu.memory_space<vmem>>
      %gather3A_1147 = tpu.vector_load_idx %gather3A_1146[%iota3A, %broadcast_in_dim3A_1132] : memref<32x128xf32, #tpu.memory_space<vmem>>[vector<16xi32>, vector<16xi32>], vector<16xf32>,
      %gather3A_1148 = arith.constant 8 : i32
      %gather3A_1149 = arith.constant 0 : i32
      %gather3A_1150 = arith.constant 0 : i32
      %gather3A_1151 = tpu.memref_slice %arg6[%gather3A_1148, %gather3A_1149, %gather3A_1150] : memref<16x32x128xf32, #tpu.memory_space<vmem>> -> memref<1x32x128xf32, #tpu.memory_space<vmem>>
      %gather3A_1152 = tpu.memref_squeeze %gather3A_1151 : memref<1x32x128xf32, #tpu.memory_space<vmem>> -> memref<32x128xf32, #tpu.memory_space<vmem>>
      %gather3A_1153 = tpu.vector_load_idx %gather3A_1152[%add3A_5, %broadcast_in_dim3A_1132] : memref<32x128xf32, #tpu.memory_space<vmem>>[vector<16xi32>, vector<16xi32>], vector<16xf32>,
      tpu.vector_store_idx %arg7[%iota3A, %broadcast_in_dim3A_1141], %gather3A_1147 : memref<32x512xf32, #tpu.memory_space<vmem>>[vector<16xi32>, vector<16xi32>], vector<16xf32>,
      tpu.vector_store_idx %arg7[%add3A_5, %broadcast_in_dim3A_1141], %gather3A_1153 : memref<32x512xf32, #tpu.memory_space<vmem>>[vector<16xi32>, vector<16xi32>], vector<16xf32>,
      %slice3A_1154 = vector.extract_strided_slice %get3A_344 {offsets = [9], sizes = [1], strides = [1]} : vector<16xi32> to vector<1xi32>
      %squeeze3A_1155 = vector.extract %slice3A_1154[0] : i32 from vector<1xi32>
      %rem3A_1156 = arith.constant 128 : i32
      %rem3A_1157 = arith.remsi %squeeze3A_1155, %rem3A_1156 : i32
      %broadcast_in_dim3A_1158 = vector.broadcast %rem3A_1157 : i32 to vector<16xi32>
      %mul3A_1159 = arith.constant 2 : i32
      %mul3A_1160 = arith.muli %scan3A_337, %mul3A_1159 : i32
      %mul3A_1161 = arith.constant 8 : i32
      %mul3A_1162 = arith.muli %mul3A_1160, %mul3A_1161 : i32
      %add3A_1163 = arith.constant 8 : i32
      %add3A_1164 = arith.addi %mul3A_1162, %add3A_1163 : i32
      %add3A_1165 = arith.constant 1 : i32
      %add3A_1166 = arith.addi %add3A_1164, %add3A_1165 : i32
      %broadcast_in_dim3A_1167 = vector.broadcast %add3A_1166 : i32 to vector<16xi32>
      %gather3A_1168 = arith.constant 9 : i32
      %gather3A_1169 = arith.constant 0 : i32
      %gather3A_1170 = arith.constant 0 : i32
      %gather3A_1171 = tpu.memref_slice %arg6[%gather3A_1168, %gather3A_1169, %gather3A_1170] : memref<16x32x128xf32, #tpu.memory_space<vmem>> -> memref<1x32x128xf32, #tpu.memory_space<vmem>>
      %gather3A_1172 = tpu.memref_squeeze %gather3A_1171 : memref<1x32x128xf32, #tpu.memory_space<vmem>> -> memref<32x128xf32, #tpu.memory_space<vmem>>
      %gather3A_1173 = tpu.vector_load_idx %gather3A_1172[%iota3A, %broadcast_in_dim3A_1158] : memref<32x128xf32, #tpu.memory_space<vmem>>[vector<16xi32>, vector<16xi32>], vector<16xf32>,
      %gather3A_1174 = arith.constant 9 : i32
      %gather3A_1175 = arith.constant 0 : i32
      %gather3A_1176 = arith.constant 0 : i32
      %gather3A_1177 = tpu.memref_slice %arg6[%gather3A_1174, %gather3A_1175, %gather3A_1176] : memref<16x32x128xf32, #tpu.memory_space<vmem>> -> memref<1x32x128xf32, #tpu.memory_space<vmem>>
      %gather3A_1178 = tpu.memref_squeeze %gather3A_1177 : memref<1x32x128xf32, #tpu.memory_space<vmem>> -> memref<32x128xf32, #tpu.memory_space<vmem>>
      %gather3A_1179 = tpu.vector_load_idx %gather3A_1178[%add3A_5, %broadcast_in_dim3A_1158] : memref<32x128xf32, #tpu.memory_space<vmem>>[vector<16xi32>, vector<16xi32>], vector<16xf32>,
      tpu.vector_store_idx %arg7[%iota3A, %broadcast_in_dim3A_1167], %gather3A_1173 : memref<32x512xf32, #tpu.memory_space<vmem>>[vector<16xi32>, vector<16xi32>], vector<16xf32>,
      tpu.vector_store_idx %arg7[%add3A_5, %broadcast_in_dim3A_1167], %gather3A_1179 : memref<32x512xf32, #tpu.memory_space<vmem>>[vector<16xi32>, vector<16xi32>], vector<16xf32>,
      %slice3A_1180 = vector.extract_strided_slice %get3A_344 {offsets = [10], sizes = [1], strides = [1]} : vector<16xi32> to vector<1xi32>
      %squeeze3A_1181 = vector.extract %slice3A_1180[0] : i32 from vector<1xi32>
      %rem3A_1182 = arith.constant 128 : i32
      %rem3A_1183 = arith.remsi %squeeze3A_1181, %rem3A_1182 : i32
      %broadcast_in_dim3A_1184 = vector.broadcast %rem3A_1183 : i32 to vector<16xi32>
      %mul3A_1185 = arith.constant 2 : i32
      %mul3A_1186 = arith.muli %scan3A_337, %mul3A_1185 : i32
      %mul3A_1187 = arith.constant 8 : i32
      %mul3A_1188 = arith.muli %mul3A_1186, %mul3A_1187 : i32
      %add3A_1189 = arith.constant 8 : i32
      %add3A_1190 = arith.addi %mul3A_1188, %add3A_1189 : i32
      %add3A_1191 = arith.constant 2 : i32
      %add3A_1192 = arith.addi %add3A_1190, %add3A_1191 : i32
      %broadcast_in_dim3A_1193 = vector.broadcast %add3A_1192 : i32 to vector<16xi32>
      %gather3A_1194 = arith.constant 10 : i32
      %gather3A_1195 = arith.constant 0 : i32
      %gather3A_1196 = arith.constant 0 : i32
      %gather3A_1197 = tpu.memref_slice %arg6[%gather3A_1194, %gather3A_1195, %gather3A_1196] : memref<16x32x128xf32, #tpu.memory_space<vmem>> -> memref<1x32x128xf32, #tpu.memory_space<vmem>>
      %gather3A_1198 = tpu.memref_squeeze %gather3A_1197 : memref<1x32x128xf32, #tpu.memory_space<vmem>> -> memref<32x128xf32, #tpu.memory_space<vmem>>
      %gather3A_1199 = tpu.vector_load_idx %gather3A_1198[%iota3A, %broadcast_in_dim3A_1184] : memref<32x128xf32, #tpu.memory_space<vmem>>[vector<16xi32>, vector<16xi32>], vector<16xf32>,
      %gather3A_1200 = arith.constant 10 : i32
      %gather3A_1201 = arith.constant 0 : i32
      %gather3A_1202 = arith.constant 0 : i32
      %gather3A_1203 = tpu.memref_slice %arg6[%gather3A_1200, %gather3A_1201, %gather3A_1202] : memref<16x32x128xf32, #tpu.memory_space<vmem>> -> memref<1x32x128xf32, #tpu.memory_space<vmem>>
      %gather3A_1204 = tpu.memref_squeeze %gather3A_1203 : memref<1x32x128xf32, #tpu.memory_space<vmem>> -> memref<32x128xf32, #tpu.memory_space<vmem>>
      %gather3A_1205 = tpu.vector_load_idx %gather3A_1204[%add3A_5, %broadcast_in_dim3A_1184] : memref<32x128xf32, #tpu.memory_space<vmem>>[vector<16xi32>, vector<16xi32>], vector<16xf32>,
      tpu.vector_store_idx %arg7[%iota3A, %broadcast_in_dim3A_1193], %gather3A_1199 : memref<32x512xf32, #tpu.memory_space<vmem>>[vector<16xi32>, vector<16xi32>], vector<16xf32>,
      tpu.vector_store_idx %arg7[%add3A_5, %broadcast_in_dim3A_1193], %gather3A_1205 : memref<32x512xf32, #tpu.memory_space<vmem>>[vector<16xi32>, vector<16xi32>], vector<16xf32>,
      %slice3A_1206 = vector.extract_strided_slice %get3A_344 {offsets = [11], sizes = [1], strides = [1]} : vector<16xi32> to vector<1xi32>
      %squeeze3A_1207 = vector.extract %slice3A_1206[0] : i32 from vector<1xi32>
      %rem3A_1208 = arith.constant 128 : i32
      %rem3A_1209 = arith.remsi %squeeze3A_1207, %rem3A_1208 : i32
      %broadcast_in_dim3A_1210 = vector.broadcast %rem3A_1209 : i32 to vector<16xi32>
      %mul3A_1211 = arith.constant 2 : i32
      %mul3A_1212 = arith.muli %scan3A_337, %mul3A_1211 : i32
      %mul3A_1213 = arith.constant 8 : i32
      %mul3A_1214 = arith.muli %mul3A_1212, %mul3A_1213 : i32
      %add3A_1215 = arith.constant 8 : i32
      %add3A_1216 = arith.addi %mul3A_1214, %add3A_1215 : i32
      %add3A_1217 = arith.constant 3 : i32
      %add3A_1218 = arith.addi %add3A_1216, %add3A_1217 : i32
      %broadcast_in_dim3A_1219 = vector.broadcast %add3A_1218 : i32 to vector<16xi32>
      %gather3A_1220 = arith.constant 11 : i32
      %gather3A_1221 = arith.constant 0 : i32
      %gather3A_1222 = arith.constant 0 : i32
      %gather3A_1223 = tpu.memref_slice %arg6[%gather3A_1220, %gather3A_1221, %gather3A_1222] : memref<16x32x128xf32, #tpu.memory_space<vmem>> -> memref<1x32x128xf32, #tpu.memory_space<vmem>>
      %gather3A_1224 = tpu.memref_squeeze %gather3A_1223 : memref<1x32x128xf32, #tpu.memory_space<vmem>> -> memref<32x128xf32, #tpu.memory_space<vmem>>
      %gather3A_1225 = tpu.vector_load_idx %gather3A_1224[%iota3A, %broadcast_in_dim3A_1210] : memref<32x128xf32, #tpu.memory_space<vmem>>[vector<16xi32>, vector<16xi32>], vector<16xf32>,
      %gather3A_1226 = arith.constant 11 : i32
      %gather3A_1227 = arith.constant 0 : i32
      %gather3A_1228 = arith.constant 0 : i32
      %gather3A_1229 = tpu.memref_slice %arg6[%gather3A_1226, %gather3A_1227, %gather3A_1228] : memref<16x32x128xf32, #tpu.memory_space<vmem>> -> memref<1x32x128xf32, #tpu.memory_space<vmem>>
      %gather3A_1230 = tpu.memref_squeeze %gather3A_1229 : memref<1x32x128xf32, #tpu.memory_space<vmem>> -> memref<32x128xf32, #tpu.memory_space<vmem>>
      %gather3A_1231 = tpu.vector_load_idx %gather3A_1230[%add3A_5, %broadcast_in_dim3A_1210] : memref<32x128xf32, #tpu.memory_space<vmem>>[vector<16xi32>, vector<16xi32>], vector<16xf32>,
      tpu.vector_store_idx %arg7[%iota3A, %broadcast_in_dim3A_1219], %gather3A_1225 : memref<32x512xf32, #tpu.memory_space<vmem>>[vector<16xi32>, vector<16xi32>], vector<16xf32>,
      tpu.vector_store_idx %arg7[%add3A_5, %broadcast_in_dim3A_1219], %gather3A_1231 : memref<32x512xf32, #tpu.memory_space<vmem>>[vector<16xi32>, vector<16xi32>], vector<16xf32>,
      %slice3A_1232 = vector.extract_strided_slice %get3A_344 {offsets = [12], sizes = [1], strides = [1]} : vector<16xi32> to vector<1xi32>
      %squeeze3A_1233 = vector.extract %slice3A_1232[0] : i32 from vector<1xi32>
      %rem3A_1234 = arith.constant 128 : i32
      %rem3A_1235 = arith.remsi %squeeze3A_1233, %rem3A_1234 : i32
      %broadcast_in_dim3A_1236 = vector.broadcast %rem3A_1235 : i32 to vector<16xi32>
      %mul3A_1237 = arith.constant 2 : i32
      %mul3A_1238 = arith.muli %scan3A_337, %mul3A_1237 : i32
      %mul3A_1239 = arith.constant 8 : i32
      %mul3A_1240 = arith.muli %mul3A_1238, %mul3A_1239 : i32
      %add3A_1241 = arith.constant 8 : i32
      %add3A_1242 = arith.addi %mul3A_1240, %add3A_1241 : i32
      %add3A_1243 = arith.constant 4 : i32
      %add3A_1244 = arith.addi %add3A_1242, %add3A_1243 : i32
      %broadcast_in_dim3A_1245 = vector.broadcast %add3A_1244 : i32 to vector<16xi32>
      %gather3A_1246 = arith.constant 12 : i32
      %gather3A_1247 = arith.constant 0 : i32
      %gather3A_1248 = arith.constant 0 : i32
      %gather3A_1249 = tpu.memref_slice %arg6[%gather3A_1246, %gather3A_1247, %gather3A_1248] : memref<16x32x128xf32, #tpu.memory_space<vmem>> -> memref<1x32x128xf32, #tpu.memory_space<vmem>>
      %gather3A_1250 = tpu.memref_squeeze %gather3A_1249 : memref<1x32x128xf32, #tpu.memory_space<vmem>> -> memref<32x128xf32, #tpu.memory_space<vmem>>
      %gather3A_1251 = tpu.vector_load_idx %gather3A_1250[%iota3A, %broadcast_in_dim3A_1236] : memref<32x128xf32, #tpu.memory_space<vmem>>[vector<16xi32>, vector<16xi32>], vector<16xf32>,
      %gather3A_1252 = arith.constant 12 : i32
      %gather3A_1253 = arith.constant 0 : i32
      %gather3A_1254 = arith.constant 0 : i32
      %gather3A_1255 = tpu.memref_slice %arg6[%gather3A_1252, %gather3A_1253, %gather3A_1254] : memref<16x32x128xf32, #tpu.memory_space<vmem>> -> memref<1x32x128xf32, #tpu.memory_space<vmem>>
      %gather3A_1256 = tpu.memref_squeeze %gather3A_1255 : memref<1x32x128xf32, #tpu.memory_space<vmem>> -> memref<32x128xf32, #tpu.memory_space<vmem>>
      %gather3A_1257 = tpu.vector_load_idx %gather3A_1256[%add3A_5, %broadcast_in_dim3A_1236] : memref<32x128xf32, #tpu.memory_space<vmem>>[vector<16xi32>, vector<16xi32>], vector<16xf32>,
      tpu.vector_store_idx %arg7[%iota3A, %broadcast_in_dim3A_1245], %gather3A_1251 : memref<32x512xf32, #tpu.memory_space<vmem>>[vector<16xi32>, vector<16xi32>], vector<16xf32>,
      tpu.vector_store_idx %arg7[%add3A_5, %broadcast_in_dim3A_1245], %gather3A_1257 : memref<32x512xf32, #tpu.memory_space<vmem>>[vector<16xi32>, vector<16xi32>], vector<16xf32>,
      %slice3A_1258 = vector.extract_strided_slice %get3A_344 {offsets = [13], sizes = [1], strides = [1]} : vector<16xi32> to vector<1xi32>
      %squeeze3A_1259 = vector.extract %slice3A_1258[0] : i32 from vector<1xi32>
      %rem3A_1260 = arith.constant 128 : i32
      %rem3A_1261 = arith.remsi %squeeze3A_1259, %rem3A_1260 : i32
      %broadcast_in_dim3A_1262 = vector.broadcast %rem3A_1261 : i32 to vector<16xi32>
      %mul3A_1263 = arith.constant 2 : i32
      %mul3A_1264 = arith.muli %scan3A_337, %mul3A_1263 : i32
      %mul3A_1265 = arith.constant 8 : i32
      %mul3A_1266 = arith.muli %mul3A_1264, %mul3A_1265 : i32
      %add3A_1267 = arith.constant 8 : i32
      %add3A_1268 = arith.addi %mul3A_1266, %add3A_1267 : i32
      %add3A_1269 = arith.constant 5 : i32
      %add3A_1270 = arith.addi %add3A_1268, %add3A_1269 : i32
      %broadcast_in_dim3A_1271 = vector.broadcast %add3A_1270 : i32 to vector<16xi32>
      %gather3A_1272 = arith.constant 13 : i32
      %gather3A_1273 = arith.constant 0 : i32
      %gather3A_1274 = arith.constant 0 : i32
      %gather3A_1275 = tpu.memref_slice %arg6[%gather3A_1272, %gather3A_1273, %gather3A_1274] : memref<16x32x128xf32, #tpu.memory_space<vmem>> -> memref<1x32x128xf32, #tpu.memory_space<vmem>>
      %gather3A_1276 = tpu.memref_squeeze %gather3A_1275 : memref<1x32x128xf32, #tpu.memory_space<vmem>> -> memref<32x128xf32, #tpu.memory_space<vmem>>
      %gather3A_1277 = tpu.vector_load_idx %gather3A_1276[%iota3A, %broadcast_in_dim3A_1262] : memref<32x128xf32, #tpu.memory_space<vmem>>[vector<16xi32>, vector<16xi32>], vector<16xf32>,
      %gather3A_1278 = arith.constant 13 : i32
      %gather3A_1279 = arith.constant 0 : i32
      %gather3A_1280 = arith.constant 0 : i32
      %gather3A_1281 = tpu.memref_slice %arg6[%gather3A_1278, %gather3A_1279, %gather3A_1280] : memref<16x32x128xf32, #tpu.memory_space<vmem>> -> memref<1x32x128xf32, #tpu.memory_space<vmem>>
      %gather3A_1282 = tpu.memref_squeeze %gather3A_1281 : memref<1x32x128xf32, #tpu.memory_space<vmem>> -> memref<32x128xf32, #tpu.memory_space<vmem>>
      %gather3A_1283 = tpu.vector_load_idx %gather3A_1282[%add3A_5, %broadcast_in_dim3A_1262] : memref<32x128xf32, #tpu.memory_space<vmem>>[vector<16xi32>, vector<16xi32>], vector<16xf32>,
      tpu.vector_store_idx %arg7[%iota3A, %broadcast_in_dim3A_1271], %gather3A_1277 : memref<32x512xf32, #tpu.memory_space<vmem>>[vector<16xi32>, vector<16xi32>], vector<16xf32>,
      tpu.vector_store_idx %arg7[%add3A_5, %broadcast_in_dim3A_1271], %gather3A_1283 : memref<32x512xf32, #tpu.memory_space<vmem>>[vector<16xi32>, vector<16xi32>], vector<16xf32>,
      %slice3A_1284 = vector.extract_strided_slice %get3A_344 {offsets = [14], sizes = [1], strides = [1]} : vector<16xi32> to vector<1xi32>
      %squeeze3A_1285 = vector.extract %slice3A_1284[0] : i32 from vector<1xi32>
      %rem3A_1286 = arith.constant 128 : i32
      %rem3A_1287 = arith.remsi %squeeze3A_1285, %rem3A_1286 : i32
      %broadcast_in_dim3A_1288 = vector.broadcast %rem3A_1287 : i32 to vector<16xi32>
      %mul3A_1289 = arith.constant 2 : i32
      %mul3A_1290 = arith.muli %scan3A_337, %mul3A_1289 : i32
      %mul3A_1291 = arith.constant 8 : i32
      %mul3A_1292 = arith.muli %mul3A_1290, %mul3A_1291 : i32
      %add3A_1293 = arith.constant 8 : i32
      %add3A_1294 = arith.addi %mul3A_1292, %add3A_1293 : i32
      %add3A_1295 = arith.constant 6 : i32
      %add3A_1296 = arith.addi %add3A_1294, %add3A_1295 : i32
      %broadcast_in_dim3A_1297 = vector.broadcast %add3A_1296 : i32 to vector<16xi32>
      %gather3A_1298 = arith.constant 14 : i32
      %gather3A_1299 = arith.constant 0 : i32
      %gather3A_1300 = arith.constant 0 : i32
      %gather3A_1301 = tpu.memref_slice %arg6[%gather3A_1298, %gather3A_1299, %gather3A_1300] : memref<16x32x128xf32, #tpu.memory_space<vmem>> -> memref<1x32x128xf32, #tpu.memory_space<vmem>>
      %gather3A_1302 = tpu.memref_squeeze %gather3A_1301 : memref<1x32x128xf32, #tpu.memory_space<vmem>> -> memref<32x128xf32, #tpu.memory_space<vmem>>
      %gather3A_1303 = tpu.vector_load_idx %gather3A_1302[%iota3A, %broadcast_in_dim3A_1288] : memref<32x128xf32, #tpu.memory_space<vmem>>[vector<16xi32>, vector<16xi32>], vector<16xf32>,
      %gather3A_1304 = arith.constant 14 : i32
      %gather3A_1305 = arith.constant 0 : i32
      %gather3A_1306 = arith.constant 0 : i32
      %gather3A_1307 = tpu.memref_slice %arg6[%gather3A_1304, %gather3A_1305, %gather3A_1306] : memref<16x32x128xf32, #tpu.memory_space<vmem>> -> memref<1x32x128xf32, #tpu.memory_space<vmem>>
      %gather3A_1308 = tpu.memref_squeeze %gather3A_1307 : memref<1x32x128xf32, #tpu.memory_space<vmem>> -> memref<32x128xf32, #tpu.memory_space<vmem>>
      %gather3A_1309 = tpu.vector_load_idx %gather3A_1308[%add3A_5, %broadcast_in_dim3A_1288] : memref<32x128xf32, #tpu.memory_space<vmem>>[vector<16xi32>, vector<16xi32>], vector<16xf32>,
      tpu.vector_store_idx %arg7[%iota3A, %broadcast_in_dim3A_1297], %gather3A_1303 : memref<32x512xf32, #tpu.memory_space<vmem>>[vector<16xi32>, vector<16xi32>], vector<16xf32>,
      tpu.vector_store_idx %arg7[%add3A_5, %broadcast_in_dim3A_1297], %gather3A_1309 : memref<32x512xf32, #tpu.memory_space<vmem>>[vector<16xi32>, vector<16xi32>], vector<16xf32>,
      %slice3A_1310 = vector.extract_strided_slice %get3A_344 {offsets = [15], sizes = [1], strides = [1]} : vector<16xi32> to vector<1xi32>
      %squeeze3A_1311 = vector.extract %slice3A_1310[0] : i32 from vector<1xi32>
      %rem3A_1312 = arith.constant 128 : i32
      %rem3A_1313 = arith.remsi %squeeze3A_1311, %rem3A_1312 : i32
      %broadcast_in_dim3A_1314 = vector.broadcast %rem3A_1313 : i32 to vector<16xi32>
      %mul3A_1315 = arith.constant 2 : i32
      %mul3A_1316 = arith.muli %scan3A_337, %mul3A_1315 : i32
      %mul3A_1317 = arith.constant 8 : i32
      %mul3A_1318 = arith.muli %mul3A_1316, %mul3A_1317 : i32
      %add3A_1319 = arith.constant 8 : i32
      %add3A_1320 = arith.addi %mul3A_1318, %add3A_1319 : i32
      %add3A_1321 = arith.constant 7 : i32
      %add3A_1322 = arith.addi %add3A_1320, %add3A_1321 : i32
      %broadcast_in_dim3A_1323 = vector.broadcast %add3A_1322 : i32 to vector<16xi32>
      %gather3A_1324 = arith.constant 15 : i32
      %gather3A_1325 = arith.constant 0 : i32
      %gather3A_1326 = arith.constant 0 : i32
      %gather3A_1327 = tpu.memref_slice %arg6[%gather3A_1324, %gather3A_1325, %gather3A_1326] : memref<16x32x128xf32, #tpu.memory_space<vmem>> -> memref<1x32x128xf32, #tpu.memory_space<vmem>>
      %gather3A_1328 = tpu.memref_squeeze %gather3A_1327 : memref<1x32x128xf32, #tpu.memory_space<vmem>> -> memref<32x128xf32, #tpu.memory_space<vmem>>
      %gather3A_1329 = tpu.vector_load_idx %gather3A_1328[%iota3A, %broadcast_in_dim3A_1314] : memref<32x128xf32, #tpu.memory_space<vmem>>[vector<16xi32>, vector<16xi32>], vector<16xf32>,
      %gather3A_1330 = arith.constant 15 : i32
      %gather3A_1331 = arith.constant 0 : i32
      %gather3A_1332 = arith.constant 0 : i32
      %gather3A_1333 = tpu.memref_slice %arg6[%gather3A_1330, %gather3A_1331, %gather3A_1332] : memref<16x32x128xf32, #tpu.memory_space<vmem>> -> memref<1x32x128xf32, #tpu.memory_space<vmem>>
      %gather3A_1334 = tpu.memref_squeeze %gather3A_1333 : memref<1x32x128xf32, #tpu.memory_space<vmem>> -> memref<32x128xf32, #tpu.memory_space<vmem>>
      %gather3A_1335 = tpu.vector_load_idx %gather3A_1334[%add3A_5, %broadcast_in_dim3A_1314] : memref<32x128xf32, #tpu.memory_space<vmem>>[vector<16xi32>, vector<16xi32>], vector<16xf32>,
      tpu.vector_store_idx %arg7[%iota3A, %broadcast_in_dim3A_1323], %gather3A_1329 : memref<32x512xf32, #tpu.memory_space<vmem>>[vector<16xi32>, vector<16xi32>], vector<16xf32>,
      tpu.vector_store_idx %arg7[%add3A_5, %broadcast_in_dim3A_1323], %gather3A_1335 : memref<32x512xf32, #tpu.memory_space<vmem>>[vector<16xi32>, vector<16xi32>], vector<16xf32>,
    }
    %scan3A_335 = arith.constant 32 : i32
    %multiple_of3A_336 = tpu.assume_multiple %mul3A_2, 128 : i32
    "tpu.region"() ({
      %run_scoped3A = tpu.sem_alloc : memref<!tpu.dma_semaphore, #tpu.memory_space<semaphore_mem>>
      %dma_start3A_337 = arith.constant 0 : i32
      %dma_start3A_338 = tpu.memref_slice %arg4[%dma_start3A_337, %multiple_of3A_336] : memref<32x16384xf32, #tpu.memory_space<hbm>> -> memref<32x512xf32, #tpu.memory_space<hbm>>
      %dma_start3A_339 = arith.constant 0 : i32
      %dma_start3A_340 = tpu.memref_slice %arg4[%dma_start3A_339, %multiple_of3A_336] : memref<32x16384xf32, #tpu.memory_space<hbm>> -> memref<32x512xf32, #tpu.memory_space<hbm>>
      tpu.enqueue_dma source(%arg7 : memref<32x512xf32, #tpu.memory_space<vmem>>) target(%dma_start3A_340 : memref<32x512xf32, #tpu.memory_space<hbm>>) target_semaphore(%run_scoped3A : memref<!tpu.dma_semaphore, #tpu.memory_space<semaphore_mem>>)
      %dma_wait3A = arith.constant 0 : i32
      %dma_wait3A_341 = tpu.memref_slice %arg4[%dma_wait3A, %multiple_of3A_336] : memref<32x16384xf32, #tpu.memory_space<hbm>> -> memref<32x512xf32, #tpu.memory_space<hbm>>
      %dma_wait3A_342 = arith.constant 0 : i32
      %dma_wait3A_343 = tpu.memref_slice %arg4[%dma_wait3A_342, %multiple_of3A_336] : memref<32x16384xf32, #tpu.memory_space<hbm>> -> memref<32x512xf32, #tpu.memory_space<hbm>>
      tpu.wait_dma2 semaphore(%run_scoped3A : memref<!tpu.dma_semaphore, #tpu.memory_space<semaphore_mem>>) src(%arg7 : memref<32x512xf32, #tpu.memory_space<vmem>>) dst(%dma_wait3A_343 : memref<32x512xf32, #tpu.memory_space<hbm>>)
      tpu.yield
    }) : () -> ()
    return
  }
}

module attributes {stable_mosaic.version = 14 : i64} {
  func.func @_mlp_body(%arg0: i32, %arg1: i32, %arg2: memref<32x2048xf32, #tpu.memory_space<vmem>>, %arg3: memref<2048x128xf32, #tpu.memory_space<vmem>>, %arg4: memref<2048x4xf32, #tpu.memory_space<vmem>>, %arg5: memref<72x128xf32, #tpu.memory_space<vmem>>, %arg6: memref<32x128xf32, #tpu.memory_space<vmem>>, %arg7: memref<1x128xf32, #tpu.memory_space<vmem>>, %arg8: memref<1x128xf32, #tpu.memory_space<vmem>>, %arg9: memref<1x128xf32, #tpu.memory_space<vmem>>, %arg10: memref<1x128xf32, #tpu.memory_space<vmem>>, %arg11: memref<1x128xf32, #tpu.memory_space<vmem>>, %arg12: memref<128x64xf32, #tpu.memory_space<vmem>>, %arg13: memref<1x64xf32, #tpu.memory_space<vmem>>, %arg14: memref<64x32xf32, #tpu.memory_space<vmem>>, %arg15: memref<1x32xf32, #tpu.memory_space<vmem>>, %arg16: memref<32x1xf32, #tpu.memory_space<vmem>>, %arg17: memref<1x1xf32, #tpu.memory_space<vmem>>, %arg18: memref<2048x1xf32, #tpu.memory_space<vmem>>, %arg19: memref<16384x128xf32, #tpu.memory_space<vmem>>, %arg20: memref<1x128xf32, #tpu.memory_space<vmem>>, %arg21: memref<1x128xf32, #tpu.memory_space<vmem>>, %arg22: memref<1x128xf32, #tpu.memory_space<vmem>>) attributes {dimension_semantics = [#tpu.dimension_semantics<arbitrary>, #tpu.dimension_semantics<arbitrary>], iteration_bounds = array<i64: 2, 8>, scalar_prefetch = 0 : i64, scratch_operands = 4 : i64, tpu.core_type = #tpu.core_type<tc>, window_params = [{transform_indices = @transform_0, window_bounds = array<i64: 32, 2048>}, {transform_indices = @transform_1, window_bounds = array<i64: 2048, 128>}, {transform_indices = @transform_2, window_bounds = array<i64: 2048, 4>}, {pipeline_mode = #tpu.pipeline_mode<synchronous>, transform_indices = @transform_3, window_bounds = array<i64: 72, 128>}, {pipeline_mode = #tpu.pipeline_mode<synchronous>, transform_indices = @transform_4, window_bounds = array<i64: 32, 128>}, {pipeline_mode = #tpu.pipeline_mode<synchronous>, transform_indices = @transform_5, window_bounds = array<i64: 1, 128>}, {pipeline_mode = #tpu.pipeline_mode<synchronous>, transform_indices = @transform_6, window_bounds = array<i64: 1, 128>}, {pipeline_mode = #tpu.pipeline_mode<synchronous>, transform_indices = @transform_7, window_bounds = array<i64: 1, 128>}, {pipeline_mode = #tpu.pipeline_mode<synchronous>, transform_indices = @transform_8, window_bounds = array<i64: 1, 128>}, {pipeline_mode = #tpu.pipeline_mode<synchronous>, transform_indices = @transform_9, window_bounds = array<i64: 1, 128>}, {pipeline_mode = #tpu.pipeline_mode<synchronous>, transform_indices = @transform_10, window_bounds = array<i64: 128, 64>}, {pipeline_mode = #tpu.pipeline_mode<synchronous>, transform_indices = @transform_11, window_bounds = array<i64: 1, 64>}, {pipeline_mode = #tpu.pipeline_mode<synchronous>, transform_indices = @transform_12, window_bounds = array<i64: 64, 32>}, {pipeline_mode = #tpu.pipeline_mode<synchronous>, transform_indices = @transform_13, window_bounds = array<i64: 1, 32>}, {pipeline_mode = #tpu.pipeline_mode<synchronous>, transform_indices = @transform_14, window_bounds = array<i64: 32, 1>}, {pipeline_mode = #tpu.pipeline_mode<synchronous>, transform_indices = @transform_15, window_bounds = array<i64: 1, 1>}, {transform_indices = @transform_16, window_bounds = array<i64: 2048, 1>}]} {
    %eq3A = arith.constant 0 : i32
    %eq3A_0 = arith.cmpi eq, %arg0, %eq3A : i32
    %convert_element_type3A = arith.extui %eq3A_0 : i1 to i32
    %cond3A = arith.constant 0 : i32
    %cond3A_1 = arith.cmpi ne, %convert_element_type3A, %cond3A : i32
    scf.if %cond3A_1 {
      %get3A = arith.constant 0 : index
      %get3A_7 = arith.constant 0 : index
      %get3A_8 = vector.load %arg4[%get3A, %get3A_7] : memref<2048x4xf32, #tpu.memory_space<vmem>>, vector<2048x4xf32>
      %slice3A = vector.extract_strided_slice %get3A_8 {offsets = [0, 0], sizes = [2048, 1], strides = [1, 1]} : vector<2048x4xf32> to vector<2048x1xf32>
      %sub3A = arith.constant 3.000000e+01 : f32
      %sub3A_9 = vector.broadcast %sub3A : f32 to vector<2048x1xf32>
      %sub3A_10 = arith.subf %slice3A, %sub3A_9 : vector<2048x1xf32>
      %mul3A = arith.constant 5.000000e-02 : f32
      %mul3A_11 = vector.broadcast %mul3A : f32 to vector<2048x1xf32>
      %mul3A_12 = arith.mulf %sub3A_10, %mul3A_11 : vector<2048x1xf32>
      %slice3A_13 = vector.extract_strided_slice %get3A_8 {offsets = [0, 1], sizes = [2048, 1], strides = [1, 1]} : vector<2048x4xf32> to vector<2048x1xf32>
      %sub3A_14 = arith.constant 2.000000e+03 : f32
      %sub3A_15 = vector.broadcast %sub3A_14 : f32 to vector<2048x1xf32>
      %sub3A_16 = arith.subf %slice3A_13, %sub3A_15 : vector<2048x1xf32>
      %mul3A_17 = arith.constant 5.000000e-02 : f32
      %mul3A_18 = vector.broadcast %mul3A_17 : f32 to vector<2048x1xf32>
      %mul3A_19 = arith.mulf %sub3A_16, %mul3A_18 : vector<2048x1xf32>
      %slice3A_20 = vector.extract_strided_slice %get3A_8 {offsets = [0, 2], sizes = [2048, 1], strides = [1, 1]} : vector<2048x4xf32> to vector<2048x1xf32>
      %convert_element_type3A_21 = arith.fptosi %slice3A_20 : vector<2048x1xf32> to vector<2048x1xi32>
      %iota3A = tpu.iota {dimensions = array<i32: 1>} : vector<1x8xi32>
      %eq3A_22 = vector.broadcast %convert_element_type3A_21 : vector<2048x1xi32> to vector<2048x8xi32>
      %eq3A_23 = vector.broadcast %iota3A : vector<1x8xi32> to vector<2048x8xi32>
      %eq3A_24 = arith.cmpi eq, %eq3A_22, %eq3A_23 : vector<2048x8xi32>
      %convert_element_type3A_25 = arith.extui %eq3A_24 : vector<2048x8xi1> to vector<2048x8xi32>
      %convert_element_type3A_26 = arith.sitofp %convert_element_type3A_25 : vector<2048x8xi32> to vector<2048x8xf32>
      %slice3A_27 = vector.extract_strided_slice %get3A_8 {offsets = [0, 3], sizes = [2048, 1], strides = [1, 1]} : vector<2048x4xf32> to vector<2048x1xf32>
      %convert_element_type3A_28 = arith.fptosi %slice3A_27 : vector<2048x1xf32> to vector<2048x1xi32>
      %iota3A_29 = tpu.iota {dimensions = array<i32: 1>} : vector<1x32xi32>
      %eq3A_30 = vector.broadcast %convert_element_type3A_28 : vector<2048x1xi32> to vector<2048x32xi32>
      %eq3A_31 = vector.broadcast %iota3A_29 : vector<1x32xi32> to vector<2048x32xi32>
      %eq3A_32 = arith.cmpi eq, %eq3A_30, %eq3A_31 : vector<2048x32xi32>
      %convert_element_type3A_33 = arith.extui %eq3A_32 : vector<2048x32xi1> to vector<2048x32xi32>
      %convert_element_type3A_34 = arith.sitofp %convert_element_type3A_33 : vector<2048x32xi32> to vector<2048x32xf32>
      %get3A_35 = arith.constant 0 : index
      %get3A_36 = arith.constant 0 : index
      %get3A_37 = vector.load %arg3[%get3A_35, %get3A_36] : memref<2048x128xf32, #tpu.memory_space<vmem>>, vector<2048x32xf32>
      %concatenate3A = tpu.concatenate %get3A_37, %convert_element_type3A_26, %convert_element_type3A_34 in 1 : vector<2048x32xf32>, vector<2048x8xf32>, vector<2048x32xf32> -> vector<2048x72xf32>
      %get3A_38 = arith.constant 0 : index
      %get3A_39 = arith.constant 0 : index
      %get3A_40 = vector.load %arg2[%get3A_38, %get3A_39] : memref<32x2048xf32, #tpu.memory_space<vmem>>, vector<32x2048xf32>
      %get3A_41 = arith.constant 0 : index
      %get3A_42 = arith.constant 0 : index
      %get3A_43 = vector.load %arg6[%get3A_41, %get3A_42] : memref<32x128xf32, #tpu.memory_space<vmem>>, vector<32x128xf32>
      %dot_general3A = arith.constant dense<0.000000e+00> : vector<2048x128xf32>
      %dot_general3A_44 = tpu.matmul %get3A_40, %get3A_43, %dot_general3A {dimension_numbers = #tpu.dot_dimension_numbers<[0], [0], [1], [1], [0, 1, 1, 1], [], []>, precision = #tpu.contract_precision<fp32>, transpose_lhs_hint = false} : vector<32x2048xf32>, vector<32x128xf32>, vector<2048x128xf32> -> vector<2048x128xf32>
      %get3A_45 = arith.constant 0 : index
      %get3A_46 = arith.constant 0 : index
      %get3A_47 = vector.load %arg5[%get3A_45, %get3A_46] : memref<72x128xf32, #tpu.memory_space<vmem>>, vector<72x128xf32>
      %dot_general3A_48 = arith.constant dense<0.000000e+00> : vector<2048x128xf32>
      %dot_general3A_49 = tpu.matmul %concatenate3A, %get3A_47, %dot_general3A_48 {dimension_numbers = #tpu.dot_dimension_numbers<[1], [0], [0], [1], [0, 0, 1, 1], [], []>, precision = #tpu.contract_precision<fp32>, transpose_lhs_hint = false} : vector<2048x72xf32>, vector<72x128xf32>, vector<2048x128xf32> -> vector<2048x128xf32>
      %add3A = arith.addf %dot_general3A_44, %dot_general3A_49 : vector<2048x128xf32>
      %get3A_50 = arith.constant 0 : index
      %get3A_51 = arith.constant 0 : index
      %get3A_52 = vector.load %arg7[%get3A_50, %get3A_51] : memref<1x128xf32, #tpu.memory_space<vmem>>, vector<1x128xf32>
      %mul3A_53 = vector.broadcast %mul3A_12 : vector<2048x1xf32> to vector<2048x128xf32>
      %mul3A_54 = vector.broadcast %get3A_52 : vector<1x128xf32> to vector<2048x128xf32>
      %mul3A_55 = arith.mulf %mul3A_53, %mul3A_54 : vector<2048x128xf32>
      %add3A_56 = arith.addf %add3A, %mul3A_55 : vector<2048x128xf32>
      %get3A_57 = arith.constant 0 : index
      %get3A_58 = arith.constant 0 : index
      %get3A_59 = vector.load %arg8[%get3A_57, %get3A_58] : memref<1x128xf32, #tpu.memory_space<vmem>>, vector<1x128xf32>
      %mul3A_60 = vector.broadcast %mul3A_19 : vector<2048x1xf32> to vector<2048x128xf32>
      %mul3A_61 = vector.broadcast %get3A_59 : vector<1x128xf32> to vector<2048x128xf32>
      %mul3A_62 = arith.mulf %mul3A_60, %mul3A_61 : vector<2048x128xf32>
      %add3A_63 = arith.addf %add3A_56, %mul3A_62 : vector<2048x128xf32>
      %get3A_64 = arith.constant 0 : index
      %get3A_65 = arith.constant 0 : index
      %get3A_66 = vector.load %arg9[%get3A_64, %get3A_65] : memref<1x128xf32, #tpu.memory_space<vmem>>, vector<1x128xf32>
      %add3A_67 = vector.broadcast %get3A_66 : vector<1x128xf32> to vector<2048x128xf32>
      %add3A_68 = arith.addf %add3A_63, %add3A_67 : vector<2048x128xf32>
      %mul3A_69 = arith.constant 2048 : i32
      %mul3A_70 = arith.muli %arg1, %mul3A_69 : i32
      %swap3A = arith.index_cast %mul3A_70 : i32 to index
      %swap3A_71 = arith.constant 0 : index
      %swap3A_72 = vector.load %arg19[%swap3A, %swap3A_71] : memref<16384x128xf32, #tpu.memory_space<vmem>>, vector<2048x128xf32>
      tpu.vector_store %arg19[%swap3A, %swap3A_71], %add3A_68 {strides = array<i32>} : memref<16384x128xf32, #tpu.memory_space<vmem>>, vector<2048x128xf32>,
      %eq3A_73 = arith.constant 0 : i32
      %eq3A_74 = arith.cmpi eq, %arg1, %eq3A_73 : i32
      %convert_element_type3A_75 = arith.extui %eq3A_74 : i1 to i32
      %cond3A_76 = arith.constant 0 : i32
      %cond3A_77 = arith.cmpi ne, %convert_element_type3A_75, %cond3A_76 : i32
      scf.if %cond3A_77 {
        %slice3A_102 = vector.extract_strided_slice %add3A_68 {offsets = [0, 0], sizes = [1, 128], strides = [1, 1]} : vector<2048x128xf32> to vector<1x128xf32>
        %swap3A_103 = arith.constant 0 : index
        %swap3A_104 = arith.constant 0 : index
        %swap3A_105 = vector.load %arg22[%swap3A_103, %swap3A_104] : memref<1x128xf32, #tpu.memory_space<vmem>>, vector<1x128xf32>
        tpu.vector_store %arg22[%swap3A_103, %swap3A_104], %slice3A_102 {strides = array<i32>} : memref<1x128xf32, #tpu.memory_space<vmem>>, vector<1x128xf32>,
        %broadcast_in_dim3A_106 = arith.constant 0.000000e+00 : f32
        %broadcast_in_dim3A_107 = vector.broadcast %broadcast_in_dim3A_106 : f32 to vector<1x128xf32>
        %swap3A_108 = arith.constant 0 : index
        %swap3A_109 = arith.constant 0 : index
        %swap3A_110 = vector.load %arg20[%swap3A_108, %swap3A_109] : memref<1x128xf32, #tpu.memory_space<vmem>>, vector<1x128xf32>
        tpu.vector_store %arg20[%swap3A_108, %swap3A_109], %broadcast_in_dim3A_107 {strides = array<i32>} : memref<1x128xf32, #tpu.memory_space<vmem>>, vector<1x128xf32>,
        %broadcast_in_dim3A_111 = arith.constant 0.000000e+00 : f32
        %broadcast_in_dim3A_112 = vector.broadcast %broadcast_in_dim3A_111 : f32 to vector<1x128xf32>
        %swap3A_113 = arith.constant 0 : index
        %swap3A_114 = arith.constant 0 : index
        %swap3A_115 = vector.load %arg21[%swap3A_113, %swap3A_114] : memref<1x128xf32, #tpu.memory_space<vmem>>, vector<1x128xf32>
        tpu.vector_store %arg21[%swap3A_113, %swap3A_114], %broadcast_in_dim3A_112 {strides = array<i32>} : memref<1x128xf32, #tpu.memory_space<vmem>>, vector<1x128xf32>,
      } else {
      }
      %get3A_78 = arith.constant 0 : index
      %get3A_79 = arith.constant 0 : index
      %get3A_80 = vector.load %arg20[%get3A_78, %get3A_79] : memref<1x128xf32, #tpu.memory_space<vmem>>, vector<1x128xf32>
      %reduce_sum3A = arith.constant dense<0.000000e+00> : vector<128xf32>
      %reduce_sum3A_81 = vector.multi_reduction <add>, %add3A_68, %reduce_sum3A [0] : vector<2048x128xf32> to vector<128xf32>
      %broadcast_in_dim3A = vector.shape_cast %reduce_sum3A_81 : vector<128xf32> to vector<1x128xf32>
      %add3A_82 = arith.addf %get3A_80, %broadcast_in_dim3A : vector<1x128xf32>
      %swap3A_83 = arith.constant 0 : index
      %swap3A_84 = arith.constant 0 : index
      %swap3A_85 = vector.load %arg20[%swap3A_83, %swap3A_84] : memref<1x128xf32, #tpu.memory_space<vmem>>, vector<1x128xf32>
      tpu.vector_store %arg20[%swap3A_83, %swap3A_84], %add3A_82 {strides = array<i32>} : memref<1x128xf32, #tpu.memory_space<vmem>>, vector<1x128xf32>,
      %get3A_86 = arith.constant 0 : index
      %get3A_87 = arith.constant 0 : index
      %get3A_88 = vector.load %arg22[%get3A_86, %get3A_87] : memref<1x128xf32, #tpu.memory_space<vmem>>, vector<1x128xf32>
      %sub3A_89 = vector.broadcast %get3A_88 : vector<1x128xf32> to vector<2048x128xf32>
      %sub3A_90 = arith.subf %add3A_68, %sub3A_89 : vector<2048x128xf32>
      %get3A_91 = arith.constant 0 : index
      %get3A_92 = arith.constant 0 : index
      %get3A_93 = vector.load %arg21[%get3A_91, %get3A_92] : memref<1x128xf32, #tpu.memory_space<vmem>>, vector<1x128xf32>
      %mul3A_94 = arith.mulf %sub3A_90, %sub3A_90 : vector<2048x128xf32>
      %reduce_sum3A_95 = arith.constant dense<0.000000e+00> : vector<128xf32>
      %reduce_sum3A_96 = vector.multi_reduction <add>, %mul3A_94, %reduce_sum3A_95 [0] : vector<2048x128xf32> to vector<128xf32>
      %broadcast_in_dim3A_97 = vector.shape_cast %reduce_sum3A_96 : vector<128xf32> to vector<1x128xf32>
      %add3A_98 = arith.addf %get3A_93, %broadcast_in_dim3A_97 : vector<1x128xf32>
      %swap3A_99 = arith.constant 0 : index
      %swap3A_100 = arith.constant 0 : index
      %swap3A_101 = vector.load %arg21[%swap3A_99, %swap3A_100] : memref<1x128xf32, #tpu.memory_space<vmem>>, vector<1x128xf32>
      tpu.vector_store %arg21[%swap3A_99, %swap3A_100], %add3A_98 {strides = array<i32>} : memref<1x128xf32, #tpu.memory_space<vmem>>, vector<1x128xf32>,
    } else {
    }
    %eq3A_2 = arith.constant 1 : i32
    %eq3A_3 = arith.cmpi eq, %arg0, %eq3A_2 : i32
    %convert_element_type3A_4 = arith.extui %eq3A_3 : i1 to i32
    %cond3A_5 = arith.constant 0 : i32
    %cond3A_6 = arith.cmpi ne, %convert_element_type3A_4, %cond3A_5 : i32
    scf.if %cond3A_6 {
      %get3A = arith.constant 0 : index
      %get3A_7 = arith.constant 0 : index
      %get3A_8 = vector.load %arg20[%get3A, %get3A_7] : memref<1x128xf32, #tpu.memory_space<vmem>>, vector<1x128xf32>
      %mul3A = arith.constant 6.10351563E-5 : f32
      %mul3A_9 = vector.broadcast %mul3A : f32 to vector<1x128xf32>
      %mul3A_10 = arith.mulf %get3A_8, %mul3A_9 : vector<1x128xf32>
      %get3A_11 = arith.constant 0 : index
      %get3A_12 = arith.constant 0 : index
      %get3A_13 = vector.load %arg22[%get3A_11, %get3A_12] : memref<1x128xf32, #tpu.memory_space<vmem>>, vector<1x128xf32>
      %sub3A = arith.subf %mul3A_10, %get3A_13 : vector<1x128xf32>
      %get3A_14 = arith.constant 0 : index
      %get3A_15 = arith.constant 0 : index
      %get3A_16 = vector.load %arg21[%get3A_14, %get3A_15] : memref<1x128xf32, #tpu.memory_space<vmem>>, vector<1x128xf32>
      %mul3A_17 = arith.constant 6.10351563E-5 : f32
      %mul3A_18 = vector.broadcast %mul3A_17 : f32 to vector<1x128xf32>
      %mul3A_19 = arith.mulf %get3A_16, %mul3A_18 : vector<1x128xf32>
      %mul3A_20 = arith.mulf %sub3A, %sub3A : vector<1x128xf32>
      %sub3A_21 = arith.subf %mul3A_19, %mul3A_20 : vector<1x128xf32>
      %add3A = arith.constant 9.99999974E-6 : f32
      %add3A_22 = vector.broadcast %add3A : f32 to vector<1x128xf32>
      %add3A_23 = arith.addf %sub3A_21, %add3A_22 : vector<1x128xf32>
      %rsqrt3A = math.rsqrt %add3A_23 : vector<1x128xf32>
      %get3A_24 = arith.constant 0 : index
      %get3A_25 = arith.constant 0 : index
      %get3A_26 = vector.load %arg10[%get3A_24, %get3A_25] : memref<1x128xf32, #tpu.memory_space<vmem>>, vector<1x128xf32>
      %mul3A_27 = arith.mulf %rsqrt3A, %get3A_26 : vector<1x128xf32>
      %mul3A_28 = arith.constant 2048 : i32
      %mul3A_29 = arith.muli %arg1, %mul3A_28 : i32
      %get3A_30 = arith.index_cast %mul3A_29 : i32 to index
      %get3A_31 = arith.constant 0 : index
      %get3A_32 = vector.load %arg19[%get3A_30, %get3A_31] : memref<16384x128xf32, #tpu.memory_space<vmem>>, vector<2048x128xf32>
      %sub3A_33 = vector.broadcast %mul3A_10 : vector<1x128xf32> to vector<2048x128xf32>
      %sub3A_34 = arith.subf %get3A_32, %sub3A_33 : vector<2048x128xf32>
      %mul3A_35 = vector.broadcast %mul3A_27 : vector<1x128xf32> to vector<2048x128xf32>
      %mul3A_36 = arith.mulf %sub3A_34, %mul3A_35 : vector<2048x128xf32>
      %get3A_37 = arith.constant 0 : index
      %get3A_38 = arith.constant 0 : index
      %get3A_39 = vector.load %arg11[%get3A_37, %get3A_38] : memref<1x128xf32, #tpu.memory_space<vmem>>, vector<1x128xf32>
      %add3A_40 = vector.broadcast %get3A_39 : vector<1x128xf32> to vector<2048x128xf32>
      %add3A_41 = arith.addf %mul3A_36, %add3A_40 : vector<2048x128xf32>
      %max3A = arith.constant 0.000000e+00 : f32
      %max3A_42 = vector.broadcast %max3A : f32 to vector<2048x128xf32>
      %max3A_43 = arith.maximumf %add3A_41, %max3A_42 : vector<2048x128xf32>
      %get3A_44 = arith.constant 0 : index
      %get3A_45 = arith.constant 0 : index
      %get3A_46 = vector.load %arg12[%get3A_44, %get3A_45] : memref<128x64xf32, #tpu.memory_space<vmem>>, vector<128x64xf32>
      %dot_general3A = arith.constant dense<0.000000e+00> : vector<2048x64xf32>
      %dot_general3A_47 = tpu.matmul %max3A_43, %get3A_46, %dot_general3A {dimension_numbers = #tpu.dot_dimension_numbers<[1], [0], [0], [1], [0, 0, 1, 1], [], []>, precision = #tpu.contract_precision<fp32>, transpose_lhs_hint = false} : vector<2048x128xf32>, vector<128x64xf32>, vector<2048x64xf32> -> vector<2048x64xf32>
      %get3A_48 = arith.constant 0 : index
      %get3A_49 = arith.constant 0 : index
      %get3A_50 = vector.load %arg13[%get3A_48, %get3A_49] : memref<1x64xf32, #tpu.memory_space<vmem>>, vector<1x64xf32>
      %add3A_51 = vector.broadcast %get3A_50 : vector<1x64xf32> to vector<2048x64xf32>
      %add3A_52 = arith.addf %dot_general3A_47, %add3A_51 : vector<2048x64xf32>
      %max3A_53 = arith.constant 0.000000e+00 : f32
      %max3A_54 = vector.broadcast %max3A_53 : f32 to vector<2048x64xf32>
      %max3A_55 = arith.maximumf %add3A_52, %max3A_54 : vector<2048x64xf32>
      %get3A_56 = arith.constant 0 : index
      %get3A_57 = arith.constant 0 : index
      %get3A_58 = vector.load %arg14[%get3A_56, %get3A_57] : memref<64x32xf32, #tpu.memory_space<vmem>>, vector<64x32xf32>
      %dot_general3A_59 = arith.constant dense<0.000000e+00> : vector<2048x32xf32>
      %dot_general3A_60 = tpu.matmul %max3A_55, %get3A_58, %dot_general3A_59 {dimension_numbers = #tpu.dot_dimension_numbers<[1], [0], [0], [1], [0, 0, 1, 1], [], []>, precision = #tpu.contract_precision<fp32>, transpose_lhs_hint = false} : vector<2048x64xf32>, vector<64x32xf32>, vector<2048x32xf32> -> vector<2048x32xf32>
      %get3A_61 = arith.constant 0 : index
      %get3A_62 = arith.constant 0 : index
      %get3A_63 = vector.load %arg15[%get3A_61, %get3A_62] : memref<1x32xf32, #tpu.memory_space<vmem>>, vector<1x32xf32>
      %add3A_64 = vector.broadcast %get3A_63 : vector<1x32xf32> to vector<2048x32xf32>
      %add3A_65 = arith.addf %dot_general3A_60, %add3A_64 : vector<2048x32xf32>
      %max3A_66 = arith.constant 0.000000e+00 : f32
      %max3A_67 = vector.broadcast %max3A_66 : f32 to vector<2048x32xf32>
      %max3A_68 = arith.maximumf %add3A_65, %max3A_67 : vector<2048x32xf32>
      %get3A_69 = arith.constant 0 : index
      %get3A_70 = arith.constant 0 : index
      %get3A_71 = vector.load %arg16[%get3A_69, %get3A_70] : memref<32x1xf32, #tpu.memory_space<vmem>>, vector<32x1xf32>
      %dot_general3A_72 = arith.constant dense<0.000000e+00> : vector<2048x1xf32>
      %dot_general3A_73 = tpu.matmul %max3A_68, %get3A_71, %dot_general3A_72 {dimension_numbers = #tpu.dot_dimension_numbers<[1], [0], [0], [1], [0, 0, 1, 1], [], []>, precision = #tpu.contract_precision<fp32>, transpose_lhs_hint = false} : vector<2048x32xf32>, vector<32x1xf32>, vector<2048x1xf32> -> vector<2048x1xf32>
      %get3A_74 = arith.constant 0 : index
      %get3A_75 = arith.constant 0 : index
      %get3A_76 = vector.load %arg17[%get3A_74, %get3A_75] : memref<1x1xf32, #tpu.memory_space<vmem>>, vector<1x1xf32>
      %add3A_77 = vector.broadcast %get3A_76 : vector<1x1xf32> to vector<2048x1xf32>
      %add3A_78 = arith.addf %dot_general3A_73, %add3A_77 : vector<2048x1xf32>
      %logistic3A = arith.negf %add3A_78 : vector<2048x1xf32>
      %logistic3A_79 = math.exp %logistic3A : vector<2048x1xf32>
      %logistic3A_80 = arith.constant 1.000000e+00 : f32
      %logistic3A_81 = vector.broadcast %logistic3A_80 : f32 to vector<2048x1xf32>
      %logistic3A_82 = arith.addf %logistic3A_81, %logistic3A_79 : vector<2048x1xf32>
      %logistic3A_83 = arith.divf %logistic3A_81, %logistic3A_82 : vector<2048x1xf32>
      %mul3A_84 = arith.constant 1.000000e+01 : f32
      %mul3A_85 = vector.broadcast %mul3A_84 : f32 to vector<2048x1xf32>
      %mul3A_86 = arith.mulf %logistic3A_83, %mul3A_85 : vector<2048x1xf32>
      %swap3A = arith.constant 0 : index
      %swap3A_87 = arith.constant 0 : index
      %swap3A_88 = vector.load %arg18[%swap3A, %swap3A_87] : memref<2048x1xf32, #tpu.memory_space<vmem>>, vector<2048x1xf32>
      tpu.vector_store %arg18[%swap3A, %swap3A_87], %mul3A_86 {strides = array<i32>} : memref<2048x1xf32, #tpu.memory_space<vmem>>, vector<2048x1xf32>,
    } else {
    }
    return
  }
  func.func @transform_0(%arg0: i32, %arg1: i32) -> (i32, i32) {
    %c0_i32 = arith.constant 0 : i32
    %c0_i32_0 = arith.constant 0 : i32
    return %c0_i32, %arg1 : i32, i32
  }
  func.func @transform_1(%arg0: i32, %arg1: i32) -> (i32, i32) {
    %c0_i32 = arith.constant 0 : i32
    %c0_i32_0 = arith.constant 0 : i32
    return %arg1, %c0_i32 : i32, i32
  }
  func.func @transform_2(%arg0: i32, %arg1: i32) -> (i32, i32) {
    %c0_i32 = arith.constant 0 : i32
    %c0_i32_0 = arith.constant 0 : i32
    return %arg1, %c0_i32 : i32, i32
  }
  func.func @transform_3(%arg0: i32, %arg1: i32) -> (i32, i32) {
    %c0_i32 = arith.constant 0 : i32
    %c0_i32_0 = arith.constant 0 : i32
    %c0_i32_1 = arith.constant 0 : i32
    return %c0_i32, %c0_i32_0 : i32, i32
  }
  func.func @transform_4(%arg0: i32, %arg1: i32) -> (i32, i32) {
    %c0_i32 = arith.constant 0 : i32
    %c0_i32_0 = arith.constant 0 : i32
    %c0_i32_1 = arith.constant 0 : i32
    return %c0_i32, %c0_i32_0 : i32, i32
  }
  func.func @transform_5(%arg0: i32, %arg1: i32) -> (i32, i32) {
    %c0_i32 = arith.constant 0 : i32
    %c0_i32_0 = arith.constant 0 : i32
    %c0_i32_1 = arith.constant 0 : i32
    return %c0_i32, %c0_i32_0 : i32, i32
  }
  func.func @transform_6(%arg0: i32, %arg1: i32) -> (i32, i32) {
    %c0_i32 = arith.constant 0 : i32
    %c0_i32_0 = arith.constant 0 : i32
    %c0_i32_1 = arith.constant 0 : i32
    return %c0_i32, %c0_i32_0 : i32, i32
  }
  func.func @transform_7(%arg0: i32, %arg1: i32) -> (i32, i32) {
    %c0_i32 = arith.constant 0 : i32
    %c0_i32_0 = arith.constant 0 : i32
    %c0_i32_1 = arith.constant 0 : i32
    return %c0_i32, %c0_i32_0 : i32, i32
  }
  func.func @transform_8(%arg0: i32, %arg1: i32) -> (i32, i32) {
    %c0_i32 = arith.constant 0 : i32
    %c0_i32_0 = arith.constant 0 : i32
    %c0_i32_1 = arith.constant 0 : i32
    return %c0_i32, %c0_i32_0 : i32, i32
  }
  func.func @transform_9(%arg0: i32, %arg1: i32) -> (i32, i32) {
    %c0_i32 = arith.constant 0 : i32
    %c0_i32_0 = arith.constant 0 : i32
    %c0_i32_1 = arith.constant 0 : i32
    return %c0_i32, %c0_i32_0 : i32, i32
  }
  func.func @transform_10(%arg0: i32, %arg1: i32) -> (i32, i32) {
    %c0_i32 = arith.constant 0 : i32
    %c0_i32_0 = arith.constant 0 : i32
    %c0_i32_1 = arith.constant 0 : i32
    return %c0_i32, %c0_i32_0 : i32, i32
  }
  func.func @transform_11(%arg0: i32, %arg1: i32) -> (i32, i32) {
    %c0_i32 = arith.constant 0 : i32
    %c0_i32_0 = arith.constant 0 : i32
    %c0_i32_1 = arith.constant 0 : i32
    return %c0_i32, %c0_i32_0 : i32, i32
  }
  func.func @transform_12(%arg0: i32, %arg1: i32) -> (i32, i32) {
    %c0_i32 = arith.constant 0 : i32
    %c0_i32_0 = arith.constant 0 : i32
    %c0_i32_1 = arith.constant 0 : i32
    return %c0_i32, %c0_i32_0 : i32, i32
  }
  func.func @transform_13(%arg0: i32, %arg1: i32) -> (i32, i32) {
    %c0_i32 = arith.constant 0 : i32
    %c0_i32_0 = arith.constant 0 : i32
    %c0_i32_1 = arith.constant 0 : i32
    return %c0_i32, %c0_i32_0 : i32, i32
  }
  func.func @transform_14(%arg0: i32, %arg1: i32) -> (i32, i32) {
    %c0_i32 = arith.constant 0 : i32
    %c0_i32_0 = arith.constant 0 : i32
    %c0_i32_1 = arith.constant 0 : i32
    return %c0_i32, %c0_i32_0 : i32, i32
  }
  func.func @transform_15(%arg0: i32, %arg1: i32) -> (i32, i32) {
    %c0_i32 = arith.constant 0 : i32
    %c0_i32_0 = arith.constant 0 : i32
    %c0_i32_1 = arith.constant 0 : i32
    return %c0_i32, %c0_i32_0 : i32, i32
  }
  func.func @transform_16(%arg0: i32, %arg1: i32) -> (i32, i32) {
    %c0_i32 = arith.constant 0 : i32
    %c0_i32_0 = arith.constant 0 : i32
    return %arg1, %c0_i32 : i32, i32
  }
}

</mosaic_0001>

<sc_bundles>
// kernel: kernel.5.cloned.1.call-start
scs
__scs_entry_jumppad:
0x0: {  	(pc) =	sbr.rel $0x88, $3  }
0x1: {  	(tag) =	ssettag $0x0;
	lr =	simm.s32 $0x1  }
0x2: {  	[smem:$0x3F8D] =	sst lr;
	_ =	strace $0xD0000000  }
0x3: {  	_ = 	snop  }
0x4: {  	_ = 	snop  }
0x5: {  	_ = 	snop  }
0x6: {  	_ = 	snop  }
0x7: {  	_ = 	snop  }
__scs_overlays_trampoline_lowered:
0x8: {  	[smem:$0x3F9C] =	sst s0  }
0x9: {  	[smem:$0x3F9D] =	sst s1  }
0xa: {  	[smem:$0x3F9E] =	sst s2  }
0xb: {  	[smem:$0x3F9F] =	sst s3  }
0xc: {  	[smem:$0x3FA0] =	sst s4  }
0xd: {  	[smem:$0x3FA1] =	sst s5  }
0xe: {  	[smem:$0x3FA2] =	sst s6  }
0xf: {  	[smem:$0x3FA3] =	sst s7  }
0x10: {  	[smem:$0x3FA4] =	sst s8  }
0x11: {  	[smem:$0x3FA5] =	sst s9;
	s0 =	simm.s32 @!p0 $0x0  }
0x12: {  	s1 =	sld [smem:$0x3F8B];
	s0 =	simm.s32 @p0 $0x1  }
0x13: {  	[smem:$0x3FA6] =	sst s0;
	s0 =	simm.s32 @!p1 $0x0  }
0x14: {  	s2 =	sld [smem:$0x3F8A];
	s0 =	simm.s32 @p1 $0x1  }
0x15: {  	[smem:$0x3FA7] =	sst s0;
	s0 =	simm.s32 @!p2 $0x0  }
0x16: {  	s3 =	sld [smem:$0x3FDB];
	s0 =	simm.s32 @p2 $0x1  }
0x17: {  	s4 =	simm.s32 $0x1BF5;
	[smem:$0x3FA9] =	sst s0  }
0x18: {  	s0 =	sld [smem:$0x3F8C];
	_ =	swait.ge [sflag:s4], $0x0  }
0x19: {  	s7 =	sld [smem:$0x3F8D]  }
0x1a: {  	s8 =	sadd.s32 $0xFFFFE003, lr  }
0x1b: {  	s9 =	sadd.s32 $0xFFFFFEF7, lr;
	s5 =	simm.s32 $0xFFFFFFFF;
	p2 =	slt.u32 s8, $0xFFFFF086  }
0x1c: {  	p1 =	slt.u32 s9, $0xF7A;
	s5 =	simm.s32 @!p2 $0x0  }
0x1d: {  	s5 =	simm.s32 @p1 $0x1;
	p0 =	seq.s32 s7, s2  }
0x1e: {  	s7 =	smul.u32 @!p0 $0xF7A, s2;
	p2 =	seq.s32 @!p0 s5, $0x0  }
0x1f: {  	s9 =	smul.u32 $0xF7A, s1;
	s8 =	simm.s32 @!p0 $0x1BF5;
	p2 =	por !p2, p0  }
0x20: {  	[sflag:s8] =	ssyncset.s32 @!p0 $0xFFFFF086;
	s6 =	sadd.s32 @!p0 s3, s7;
	s7 =	simm.s32 @!p0 $0x108  }
0x21: {  	s3 =	sadd.s32 s3, s9;
	s6 =	sadd.s32 @!p0 $0x88, s6;
	s7 =	simm.s32 @p2 $0x1082  }
0x22: {  	[simem:s7], [sflag:s8] =	dma.local @!p0 [hbm:s6], $0xF7A  }
0x23: {  	s9 =	sor.u32 $0xD0000000, s2;
	s6 =	simm.s32 $0x108;
	_ =	swait.ge @!p0 [sflag:s8], $0x0  }
0x24: {  	s3 =	sadd.s32 $0x88, s3;
	s6 =	simm.s32 @!p1 $0x1082;
	[sflag:s4] =	ssyncset.s32 $0xFFFFF086  }
0x25: {  	[simem:s6], [sflag:s4] =	dma.local [hbm:s3], $0xF7A  }
0x26: {  	[smem:$0x3F8D] =	sst s1;
	(tag) =	ssettag s2;
	_ =	strace s9  }
0x27: {  	s1 =	sld [smem:$0x3F9D]  }
0x28: {  	s2 =	sld [smem:$0x3F9E]  }
0x29: {  	s4 =	sld [smem:$0x3FA0]  }
0x2a: {  	p0 =	seq.s32 s5, $0x0;
	s5 =	sld [smem:$0x3FA1]  }
0x2b: {  	s6 =	sld [smem:$0x3FA2]  }
0x2c: {  	s7 =	sld [smem:$0x3FA3]  }
0x2d: {  	s3 =	simm.s32 $0x108;
	s8 =	sld [smem:$0x3FA4]  }
0x2e: {  	s3 =	simm.s32 @!p0 $0x1082;
	s9 =	sld [smem:$0x3FA5]  }
0x2f: {  	lr =	sadd.s32 s0, s3;
	s0 =	sld [smem:$0x3F9C]  }
0x30: {  	s3 =	sld [smem:$0x3F9F]  }
0x31: {  	[smem:$0x3FA8] =	sst s10  }
0x32: {  	s10 =	sld [smem:$0x3FA6];
	_ =	sdelay $0x3  }
0x33: {  	p0 =	seq.s32 s10, $0x1;
	s10 =	sld [smem:$0x3FA8];
	_ =	sdelay $0x3  }
0x34: {  	[smem:$0x3FA8] =	sst s10  }
0x35: {  	s10 =	sld [smem:$0x3FA7];
	_ =	sdelay $0x3  }
0x36: {  	p1 =	seq.s32 s10, $0x1;
	s10 =	sld [smem:$0x3FA8];
	_ =	sdelay $0x3  }
0x37: {  	[smem:$0x3FA8] =	sst s10  }
0x38: {  	s10 =	sld [smem:$0x3FA9]  }
0x39: {  	_ = 	snop;
	(pc) =	sbr.ind lr, $3  }
0x3a: {  	_ = 	snop  }
0x3b: {  	_ = 	snop  }
0x3c: {  	p2 =	seq.s32 s10, $0x1;
	s10 =	sld [smem:$0x3FA8]  }
0x3d: {  	_ =	shalt  }
0x3e: {  	_ =	shalt  }
0x3f: {  	_ =	shalt  }
0x40: {  	_ =	shalt  }
0x41: {  	_ =	shalt  }
0x42: {  	_ =	shalt  }
0x43: {  	_ =	shalt  }
0x44: {  	_ =	shalt  }
0x45: {  	_ =	shalt  }
0x46: {  	_ =	shalt  }
0x47: {  	_ =	shalt  }
0x48: {  	_ =	shalt  }
0x49: {  	_ =	shalt  }
0x4a: {  	_ =	shalt  }
0x4b: {  	_ =	shalt  }
0x4c: {  	_ =	shalt  }
0x4d: {  	_ =	shalt  }
0x4e: {  	_ =	shalt  }
0x4f: {  	_ =	shalt  }
0x50: {  	_ =	shalt  }
0x51: {  	_ =	shalt  }
0x52: {  	_ =	shalt  }
0x53: {  	_ =	shalt  }
0x54: {  	_ =	shalt  }
0x55: {  	_ =	shalt  }
0x56: {  	_ =	shalt  }
0x57: {  	_ =	shalt  }
0x58: {  	_ =	shalt  }
0x59: {  	_ =	shalt  }
0x5a: {  	_ =	shalt  }
0x5b: {  	_ =	shalt  }
0x5c: {  	_ =	shalt  }
0x5d: {  	_ =	shalt  }
0x5e: {  	_ =	shalt  }
0x5f: {  	_ =	shalt  }
0x60: {  	_ =	shalt  }
0x61: {  	_ =	shalt  }
0x62: {  	_ =	shalt  }
0x63: {  	_ =	shalt  }
0x64: {  	_ =	shalt  }
0x65: {  	_ =	shalt  }
0x66: {  	_ =	shalt  }
0x67: {  	_ =	shalt  }
0x68: {  	_ =	shalt  }
0x69: {  	_ =	shalt  }
0x6a: {  	_ =	shalt  }
0x6b: {  	_ =	shalt  }
0x6c: {  	_ =	shalt  }
0x6d: {  	_ =	shalt  }
0x6e: {  	_ =	shalt  }
0x6f: {  	_ =	shalt  }
0x70: {  	_ =	shalt  }
0x71: {  	_ =	shalt  }
0x72: {  	_ =	shalt  }
0x73: {  	_ =	shalt  }
0x74: {  	_ =	shalt  }
0x75: {  	_ =	shalt  }
0x76: {  	_ =	shalt  }
0x77: {  	_ =	shalt  }
0x78: {  	_ =	shalt  }
0x79: {  	_ =	shalt  }
0x7a: {  	_ =	shalt  }
0x7b: {  	_ =	shalt  }
0x7c: {  	_ =	shalt  }
0x7d: {  	_ =	shalt  }
0x7e: {  	_ =	shalt  }
0x7f: {  	_ =	shalt  }
0x80: {  	_ =	shalt  }
0x81: {  	_ =	shalt  }
0x82: {  	_ =	shalt  }
0x83: {  	_ =	shalt  }
0x84: {  	_ =	shalt  }
0x85: {  	_ =	shalt  }
0x86: {  	_ =	shalt  }
0x87: {  	_ =	shalt  }
.Lfunc_end0:
.L_simem_size_0:
called_computation_lowered:
.L_overlay_start_0:
0x88: {  	s2 =	sld [smem:$0x3FD9]  }
0x89: {  	s3 =	sld [smem:$0x3FFE];
	_ =	sdelay $0x1  }
0x8a: {  	s1 =	srdreg.scid  }
0x8b: {  	s0 =	sand.u32 $0x1, s1  }
0x8c: {  	s17 =	sshll.u32 s0, $0xA;
	s2 =	sadd.s32 s3, s2  }
0x8d: {  	s2 =	sadd.s32 s2, s17  }
0x8e: {  	[smem:$0x3FB4] =	sst s2  }
0x8f: {  	_ = 	snop  }
0x90: {  	s18 =	sld [smem:$0x3FC9]  }
0x91: {  	s4 =	sld [smem:$0x3FC3];
	(tm) =	ssettm $0x1  }
0x92: {  	s19 =	sld [smem:$0x3FFB];
	_ =	sdelay $0x3  }
0x93: {  	_ =	strace s19  }
0x94: {  	s2 =	sld [smem:$0x3FFC];
	_ =	sdelay $0x3  }
0x95: {  	_ =	strace s2  }
0x96: {  	s2 =	sld [smem:$0x3FFD];
	_ =	sdelay $0x3  }
0x97: {  	_ =	strace s2  }
0x98: {  	_ =	strace $0x8FFFFFFF  }
0x99: {  	s20 =	sld [smem:$0x3FDB];
	_ =	sdelay $0x1  }
0x9a: {  	s5 =	simm.s32 $_scs_section_size  }
0x9b: {  	s6 =	simm.s32 $_size__tile_overlayer_lowered;
	s7 =	simm.s32 $_tile_overlayer_lowered  }
0x9c: {  	s8 =	simm.s32 $0x1BFF;
	s21 =	sshll.u32 s7, $0x1;
	s5 =	sadd.s32 s5, s20  }
0x9d: {  	s22 =	simm.s32 $0x0;
	s6 =	sshll.u32 s6, $0x1;
	s7 =	sadd.s32 s21, s5  }
0x9e: {  	[timem:s22], [sflag:s8] =	dma.local [hbm:s7], s6  }
0x9f: {  	_ =	swait.ge [sflag:s8], s6  }
0xa0: {  	s6 =	ssub.s32 $0x0, s6;
	[sflag:s8] =	ssyncset.done $0x0  }
0xa1: {  	[sflag:s8] =	ssyncadd.s32 s6;
	_ =	sdelay $0x1  }
0xa2: {  	s23 =	simm.s32 $0x1B8B  }
0xa3: {  	_ =	swait.ge [sflag:s23], $0x1  }
0xa4: {  	[sflag:s23] =	ssyncset.done $0x0  }
0xa5: {  	[sflag:s23] =	ssyncadd.s32 $0xFFFFFFFF  }
0xa6: {  	s6 =	sld [smem:$0x0]  }
0xa7: {  	s7 =	sand.u32 $0xFFFFFFFE, s1  }
0xa8: {  	p0 =	sne.s32 s1, s7  }
0xa9: {  	s7 =	sshll.u32 @p0 s7, $0xE  }
0xaa: {  	s7 =	sadd.s32 @p0 $0x11B8D, s7;
	s8 =	sshll.u32 @p0 s6, $0x11  }
0xab: {  	s7 =	sor.u32 @p0 s8, s7  }
0xac: {  	[sflag:s7] =	ssyncadd.remote.s32 @p0 $0x1;
	_ =	sdelay $0x1  }
0xad: {  	s7 =	simm.s32 @p0 $0x1B8D  }
0xae: {  	_ =	swait.eq @p0 [sflag:s7], $0x1  }
0xaf: {  	[sflag:s7] =	ssyncadd.s32 @p0 $0xFFFFFFFF  }
0xb0: {  	s8 =	sshll.u32 @!p0 s1, $0xE  }
0xb1: {  	s8 =	sor.u32 @!p0 $0x4000, s8;
	s7 =	simm.s32 @!p0 $0x1B8D  }
0xb2: {  	s6 =	sshll.u32 @!p0 s6, $0x11;
	s8 =	sadd.s32 @!p0 $0x11B8D, s8;
	_ =	swait.eq @!p0 [sflag:s7], $0x1  }
0xb3: {  	s6 =	sor.u32 @!p0 s6, s8;
	[sflag:s7] =	ssyncadd.s32 @!p0 $0xFFFFFFFF  }
0xb4: {  	s25 =	simm.s32 $0x1B8E;
	s24 =	sld [smem:$0x3FFE];
	[sflag:s6] =	ssyncadd.remote.s32 @!p0 $0x1  }
0xb5: {  	s26 =	simm.s32 $execute0_lowered;
	[smem:$0x3FD2] =	sst s25  }
0xb6: {  	s7 =	sshll.u32 s26, $0x1;
	_ =	strace $0x80000049;
	[dreg:$0x1] =	wrdreg $0xFFFFFFFF  }
0xb7: {  	s28 =	simm.s32 $_size_execute0_lowered;
	s5 =	sadd.s32 s5, s7;
	[dreg:$0x0] =	wrdreg $0x0  }
0xb8: {  	s7 =	sshll.u32 s28, $0x1;
	[dreg:$0x2] =	wrdreg s5  }
0xb9: {  	[dreg:$0x3] =	wrdreg s7  }
0xba: {  	[dreg:$0x4] =	wrdreg $0xC0  }
0xbb: {  	_ =	task [dreg:s22], $0x5FFFF  }
0xbc: {  	[dreg:$0x1] =	wrdreg $0xFFFFFFFF  }
0xbd: {  	[dreg:$0x0] =	wrdreg $0x60  }
0xbe: {  	[dreg:$0x2] =	wrdreg s18  }
0xbf: {  	[dreg:$0x3] =	wrdreg s4  }
0xc0: {  	[dreg:$0x4] =	wrdreg s24  }
0xc1: {  	[dreg:$0x5] =	wrdreg $0x9  }
0xc2: {  	_ =	task.clear_ibuf [dreg:s22], $0x6FFFF;
	_ =	strace $0x90000049  }
0xc3: {  	s29 =	simm.s32 $0x9;
	_ =	strace $0x8000004B  }
0xc4: {  	_ =	swait.ge [sflag:s29], $0x1  }
0xc5: {  	[sflag:s29] =	ssyncadd.s32 $0xFFFFFFFF  }
0xc6: {  	_ =	strace $0x9000004B  }
0xc7: {  	_ =	sfence  }
0xc8: {  	s30 =	sld [smem:$0x0];
	_ =	sdelay $0x2  }
0xc9: {  	s31 =	sshll.u32 s1, $0xD;
	s1 =	sshrl.u32 s1, $0x2  }
0xca: {  	s4 =	sand.u32 $0x4000, s31;
	s1 =	sadd.s32 s1, s30  }
0xcb: {  	s0 =	sor.u32 s4, s0;
	s1 =	sshll.u32 s1, $0x11  }
0xcc: {  	s0 =	sor.u32 s1, s0  }
0xcd: {  	s0 =	sadd.s32 $0x8F2B, s0  }
0xce: {  	[sflag:s0] =	ssyncadd.remote.s32 $0x1  }
0xcf: {  	_ =	sfence.sel $0xFFFF  }
0xd0: {  	[dreg:$0x0] =	wrdreg $0xFFFFFFFF;
	(pc) =	sbr.abs _section_cstart, $3  }
0xd1: {  	[dreg:$0x1] =	wrdreg $0xFFFFFFFF  }
0xd2: {  	_ =	task.clear_ibuf [dreg:s22], $0x2FFFF;
	_ =	strace $0x9FFFFFFF  }
0xd3: {  	(tm) =	ssettm $0x7FFFFFFF  }
tec
execute0_lowered:
.L_overlay_start_1:
0x0: {  	(tag) =	ssettag $0x1  }
0x1: {  	v1 =	vimm.s32 $0x1380;
	vm0 =	vcmask $0x300  }
0x2: {  	v2 =	vimm.s32 $0x3380;
	vm1 =	vcmask $0x704;
	vm15 =	vcmask $0xB08  }
0x3: {  	vm4 =	vcmask $0xF0C;
	v1 =	vsel vm0, $0x0, v1;
	v2 =	vsel vm0, $0x2000, v2  }
0x4: {  	s1 =	rddreg [dreg:$0x1];
	vm5 =	vcmask $0x1310;
	v1 =	vsel vm1, $0x80, v1;
	v2 =	vsel vm1, $0x2080, v2  }
0x5: {  	s0 =	rddreg [dreg:$0x2];
	s2 =	srdreg.scid;
	s5 =	simm.s32 $0x0;
	vm6 =	vcmask $0x1714;
	v1 =	vsel vm15, $0x100, v1;
	v2 =	vsel vm15, $0x2100, v2  }
0x6: {  	s3 =	stileid.u32;
	vm7 =	vcmask $0x1B18;
	s9 =	simm.s32 $0x1;
	s10 =	simm.s32 $0x400;
	v1 =	vsel vm4, $0x180, v1;
	v2 =	vsel vm4, $0x2180, v2  }
0x7: {  	v0 =	vlaneseq.u32;
	s11 =	simm.s32 $0x7A1400;
	s24 =	simm.s32 $0x6000;
	s25 =	simm.s32 $0x7000;
	v1 =	vsel vm5, $0x200, v1;
	v2 =	vsel vm5, $0x2200, v2  }
0x8: {  	vm8 =	vcmask $0x1F1C;
	s28 =	simm.s32 $0x9000;
	s22 =	simm.s32 $0xA000;
	s23 =	simm.s32 $0xB000;
	v1 =	vsel vm6, $0x280, v1;
	v2 =	vsel vm6, $0x2280, v2  }
0x9: {  	vm9 =	vcmask $0x2320;
	s21 =	simm.s32 $0xC000;
	s6 =	simm.s32 $0xD000;
	s13 =	simm.s32 $0xE000;
	v1 =	vsel vm7, $0x300, v1;
	v2 =	vsel vm7, $0x2300, v2  }
0xa: {  	vm10 =	vcmask $0x2724;
	s15 =	simm.s32 $0xF000;
	s17 =	simm.s32 $0x10000;
	s19 =	simm.s32 $0x11000;
	v1 =	vsel vm8, $0x380, v1;
	v2 =	vsel vm8, $0x2380, v2  }
0xb: {  	vm11 =	vcmask $0x2B28;
	s29 =	simm.s32 $0x14000;
	s30 =	simm.s32 $0x2;
	s2 =	sand.u32 $0x1, s2;
	v1 =	vsel vm9, $0x1000, v1;
	v2 =	vsel vm9, $0x3000, v2  }
0xc: {  	vm12 =	vcmask $0x2F2C;
	s3 =	sshll.u32 s3, $0xA;
	[smem:$0x7FF] =	sst s5;
	s4 =	sshll.u32 s2, $0x9;
	v1 =	vsel vm10, $0x1080, v1;
	v2 =	vsel vm10, $0x3080, v2  }
.Ltmp0:
0xd: {  	vm13 =	vcmask $0x3330;
	s2 =	ssub.s32 $0x2, s2;
	s4 =	sor.u32 s4, s3;
	v1 =	vsel vm11, $0x1100, v1;
	v2 =	vsel vm11, $0x3100, v2;
	(pc) =	sbr.rel .LBB2_1-.Ltmp0, $4  }
0xe: {  	vm14 =	vcmask $0x3734;
	_ =	strace $0x8000004A;
	s26 =	sshrl.u32 s2, $0x1;
	s0 =	sadd.s32 s4, s0;
	v1 =	vsel vm12, $0x1180, v1;
	v2 =	vsel vm12, $0x3180, v2  }
0xf: {  	v0 =	vmul.u32 $0x80, v0;
	[dreg:$0x4] =	wrdreg s4;
	s2 =	ssub.s32 s2, s26;
	s0 =	sadd.s32 $0x42E00, s0;
	v1 =	vsel vm13, $0x1200, v1;
	v2 =	vsel vm13, $0x3200, v2  }
0x10: {  	s3 =	simm.s32 $0x3;
	vm15 =	vcmask $0x3B38;
	s31 =	smax.u32 s2, $0x1;
	[dreg:$0x5] =	wrdreg s0;
	v3 =	vsel vm14, $0x1280, v1;
	v4 =	vsel vm14, $0x3280, v2  }
0x11: {  	s26 =	simm.s32 $0x8000;
	s2 =	simm.s32 $0x0;
	[dreg:$0x6] =	wrdreg s31;
	v1 =	vor.u32 $0x800, v0;
	v2 =	vsel vm15, $0x1300, v3;
	v3 =	vsel vm15, $0x3300, v4  }
.LBB2_5:
0x12: {  	s0 =	rddreg [dreg:$0x5];
	s2 =	simm.s32 $0x1000;
	s3 =	simm.s32 $0x20000  }
0x13: {  	[hbm4b:s0+s2] =	stream.strided.scatter [tilespmem:s29], [sflag:$0x3], $0x4000, s3, s2, $0x38;
	[tilespmem:$0x18000] =	vst v63  }
0x14: {  	s3 =	simm.s32 $0x3  }
0x15: {  	_ =	swait.ge [sflag:s3], $0x4000  }
0x16: {  	s20 =	rddreg [dreg:$0x7]  }
0x17: {  	s31 =	rddreg [dreg:$0x6];
	s2 =	sadd.s32 $0x1, s20  }
0x18: {  	p0 =	sne.s32 s2, s31  }
.Ltmp1:
0x19: {  	_ = 	snop;
	(pc) =	sbr.rel @!p0 .LBB2_6-.Ltmp1, $3  }
0x1a: {  	_ =	sdelay $0x1  }
0x1b: {  	[sflag:s3] =	ssyncset.done $0x0  }
0x1c: {  	[sflag:s3] =	ssyncadd.s32 $0xFFFFC000  }
.LBB2_1:
0x1d: {  	[dreg:$0x7] =	wrdreg s2  }
0x1e: {  	s0 =	rddreg [dreg:$0x0];
	s31 =	simm.s32 $0x0  }
0x1f: {  	[tilespmem:s31], [sflag:$0x3] =	stream.linear.gather [hbm4b:s0+s31], $0x4000, $0x38;
	[tilespmem:$0x18000] =	vst v63  }
0x20: {  	_ =	swait.ge [sflag:s3], $0x4000  }
0x21: {  	[sflag:s3] =	ssyncset.done $0x0  }
0x22: {  	s2 =	rddreg [dreg:$0x4];
	[sflag:s3] =	ssyncadd.s32 $0xFFFFC000  }
0x23: {  	v4 =	vld [tilespmem:s2+$0x0];
	_ =	sdelay $0x4  }
0x24: {  	(v2sf) =	vpush v4, $0x0;
	_ =	sdelay $0x5  }
0x25: {  	(v2sf) =	vpush v4, $0x1;
	_ =	sdelay $0x8  }
0x26: {  	s3 =	spop (v2sf)  }
0x27: {  	(v2sf) =	vpush v4, $0x2;
	s4 =	sand.u32 $0x7F, s3  }
0x28: {  	s5 =	sshra.s32 s3, $0x1F;
	p1 =	slt.s32 s3, $0x1;
	p0 =	sne.s32 s4, $0x0  }
0x29: {  	s2 =	sshrl.u32 s5, $0x19;
	p0 =	por !p1, !p0  }
0x2a: {  	s0 =	sadd.s32 s2, s3;
	s2 =	simm.s32 $0x1;
	p0 =	por !p0, !p0  }
0x2b: {  	s0 =	sshrl.u32 s0, $0x7;
	s2 =	simm.s32 @!p0 $0x0  }
0x2c: {  	s7 =	simm.s32 $0x4000;
	s8 =	spop (v2sf);
	s0 =	ssub.s32 s0, s2  }
0x2d: {  	s12 =	sand.u32 $0x7F, s8;
	s14 =	sshra.s32 s8, $0x1F;
	s0 =	sshll.u32 s0, $0x7  }
0x2e: {  	(v2sf) =	vpush v4, $0x3;
	p6 =	slt.s32 s8, $0x1;
	p5 =	sne.s32 s12, $0x0;
	s0 =	sand.u32 $0x1FFFFF80, s0  }
0x2f: {  	p0 =	por !p6, !p5;
	s2 =	sshrl.u32 s14, $0x19;
	s0 =	sadd.s32 s1, s0  }
0x30: {  	[tilespmem:s7], [sflag:$0x1] =	stream.strided.gather [hbm4b:s0+s10], $0x1000, s11, s10, $0x38;
	[tilespmem:$0x18000] =	vst v63  }
0x31: {  	p0 =	por !p0, !p0;
	s0 =	sadd.s32 s2, s8;
	s2 =	simm.s32 $0x1  }
0x32: {  	s0 =	sshrl.u32 s0, $0x7;
	s2 =	simm.s32 @!p0 $0x0  }
0x33: {  	s0 =	ssub.s32 s0, s2  }
0x34: {  	s0 =	sshll.u32 s0, $0x7  }
0x35: {  	s0 =	sand.u32 $0x1FFFFF80, s0  }
0x36: {  	s16 =	simm.s32 $0x5000;
	s0 =	sadd.s32 s1, s0;
	s18 =	spop (v2sf)  }
0x37: {  	[tilespmem:s16], [sflag:$0x1] =	stream.strided.gather [hbm4b:s0+s10], $0x1000, s11, s10, $0x38;
	[tilespmem:$0x18000] =	vst v63  }
0x38: {  	(v2sf) =	vpush v4, $0x4;
	s20 =	sand.u32 $0x7F, s18  }
0x39: {  	s31 =	sshra.s32 s18, $0x1F;
	p2 =	slt.s32 s18, $0x1;
	p1 =	sne.s32 s20, $0x0  }
0x3a: {  	s2 =	sshrl.u32 s31, $0x19;
	p0 =	por !p2, !p1  }
0x3b: {  	s0 =	sadd.s32 s2, s18;
	s2 =	simm.s32 $0x1;
	p0 =	por !p0, !p0  }
0x3c: {  	s0 =	sshrl.u32 s0, $0x7;
	s2 =	simm.s32 @!p0 $0x0  }
0x3d: {  	s3 =	spop (v2sf);
	s0 =	ssub.s32 s0, s2  }
0x3e: {  	s4 =	sand.u32 $0x7F, s3;
	s5 =	sshra.s32 s3, $0x1F;
	s0 =	sshll.u32 s0, $0x7  }
0x3f: {  	(v2sf) =	vpush v4, $0x5;
	p4 =	slt.s32 s3, $0x1;
	p3 =	sne.s32 s4, $0x0;
	s0 =	sand.u32 $0x1FFFFF80, s0  }
0x40: {  	p0 =	por !p4, !p3;
	s2 =	sshrl.u32 s5, $0x19;
	s0 =	sadd.s32 s1, s0  }
0x41: {  	[tilespmem:s24], [sflag:$0x1] =	stream.strided.gather [hbm4b:s0+s10], $0x1000, s11, s10, $0x38;
	[tilespmem:$0x18000] =	vst v63  }
0x42: {  	p0 =	por !p0, !p0;
	s0 =	sadd.s32 s2, s3;
	s2 =	simm.s32 $0x1  }
0x43: {  	s0 =	sshrl.u32 s0, $0x7;
	s2 =	simm.s32 @!p0 $0x0  }
0x44: {  	s0 =	ssub.s32 s0, s2  }
0x45: {  	s0 =	sshll.u32 s0, $0x7  }
0x46: {  	s0 =	sand.u32 $0x1FFFFF80, s0  }
0x47: {  	s0 =	sadd.s32 s1, s0;
	s7 =	spop (v2sf)  }
0x48: {  	[tilespmem:s25], [sflag:$0x1] =	stream.strided.gather [hbm4b:s0+s10], $0x1000, s11, s10, $0x38;
	[tilespmem:$0x18000] =	vst v63  }
0x49: {  	(v2sf) =	vpush v4, $0x6;
	s8 =	sand.u32 $0x7F, s7  }
0x4a: {  	s12 =	sshra.s32 s7, $0x1F;
	p6 =	slt.s32 s7, $0x1;
	p5 =	sne.s32 s8, $0x0  }
0x4b: {  	s2 =	sshrl.u32 s12, $0x19;
	p0 =	por !p6, !p5  }
0x4c: {  	s0 =	sadd.s32 s2, s7;
	s2 =	simm.s32 $0x1;
	p0 =	por !p0, !p0  }
0x4d: {  	s0 =	sshrl.u32 s0, $0x7;
	s2 =	simm.s32 @!p0 $0x0  }
0x4e: {  	s14 =	spop (v2sf);
	s0 =	ssub.s32 s0, s2  }
0x4f: {  	s16 =	sand.u32 $0x7F, s14;
	s18 =	sshra.s32 s14, $0x1F;
	s0 =	sshll.u32 s0, $0x7  }
0x50: {  	(v2sf) =	vpush v4, $0x7;
	p2 =	slt.s32 s14, $0x1;
	p1 =	sne.s32 s16, $0x0;
	s0 =	sand.u32 $0x1FFFFF80, s0  }
0x51: {  	p0 =	por !p2, !p1;
	s2 =	sshrl.u32 s18, $0x19;
	s0 =	sadd.s32 s1, s0  }
0x52: {  	[tilespmem:s26], [sflag:$0x1] =	stream.strided.gather [hbm4b:s0+s10], $0x1000, s11, s10, $0x38;
	[tilespmem:$0x18000] =	vst v63  }
0x53: {  	p0 =	por !p0, !p0;
	s0 =	sadd.s32 s2, s14;
	s2 =	simm.s32 $0x1  }
0x54: {  	s0 =	sshrl.u32 s0, $0x7;
	s2 =	simm.s32 @!p0 $0x0  }
0x55: {  	s0 =	ssub.s32 s0, s2  }
0x56: {  	s0 =	sshll.u32 s0, $0x7  }
0x57: {  	s0 =	sand.u32 $0x1FFFFF80, s0  }
0x58: {  	s20 =	spop (v2sf);
	s0 =	sadd.s32 s1, s0  }
0x59: {  	[tilespmem:s28], [sflag:$0x1] =	stream.strided.gather [hbm4b:s0+s10], $0x1000, s11, s10, $0x38;
	[tilespmem:$0x18000] =	vst v63  }
0x5a: {  	s24 =	sand.u32 $0x7F, s20  }
0x5b: {  	s25 =	sshra.s32 s20, $0x1F;
	p4 =	slt.s32 s20, $0x1;
	p3 =	sne.s32 s24, $0x0  }
0x5c: {  	s0 =	sshrl.u32 s25, $0x19;
	p0 =	por !p4, !p3  }
0x5d: {  	s2 =	simm.s32 $0x1;
	s0 =	sadd.s32 s0, s20;
	p0 =	por !p0, !p0  }
0x5e: {  	s0 =	sshrl.u32 s0, $0x7;
	s2 =	simm.s32 @!p0 $0x0  }
0x5f: {  	s26 =	spop (v2sf);
	s0 =	ssub.s32 s0, s2  }
0x60: {  	s28 =	sand.u32 $0x7F, s26;
	s31 =	sshra.s32 s26, $0x1F;
	s0 =	sshll.u32 s0, $0x7  }
0x61: {  	p6 =	slt.s32 s26, $0x1;
	p5 =	sne.s32 s28, $0x0;
	s0 =	sand.u32 $0x1FFFFF80, s0  }
0x62: {  	p0 =	por !p6, !p5;
	s2 =	sshrl.u32 s31, $0x19;
	s0 =	sadd.s32 s1, s0  }
0x63: {  	[tilespmem:s22], [sflag:$0x1] =	stream.strided.gather [hbm4b:s0+s10], $0x1000, s11, s10, $0x38;
	[tilespmem:$0x18000] =	vst v63  }
0x64: {  	p0 =	por !p0, !p0;
	s0 =	sadd.s32 s2, s26;
	s2 =	simm.s32 $0x1  }
0x65: {  	s0 =	sshrl.u32 s0, $0x7;
	s2 =	simm.s32 @!p0 $0x0  }
0x66: {  	s0 =	ssub.s32 s0, s2  }
.Ltmp2:
0x67: {  	s0 =	sshll.u32 s0, $0x7;
	(pc) =	sbr.rel .LBB2_2-.Ltmp2, $4  }
0x68: {  	s0 =	sand.u32 $0x1FFFFF80, s0  }
0x69: {  	s0 =	sadd.s32 s1, s0  }
0x6a: {  	[tilespmem:s23], [sflag:$0x1] =	stream.strided.gather [hbm4b:s0+s10], $0x1000, s11, s10, $0x38;
	[tilespmem:$0x18000] =	vst v63  }
0x6b: {  	s0 =	simm.s32 $0x10  }
.LBB2_4:
0x6c: {  	_ =	swait.ge [sflag:s30], $0x1000  }
0x6d: {  	[sflag:s30] =	ssyncset.done $0x0  }
0x6e: {  	[sflag:s30] =	ssyncadd.s32 $0xFFFFF000  }
0x6f: {  	_ =	swait.ge [sflag:s30], $0x1000  }
0x70: {  	[sflag:s30] =	ssyncset.done $0x0  }
0x71: {  	[sflag:s30] =	ssyncadd.s32 $0xFFFFF000  }
0x72: {  	_ =	swait.ge [sflag:s30], $0x1000  }
0x73: {  	[sflag:s30] =	ssyncset.done $0x0  }
0x74: {  	[sflag:s30] =	ssyncadd.s32 $0xFFFFF000  }
0x75: {  	_ =	swait.ge [sflag:s30], $0x1000  }
0x76: {  	[sflag:s30] =	ssyncset.done $0x0  }
0x77: {  	[sflag:s30] =	ssyncadd.s32 $0xFFFFF000  }
0x78: {  	_ =	swait.ge [sflag:s30], $0x1000  }
0x79: {  	[sflag:s30] =	ssyncset.done $0x0  }
0x7a: {  	[sflag:s30] =	ssyncadd.s32 $0xFFFFF000  }
0x7b: {  	_ =	swait.ge [sflag:s30], $0x1000  }
0x7c: {  	[sflag:s30] =	ssyncset.done $0x0  }
0x7d: {  	[sflag:s30] =	ssyncadd.s32 $0xFFFFF000  }
0x7e: {  	s2 =	ssub.s32 s4, s2;
	_ =	swait.ge [sflag:s30], $0x1000  }
0x7f: {  	s21 =	sadd.s32 $0xFFFFFFF8, s0;
	v4 =	vadd.s32 s2, v0;
	[sflag:s30] =	ssyncset.done $0x0  }
0x80: {  	v5 =	vmov s21;
	v6 =	vadd.s32 s2, v1;
	[sflag:s30] =	ssyncadd.s32 $0xFFFFF000  }
0x81: {  	v7 =	vshll.u32 v5, $0x3;
	_ =	swait.ge [sflag:s30], $0x1000  }
0x82: {  	v5 =	vand.u32 $0x78, v5;
	v7 =	vand.u32 $0xC00, v7;
	[sflag:s30] =	ssyncset.done $0x0  }
0x83: {  	s21 =	simm.s32 $0xC000;
	v5 =	vor.u32 v5, v7;
	[sflag:s30] =	ssyncadd.s32 $0xFFFFF000  }
0x84: {  	v7 =	vor.u32 v2, v5;
	v4 =	vld.idx.msk [tilespmem:v4+s21+$0x0], $0xffff  }
0x85: {  	s20 =	ssub.s32 s31, s7;
	v5 =	vor.u32 v3, v5;
	v6 =	vld.idx.msk [tilespmem:v6+s21+$0x0], $0xffff  }
0x86: {  	s31 =	sadd.s32 $0xFFFFFFF9, s0;
	v8 =	vadd.s32 s20, v0  }
0x87: {  	v9 =	vmov s31;
	v10 =	vadd.s32 s20, v1  }
0x88: {  	v11 =	vshll.u32 v9, $0x3  }
0x89: {  	v31 =	vand.u32 $0xC00, v11;
	[tilespmem:v7+s29+$0x0] =	vst.idx.msk $0xffff, v4;
	v4 =	vand.u32 $0x79, v9  }
0x8a: {  	s7 =	simm.s32 $0xD000;
	[tilespmem:v5+s29+$0x0] =	vst.idx.msk $0xffff, v6;
	v4 =	vor.u32 v4, v31  }
0x8b: {  	s20 =	ssub.s32 s6, s3;
	s6 =	simm.s32 $0xD000;
	v5 =	vld.idx.msk [tilespmem:v8+s7+$0x0], $0xffff;
	v32 =	vor.u32 v2, v4  }
0x8c: {  	v33 =	vld.idx.msk [tilespmem:v10+s6+$0x0], $0xffff;
	v4 =	vor.u32 v3, v4  }
0x8d: {  	s31 =	sadd.s32 $0xFFFFFFFA, s0;
	v34 =	vadd.s32 s20, v0  }
0x8e: {  	v35 =	vmov s31;
	v36 =	vadd.s32 s20, v1  }
0x8f: {  	v37 =	vshll.u32 v35, $0x3  }
0x90: {  	v38 =	vand.u32 $0xC00, v37;
	[tilespmem:v32+s29+$0x0] =	vst.idx.msk $0xffff, v5;
	v5 =	vand.u32 $0x7A, v35  }
0x91: {  	s3 =	simm.s32 $0xE000;
	[tilespmem:v4+s29+$0x0] =	vst.idx.msk $0xffff, v33;
	v4 =	vor.u32 v5, v38  }
0x92: {  	s4 =	ssub.s32 s8, s13;
	s13 =	simm.s32 $0xE000;
	v5 =	vld.idx.msk [tilespmem:v34+s3+$0x0], $0xffff;
	v6 =	vor.u32 v2, v4  }
0x93: {  	v7 =	vld.idx.msk [tilespmem:v36+s13+$0x0], $0xffff;
	v4 =	vor.u32 v3, v4  }
0x94: {  	v39 =	vadd.s32 s4, v0;
	s7 =	sadd.s32 $0xFFFFFFFB, s0  }
0x95: {  	v41 =	vadd.s32 s4, v1;
	v40 =	vmov s7  }
0x96: {  	v42 =	vshll.u32 v40, $0x3  }
0x97: {  	v43 =	vand.u32 $0xC00, v42;
	[tilespmem:v6+s29+$0x0] =	vst.idx.msk $0xffff, v5;
	v5 =	vand.u32 $0x7B, v40  }
0x98: {  	s8 =	simm.s32 $0xF000;
	[tilespmem:v4+s29+$0x0] =	vst.idx.msk $0xffff, v7;
	v4 =	vor.u32 v5, v43  }
0x99: {  	s20 =	ssub.s32 s12, s15;
	s15 =	simm.s32 $0xF000;
	v5 =	vld.idx.msk [tilespmem:v39+s8+$0x0], $0xffff;
	v6 =	vor.u32 v2, v4  }
0x9a: {  	v7 =	vld.idx.msk [tilespmem:v41+s15+$0x0], $0xffff;
	v4 =	vor.u32 v3, v4  }
0x9b: {  	s31 =	sadd.s32 $0xFFFFFFFC, s0;
	v44 =	vadd.s32 s20, v0  }
0x9c: {  	v45 =	vmov s31;
	v46 =	vadd.s32 s20, v1  }
0x9d: {  	v47 =	vshll.u32 v45, $0x3  }
0x9e: {  	v48 =	vand.u32 $0xC00, v47;
	[tilespmem:v6+s29+$0x0] =	vst.idx.msk $0xffff, v5;
	v5 =	vand.u32 $0x7C, v45  }
0x9f: {  	s3 =	simm.s32 $0x10000;
	[tilespmem:v4+s29+$0x0] =	vst.idx.msk $0xffff, v7;
	v4 =	vor.u32 v5, v48  }
0xa0: {  	s4 =	ssub.s32 s14, s17;
	s17 =	simm.s32 $0x10000;
	v5 =	vld.idx.msk [tilespmem:v44+s3+$0x0], $0xffff;
	v6 =	vor.u32 v2, v4  }
0xa1: {  	v7 =	vld.idx.msk [tilespmem:v46+s17+$0x0], $0xffff;
	v4 =	vor.u32 v3, v4  }
0xa2: {  	v49 =	vadd.s32 s4, v0;
	s7 =	sadd.s32 $0xFFFFFFFD, s0  }
0xa3: {  	v51 =	vadd.s32 s4, v1;
	v50 =	vmov s7  }
0xa4: {  	v52 =	vshll.u32 v50, $0x3  }
0xa5: {  	v53 =	vand.u32 $0xC00, v52;
	[tilespmem:v6+s29+$0x0] =	vst.idx.msk $0xffff, v5;
	v5 =	vand.u32 $0x7D, v50  }
0xa6: {  	s8 =	simm.s32 $0x11000;
	[tilespmem:v4+s29+$0x0] =	vst.idx.msk $0xffff, v7;
	v4 =	vor.u32 v5, v53  }
0xa7: {  	s12 =	ssub.s32 s16, s19;
	s19 =	simm.s32 $0x11000;
	v5 =	vld.idx.msk [tilespmem:v49+s8+$0x0], $0xffff;
	v6 =	vor.u32 v2, v4  }
0xa8: {  	v7 =	vld.idx.msk [tilespmem:v51+s19+$0x0], $0xffff;
	v4 =	vor.u32 v3, v4  }
0xa9: {  	s14 =	sadd.s32 $0xFFFFFFFE, s0;
	v54 =	vadd.s32 s12, v0  }
0xaa: {  	v55 =	vmov s14;
	v56 =	vadd.s32 s12, v1  }
0xab: {  	v57 =	vshll.u32 v55, $0x3  }
0xac: {  	v58 =	vand.u32 $0xC00, v57;
	[tilespmem:v6+s29+$0x0] =	vst.idx.msk $0xffff, v5;
	v5 =	vand.u32 $0x7E, v55  }
0xad: {  	s16 =	simm.s32 $0x12000;
	[tilespmem:v4+s29+$0x0] =	vst.idx.msk $0xffff, v7;
	v4 =	vor.u32 v5, v58  }
0xae: {  	v5 =	vld.idx.msk [tilespmem:v54+s16+$0x0], $0xffff;
	v6 =	vor.u32 v2, v4  }
0xaf: {  	s18 =	ssub.s32 s18, s5;
	v7 =	vld.idx.msk [tilespmem:v56+s16+$0x0], $0xffff;
	v4 =	vor.u32 v3, v4  }
0xb0: {  	v59 =	vadd.s32 s18, v0;
	s20 =	sadd.s32 $0xFFFFFFFF, s0  }
0xb1: {  	v61 =	vadd.s32 s18, v1;
	v60 =	vmov s20  }
0xb2: {  	v62 =	vshll.u32 v60, $0x3  }
0xb3: {  	v63 =	vand.u32 $0xC00, v62;
	[tilespmem:v6+s29+$0x0] =	vst.idx.msk $0xffff, v5;
	v5 =	vand.u32 $0x7F, v60  }
0xb4: {  	s31 =	simm.s32 $0x13000;
	[tilespmem:v4+s29+$0x0] =	vst.idx.msk $0xffff, v7;
	v4 =	vor.u32 v5, v63  }
0xb5: {  	s0 =	sadd.s32 $0x10, s0;
	v5 =	vld.idx.msk [tilespmem:v59+s31+$0x0], $0xffff;
	v6 =	vor.u32 v2, v4  }
0xb6: {  	p0 =	sne.s32 s0, $0x210;
	v7 =	vld.idx.msk [tilespmem:v61+s31+$0x0], $0xffff;
	v4 =	vor.u32 v3, v4  }
.Ltmp3:
0xb7: {  	_ = 	snop;
	(pc) =	sbr.rel @!p0 .LBB2_5-.Ltmp3, $3  }
0xb8: {  	_ =	sdelay $0x1  }
0xb9: {  	[tilespmem:v6+s29+$0x0] =	vst.idx.msk $0xffff, v5  }
0xba: {  	[tilespmem:v4+s29+$0x0] =	vst.idx.msk $0xffff, v7  }
.LBB2_2:
0xbb: {  	s20 =	sadd.s32 $0xFFFFFFF0, s0  }
0xbc: {  	s4 =	rddreg [dreg:$0x4];
	s2 =	sand.u32 $0x180, s20  }
0xbd: {  	s3 =	sand.u32 $0x70, s20;
	s2 =	sadd.s32 s2, s4  }
0xbe: {  	s2 =	sadd.s32 s3, s2  }
0xbf: {  	v4 =	vld [tilespmem:s2+$0x0];
	_ =	sdelay $0x4  }
0xc0: {  	(v2sf) =	vpush v4, $0x8;
	_ =	sdelay $0xa  }
0xc1: {  	(v2sf) =	vpush v4, $0x9;
	_ =	sdelay $0x3  }
0xc2: {  	s4 =	spop (v2sf)  }
0xc3: {  	s5 =	sshra.s32 s4, $0x1F  }
0xc4: {  	s2 =	sshrl.u32 s5, $0x19  }
0xc5: {  	s7 =	sadd.s32 s2, s4  }
0xc6: {  	s2 =	sand.u32 $0xFFFFFF80, s7  }
0xc7: {  	p0 =	slt.s32 s4, $0x1;
	p1 =	sne.s32 s4, s2  }
0xc8: {  	p0 =	por !p0, !p1  }
0xc9: {  	s5 =	simm.s32 $0x1;
	p0 =	por !p0, !p0  }
0xca: {  	s3 =	sshrl.u32 s7, $0x7;
	s5 =	simm.s32 @!p0 $0x0  }
0xcb: {  	s3 =	ssub.s32 s3, s5  }
0xcc: {  	s3 =	sshll.u32 s3, $0x7  }
0xcd: {  	(v2sf) =	vpush v4, $0xA;
	s31 =	spop (v2sf);
	s3 =	sand.u32 $0x1FFFFF80, s3  }
0xce: {  	s8 =	sshra.s32 s31, $0x1F;
	s3 =	sadd.s32 s1, s3  }
0xcf: {  	[tilespmem:s21], [sflag:$0x2] =	stream.strided.gather [hbm4b:s3+s10], $0x1000, s11, s10, $0x38;
	[tilespmem:$0x18000] =	vst v63  }
0xd0: {  	s3 =	sshrl.u32 s8, $0x19  }
0xd1: {  	s3 =	sadd.s32 s3, s31  }
0xd2: {  	s7 =	sand.u32 $0xFFFFFF80, s3  }
0xd3: {  	p5 =	slt.s32 s31, $0x1;
	p6 =	sne.s32 s31, s7  }
0xd4: {  	p0 =	por !p5, !p6  }
0xd5: {  	s5 =	simm.s32 $0x1;
	p0 =	por !p0, !p0  }
0xd6: {  	s3 =	sshrl.u32 s3, $0x7;
	s5 =	simm.s32 @!p0 $0x0  }
0xd7: {  	s3 =	ssub.s32 s3, s5  }
0xd8: {  	(v2sf) =	vpush v4, $0xB;
	s3 =	sshll.u32 s3, $0x7  }
0xd9: {  	s3 =	sand.u32 $0x1FFFFF80, s3  }
0xda: {  	s3 =	sadd.s32 s1, s3  }
0xdb: {  	[tilespmem:s6], [sflag:$0x2] =	stream.strided.gather [hbm4b:s3+s10], $0x1000, s11, s10, $0x38;
	[tilespmem:$0x18000] =	vst v63  }
0xdc: {  	s6 =	spop (v2sf)  }
0xdd: {  	s12 =	sshra.s32 s6, $0x1F  }
0xde: {  	s3 =	sshrl.u32 s12, $0x19  }
0xdf: {  	s14 =	sadd.s32 s3, s6  }
0xe0: {  	s3 =	sand.u32 $0xFFFFFF80, s14  }
0xe1: {  	p1 =	slt.s32 s6, $0x1;
	p2 =	sne.s32 s6, s3  }
0xe2: {  	p0 =	por !p1, !p2  }
0xe3: {  	s8 =	simm.s32 $0x1;
	p0 =	por !p0, !p0  }
0xe4: {  	(v2sf) =	vpush v4, $0xC;
	s5 =	sshrl.u32 s14, $0x7;
	s8 =	simm.s32 @!p0 $0x0  }
0xe5: {  	s5 =	ssub.s32 s5, s8  }
0xe6: {  	s5 =	sshll.u32 s5, $0x7  }
0xe7: {  	s8 =	spop (v2sf);
	s5 =	sand.u32 $0x1FFFFF80, s5  }
0xe8: {  	s16 =	sshra.s32 s8, $0x1F;
	s5 =	sadd.s32 s1, s5  }
0xe9: {  	[tilespmem:s13], [sflag:$0x2] =	stream.strided.gather [hbm4b:s5+s10], $0x1000, s11, s10, $0x38;
	[tilespmem:$0x18000] =	vst v63  }
0xea: {  	s5 =	sshrl.u32 s16, $0x19  }
0xeb: {  	s5 =	sadd.s32 s5, s8  }
0xec: {  	s13 =	sand.u32 $0xFFFFFF80, s5  }
0xed: {  	p3 =	slt.s32 s8, $0x1;
	p4 =	sne.s32 s8, s13  }
0xee: {  	p0 =	por !p3, !p4  }
0xef: {  	s12 =	simm.s32 $0x1;
	p0 =	por !p0, !p0  }
0xf0: {  	(v2sf) =	vpush v4, $0xD;
	s5 =	sshrl.u32 s5, $0x7;
	s12 =	simm.s32 @!p0 $0x0  }
0xf1: {  	s5 =	ssub.s32 s5, s12  }
0xf2: {  	s5 =	sshll.u32 s5, $0x7  }
0xf3: {  	s12 =	spop (v2sf);
	s5 =	sand.u32 $0x1FFFFF80, s5  }
0xf4: {  	s18 =	sshra.s32 s12, $0x1F;
	s5 =	sadd.s32 s1, s5  }
0xf5: {  	[tilespmem:s15], [sflag:$0x2] =	stream.strided.gather [hbm4b:s5+s10], $0x1000, s11, s10, $0x38;
	[tilespmem:$0x18000] =	vst v63  }
0xf6: {  	s5 =	sshrl.u32 s18, $0x19  }
0xf7: {  	s5 =	sadd.s32 s5, s12  }
0xf8: {  	s15 =	sand.u32 $0xFFFFFF80, s5  }
0xf9: {  	p5 =	slt.s32 s12, $0x1;
	p6 =	sne.s32 s12, s15  }
0xfa: {  	p0 =	por !p5, !p6  }
0xfb: {  	s14 =	simm.s32 $0x1;
	p0 =	por !p0, !p0  }
0xfc: {  	(v2sf) =	vpush v4, $0xE;
	s5 =	sshrl.u32 s5, $0x7;
	s14 =	simm.s32 @!p0 $0x0  }
0xfd: {  	s5 =	ssub.s32 s5, s14  }
0xfe: {  	s5 =	sshll.u32 s5, $0x7  }
0xff: {  	s14 =	spop (v2sf);
	s5 =	sand.u32 $0x1FFFFF80, s5  }
0x100: {  	s21 =	sshra.s32 s14, $0x1F;
	s5 =	sadd.s32 s1, s5  }
0x101: {  	[tilespmem:s17], [sflag:$0x2] =	stream.strided.gather [hbm4b:s5+s10], $0x1000, s11, s10, $0x38;
	[tilespmem:$0x18000] =	vst v63  }
0x102: {  	s5 =	sshrl.u32 s21, $0x19  }
0x103: {  	s5 =	sadd.s32 s5, s14  }
0x104: {  	s17 =	sand.u32 $0xFFFFFF80, s5  }
0x105: {  	p1 =	slt.s32 s14, $0x1;
	p2 =	sne.s32 s14, s17  }
0x106: {  	p0 =	por !p1, !p2  }
0x107: {  	s16 =	simm.s32 $0x1;
	p0 =	por !p0, !p0  }
0x108: {  	(v2sf) =	vpush v4, $0xF;
	s5 =	sshrl.u32 s5, $0x7;
	s16 =	simm.s32 @!p0 $0x0  }
0x109: {  	s5 =	ssub.s32 s5, s16  }
0x10a: {  	s5 =	sshll.u32 s5, $0x7  }
0x10b: {  	s16 =	spop (v2sf);
	s5 =	sand.u32 $0x1FFFFF80, s5  }
0x10c: {  	s24 =	sshra.s32 s16, $0x1F;
	s5 =	sadd.s32 s1, s5  }
0x10d: {  	[tilespmem:s19], [sflag:$0x2] =	stream.strided.gather [hbm4b:s5+s10], $0x1000, s11, s10, $0x38;
	[tilespmem:$0x18000] =	vst v63  }
0x10e: {  	s5 =	sshrl.u32 s24, $0x19  }
0x10f: {  	s5 =	sadd.s32 s5, s16  }
0x110: {  	s19 =	sand.u32 $0xFFFFFF80, s5  }
0x111: {  	p3 =	slt.s32 s16, $0x1;
	p4 =	sne.s32 s16, s19  }
0x112: {  	p0 =	por !p3, !p4  }
0x113: {  	s18 =	simm.s32 $0x1;
	p0 =	por !p0, !p0  }
0x114: {  	s5 =	sshrl.u32 s5, $0x7;
	s18 =	simm.s32 @!p0 $0x0  }
0x115: {  	s5 =	ssub.s32 s5, s18  }
0x116: {  	s5 =	sshll.u32 s5, $0x7  }
0x117: {  	s18 =	spop (v2sf);
	s5 =	sand.u32 $0x1FFFFF80, s5  }
0x118: {  	s22 =	simm.s32 $0x12000;
	s25 =	sshra.s32 s18, $0x1F;
	s5 =	sadd.s32 s1, s5  }
0x119: {  	[tilespmem:s22], [sflag:$0x2] =	stream.strided.gather [hbm4b:s5+s10], $0x1000, s11, s10, $0x38;
	[tilespmem:$0x18000] =	vst v63  }
0x11a: {  	s5 =	sshrl.u32 s25, $0x19  }
0x11b: {  	s26 =	sadd.s32 s5, s18  }
0x11c: {  	s5 =	sand.u32 $0xFFFFFF80, s26  }
0x11d: {  	p5 =	slt.s32 s18, $0x1;
	p6 =	sne.s32 s18, s5  }
0x11e: {  	p0 =	por !p5, !p6  }
0x11f: {  	s22 =	simm.s32 $0x1;
	p0 =	por !p0, !p0  }
0x120: {  	s21 =	sshrl.u32 s26, $0x7;
	s22 =	simm.s32 @!p0 $0x0  }
0x121: {  	s21 =	ssub.s32 s21, s22  }
0x122: {  	s21 =	sshll.u32 s21, $0x7  }
0x123: {  	s21 =	sand.u32 $0x1FFFFF80, s21  }
0x124: {  	s23 =	simm.s32 $0x13000;
	s21 =	sadd.s32 s1, s21  }
0x125: {  	[tilespmem:s23], [sflag:$0x2] =	stream.strided.gather [hbm4b:s21+s10], $0x1000, s11, s10, $0x38;
	[tilespmem:$0x18000] =	vst v63  }
0x126: {  	_ =	swait.ge [sflag:s9], $0x1000  }
0x127: {  	[sflag:s9] =	ssyncset.done $0x0  }
0x128: {  	[sflag:s9] =	ssyncadd.s32 $0xFFFFF000  }
0x129: {  	_ =	swait.ge [sflag:s9], $0x1000  }
0x12a: {  	[sflag:s9] =	ssyncset.done $0x0  }
0x12b: {  	[sflag:s9] =	ssyncadd.s32 $0xFFFFF000  }
0x12c: {  	_ =	swait.ge [sflag:s9], $0x1000  }
0x12d: {  	[sflag:s9] =	ssyncset.done $0x0  }
0x12e: {  	[sflag:s9] =	ssyncadd.s32 $0xFFFFF000  }
0x12f: {  	_ =	swait.ge [sflag:s9], $0x1000  }
0x130: {  	[sflag:s9] =	ssyncset.done $0x0  }
0x131: {  	[sflag:s9] =	ssyncadd.s32 $0xFFFFF000  }
0x132: {  	_ =	swait.ge [sflag:s9], $0x1000  }
0x133: {  	[sflag:s9] =	ssyncset.done $0x0  }
0x134: {  	[sflag:s9] =	ssyncadd.s32 $0xFFFFF000  }
0x135: {  	_ =	swait.ge [sflag:s9], $0x1000  }
0x136: {  	[sflag:s9] =	ssyncset.done $0x0  }
0x137: {  	[sflag:s9] =	ssyncadd.s32 $0xFFFFF000  }
0x138: {  	_ =	swait.ge [sflag:s9], $0x1000  }
0x139: {  	[sflag:s9] =	ssyncset.done $0x0  }
0x13a: {  	[sflag:s9] =	ssyncadd.s32 $0xFFFFF000  }
0x13b: {  	_ =	swait.ge [sflag:s9], $0x1000  }
0x13c: {  	(v2sf) =	vpush v4, $0x0;
	_ =	sdelay $0x6  }
0x13d: {  	(v2sf) =	vpush v4, $0x1;
	_ =	sdelay $0x6  }
0x13e: {  	(v2sf) =	vpush v4, $0x2  }
0x13f: {  	s23 =	spop (v2sf)  }
0x140: {  	s24 =	sshra.s32 s23, $0x1F  }
0x141: {  	s22 =	sshrl.u32 s24, $0x19  }
0x142: {  	s22 =	sadd.s32 s22, s23  }
0x143: {  	s22 =	sand.u32 $0xFFFFFF80, s22  }
0x144: {  	s21 =	ssub.s32 s23, s22  }
0x145: {  	(v2sf) =	vpush v4, $0x3;
	v5 =	vadd.s32 s21, v0  }
0x146: {  	v6 =	vmov s20;
	s25 =	spop (v2sf);
	v7 =	vadd.s32 s21, v1  }
0x147: {  	v8 =	vshll.u32 v6, $0x3;
	s26 =	sshra.s32 s25, $0x1F  }
0x148: {  	v6 =	vand.u32 $0x70, v6;
	v8 =	vand.u32 $0xC00, v8;
	[sflag:s9] =	ssyncset.done $0x0;
	s21 =	sshrl.u32 s26, $0x19  }
0x149: {  	v6 =	vor.u32 v6, v8;
	[sflag:s9] =	ssyncadd.s32 $0xFFFFF000;
	s22 =	simm.s32 $0x4000;
	s21 =	sadd.s32 s21, s25  }
0x14a: {  	v8 =	vor.u32 v2, v6;
	s21 =	sand.u32 $0xFFFFFF80, s21;
	v5 =	vld.idx.msk [tilespmem:v5+s22+$0x0], $0xffff  }
0x14b: {  	v6 =	vor.u32 v3, v6;
	s20 =	ssub.s32 s25, s21;
	v7 =	vld.idx.msk [tilespmem:v7+s22+$0x0], $0xffff  }
0x14c: {  	(v2sf) =	vpush v4, $0x4;
	s24 =	sadd.s32 $0xFFFFFFF1, s0;
	v9 =	vadd.s32 s20, v0  }
0x14d: {  	v10 =	vmov s24;
	s25 =	spop (v2sf);
	v11 =	vadd.s32 s20, v1  }
0x14e: {  	v12 =	vshll.u32 v10, $0x3;
	s26 =	sshra.s32 s25, $0x1F  }
0x14f: {  	v28 =	vand.u32 $0xC00, v12;
	s21 =	sshrl.u32 s26, $0x19;
	[tilespmem:v8+s29+$0x0] =	vst.idx.msk $0xffff, v5;
	v5 =	vand.u32 $0x71, v10  }
0x150: {  	s24 =	simm.s32 $0x5000;
	s21 =	sadd.s32 s21, s25;
	[tilespmem:v6+s29+$0x0] =	vst.idx.msk $0xffff, v7;
	v5 =	vor.u32 v5, v28  }
0x151: {  	s21 =	sand.u32 $0xFFFFFF80, s21;
	v6 =	vld.idx.msk [tilespmem:v9+s24+$0x0], $0xffff;
	v29 =	vor.u32 v2, v5  }
0x152: {  	s20 =	ssub.s32 s25, s21;
	v30 =	vld.idx.msk [tilespmem:v11+s24+$0x0], $0xffff;
	v5 =	vor.u32 v3, v5  }
0x153: {  	(v2sf) =	vpush v4, $0x5;
	s22 =	sadd.s32 $0xFFFFFFF2, s0;
	v31 =	vadd.s32 s20, v0  }
0x154: {  	v32 =	vmov s22;
	v33 =	vadd.s32 s20, v1;
	s23 =	spop (v2sf)  }
0x155: {  	v34 =	vshll.u32 v32, $0x3;
	s26 =	sshra.s32 s23, $0x1F  }
0x156: {  	v35 =	vand.u32 $0x72, v32;
	v36 =	vand.u32 $0xC00, v34;
	s21 =	sshrl.u32 s26, $0x19;
	[tilespmem:v29+s29+$0x0] =	vst.idx.msk $0xffff, v6  }
0x157: {  	s25 =	simm.s32 $0x6000;
	s21 =	sadd.s32 s21, s23;
	[tilespmem:v5+s29+$0x0] =	vst.idx.msk $0xffff, v30;
	v5 =	vor.u32 v35, v36  }
0x158: {  	s21 =	sand.u32 $0xFFFFFF80, s21;
	v37 =	vld.idx.msk [tilespmem:v31+s25+$0x0], $0xffff;
	v7 =	vor.u32 v2, v5  }
0x159: {  	s20 =	ssub.s32 s23, s21;
	v8 =	vld.idx.msk [tilespmem:v33+s25+$0x0], $0xffff;
	v5 =	vor.u32 v3, v5  }
0x15a: {  	s22 =	sadd.s32 $0xFFFFFFF3, s0;
	(v2sf) =	vpush v4, $0x6;
	v38 =	vadd.s32 s20, v0  }
0x15b: {  	v39 =	vmov s22;
	s23 =	spop (v2sf);
	v40 =	vadd.s32 s20, v1  }
0x15c: {  	v41 =	vshll.u32 v39, $0x3;
	s26 =	sshra.s32 s23, $0x1F  }
0x15d: {  	v42 =	vand.u32 $0x73, v39;
	v43 =	vand.u32 $0xC00, v41;
	s21 =	sshrl.u32 s26, $0x19;
	[tilespmem:v7+s29+$0x0] =	vst.idx.msk $0xffff, v37  }
0x15e: {  	s26 =	simm.s32 $0x7000;
	s21 =	sadd.s32 s21, s23;
	[tilespmem:v5+s29+$0x0] =	vst.idx.msk $0xffff, v8;
	v5 =	vor.u32 v42, v43  }
0x15f: {  	s21 =	sand.u32 $0xFFFFFF80, s21;
	v44 =	vld.idx.msk [tilespmem:v38+s26+$0x0], $0xffff;
	v7 =	vor.u32 v2, v5  }
0x160: {  	s20 =	ssub.s32 s23, s21;
	v8 =	vld.idx.msk [tilespmem:v40+s26+$0x0], $0xffff;
	v5 =	vor.u32 v3, v5  }
0x161: {  	s22 =	sadd.s32 $0xFFFFFFF4, s0;
	(v2sf) =	vpush v4, $0x7;
	v45 =	vadd.s32 s20, v0  }
0x162: {  	v4 =	vmov s22;
	s23 =	spop (v2sf);
	v46 =	vadd.s32 s20, v1  }
0x163: {  	v47 =	vshll.u32 v4, $0x3;
	s22 =	sshra.s32 s23, $0x1F  }
0x164: {  	v4 =	vand.u32 $0x74, v4;
	v48 =	vand.u32 $0xC00, v47;
	s20 =	sshrl.u32 s22, $0x19;
	[tilespmem:v7+s29+$0x0] =	vst.idx.msk $0xffff, v44  }
0x165: {  	s28 =	simm.s32 $0x8000;
	v4 =	vor.u32 v4, v48;
	s20 =	sadd.s32 s20, s23;
	[tilespmem:v5+s29+$0x0] =	vst.idx.msk $0xffff, v8  }
0x166: {  	v6 =	vor.u32 v2, v4;
	s20 =	sand.u32 $0xFFFFFF80, s20;
	v5 =	vld.idx.msk [tilespmem:v45+s28+$0x0], $0xffff  }
0x167: {  	v4 =	vor.u32 v3, v4;
	s20 =	ssub.s32 s23, s20;
	v7 =	vld.idx.msk [tilespmem:v46+s28+$0x0], $0xffff  }
0x168: {  	s23 =	sadd.s32 $0xFFFFFFF5, s0;
	v49 =	vadd.s32 s20, v0  }
0x169: {  	s21 =	spop (v2sf);
	v50 =	vmov s23;
	v51 =	vadd.s32 s20, v1  }
0x16a: {  	s22 =	sshra.s32 s21, $0x1F;
	v52 =	vshll.u32 v50, $0x3  }
0x16b: {  	s20 =	sshrl.u32 s22, $0x19;
	v53 =	vand.u32 $0xC00, v52;
	[tilespmem:v6+s29+$0x0] =	vst.idx.msk $0xffff, v5;
	v5 =	vand.u32 $0x75, v50  }
0x16c: {  	s23 =	simm.s32 $0x9000;
	s20 =	sadd.s32 s20, s21;
	[tilespmem:v4+s29+$0x0] =	vst.idx.msk $0xffff, v7;
	v4 =	vor.u32 v5, v53  }
0x16d: {  	s20 =	sand.u32 $0xFFFFFF80, s20;
	v5 =	vld.idx.msk [tilespmem:v49+s23+$0x0], $0xffff;
	v6 =	vor.u32 v2, v4  }
0x16e: {  	s20 =	ssub.s32 s21, s20;
	v7 =	vld.idx.msk [tilespmem:v51+s23+$0x0], $0xffff;
	v4 =	vor.u32 v3, v4  }
0x16f: {  	v54 =	vadd.s32 s20, v0;
	s23 =	sadd.s32 $0xFFFFFFF6, s0  }
0x170: {  	v56 =	vadd.s32 s20, v1;
	s20 =	spop (v2sf);
	v55 =	vmov s23  }
0x171: {  	s22 =	sshra.s32 s20, $0x1F;
	v57 =	vshll.u32 v55, $0x3  }
0x172: {  	s21 =	sshrl.u32 s22, $0x19;
	v58 =	vand.u32 $0xC00, v57;
	[tilespmem:v6+s29+$0x0] =	vst.idx.msk $0xffff, v5;
	v5 =	vand.u32 $0x76, v55  }
0x173: {  	s21 =	sadd.s32 s21, s20;
	s23 =	simm.s32 $0xA000;
	[tilespmem:v4+s29+$0x0] =	vst.idx.msk $0xffff, v7;
	v4 =	vor.u32 v5, v58  }
0x174: {  	s21 =	sand.u32 $0xFFFFFF80, s21;
	v5 =	vld.idx.msk [tilespmem:v54+s23+$0x0], $0xffff;
	v6 =	vor.u32 v2, v4  }
0x175: {  	s20 =	ssub.s32 s20, s21;
	v7 =	vld.idx.msk [tilespmem:v56+s23+$0x0], $0xffff;
	v4 =	vor.u32 v3, v4  }
0x176: {  	v59 =	vadd.s32 s20, v0;
	s23 =	sadd.s32 $0xFFFFFFF7, s0  }
0x177: {  	v61 =	vadd.s32 s20, v1;
	v60 =	vmov s23  }
0x178: {  	v62 =	vshll.u32 v60, $0x3  }
0x179: {  	v63 =	vand.u32 $0xC00, v62;
	[tilespmem:v6+s29+$0x0] =	vst.idx.msk $0xffff, v5;
	v5 =	vand.u32 $0x77, v60  }
0x17a: {  	s21 =	simm.s32 $0xB000;
	[tilespmem:v4+s29+$0x0] =	vst.idx.msk $0xffff, v7;
	v4 =	vor.u32 v5, v63  }
0x17b: {  	v5 =	vld.idx.msk [tilespmem:v59+s21+$0x0], $0xffff;
	v6 =	vor.u32 v2, v4  }
0x17c: {  	p0 =	seq.s32 s0, $0x200;
	v7 =	vld.idx.msk [tilespmem:v61+s21+$0x0], $0xffff;
	v4 =	vor.u32 v3, v4  }
.Ltmp4:
0x17d: {  	_ = 	snop;
	(pc) =	sbr.rel @p0 .LBB2_4-.Ltmp4, $3  }
0x17e: {  	_ =	sdelay $0x1  }
0x17f: {  	s24 =	simm.s32 $0x6000;
	s25 =	simm.s32 $0x7000;
	s26 =	simm.s32 $0x8000;
	[tilespmem:v6+s29+$0x0] =	vst.idx.msk $0xffff, v5  }
0x180: {  	s22 =	simm.s32 $0xA000;
	s28 =	simm.s32 $0x9000;
	s23 =	simm.s32 $0xB000;
	[tilespmem:v4+s29+$0x0] =	vst.idx.msk $0xffff, v7  }
0x181: {  	s20 =	rddreg [dreg:$0x4]  }
0x182: {  	s20 =	sadd.s32 s0, s20  }
0x183: {  	s21 =	sand.u32 $0x70, s0;
	s20 =	sand.u32 $0x7F80, s20  }
0x184: {  	s20 =	sor.u32 s21, s20  }
0x185: {  	v4 =	vld [tilespmem:s20+$0x0];
	_ =	sdelay $0x4  }
0x186: {  	(v2sf) =	vpush v4, $0x0;
	_ =	sdelay $0xa  }
0x187: {  	(v2sf) =	vpush v4, $0x1;
	_ =	sdelay $0x3  }
0x188: {  	s20 =	spop (v2sf)  }
0x189: {  	s21 =	sand.u32 $0x7F, s20  }
0x18a: {  	p1 =	slt.s32 s20, $0x1;
	p0 =	sne.s32 s21, $0x0;
	s21 =	sshra.s32 s20, $0x1F  }
0x18b: {  	s21 =	sshrl.u32 s21, $0x19;
	p0 =	por !p1, !p0  }
0x18c: {  	s20 =	sadd.s32 s21, s20;
	p0 =	por !p0, !p0;
	s21 =	simm.s32 $0x1  }
0x18d: {  	s20 =	sshrl.u32 s20, $0x7;
	s21 =	simm.s32 @!p0 $0x0  }
0x18e: {  	s20 =	ssub.s32 s20, s21  }
0x18f: {  	(v2sf) =	vpush v4, $0x2;
	s20 =	sshll.u32 s20, $0x7  }
0x190: {  	s20 =	sand.u32 $0x1FFFFF80, s20  }
0x191: {  	s21 =	simm.s32 $0x4000;
	s20 =	sadd.s32 s1, s20  }
0x192: {  	[tilespmem:s21], [sflag:$0x1] =	stream.strided.gather [hbm4b:s20+s10], $0x1000, s11, s10, $0x38;
	[tilespmem:$0x18000] =	vst v63  }
0x193: {  	s20 =	spop (v2sf)  }
0x194: {  	s21 =	sand.u32 $0x7F, s20  }
0x195: {  	p6 =	slt.s32 s20, $0x1;
	p5 =	sne.s32 s21, $0x0;
	s21 =	sshra.s32 s20, $0x1F  }
0x196: {  	s21 =	sshrl.u32 s21, $0x19;
	p0 =	por !p6, !p5  }
0x197: {  	s20 =	sadd.s32 s21, s20;
	p0 =	por !p0, !p0;
	s21 =	simm.s32 $0x1  }
0x198: {  	s20 =	sshrl.u32 s20, $0x7;
	s21 =	simm.s32 @!p0 $0x0  }
0x199: {  	s20 =	ssub.s32 s20, s21  }
0x19a: {  	(v2sf) =	vpush v4, $0x3;
	s20 =	sshll.u32 s20, $0x7  }
0x19b: {  	s20 =	sand.u32 $0x1FFFFF80, s20  }
0x19c: {  	s21 =	simm.s32 $0x5000;
	s20 =	sadd.s32 s1, s20  }
0x19d: {  	[tilespmem:s21], [sflag:$0x1] =	stream.strided.gather [hbm4b:s20+s10], $0x1000, s11, s10, $0x38;
	[tilespmem:$0x18000] =	vst v63  }
0x19e: {  	s20 =	spop (v2sf)  }
0x19f: {  	s21 =	sand.u32 $0x7F, s20  }
0x1a0: {  	p2 =	slt.s32 s20, $0x1;
	p1 =	sne.s32 s21, $0x0;
	s21 =	sshra.s32 s20, $0x1F  }
0x1a1: {  	s21 =	sshrl.u32 s21, $0x19;
	p0 =	por !p2, !p1  }
0x1a2: {  	s20 =	sadd.s32 s21, s20;
	p0 =	por !p0, !p0;
	s21 =	simm.s32 $0x1  }
0x1a3: {  	s20 =	sshrl.u32 s20, $0x7;
	s21 =	simm.s32 @!p0 $0x0  }
0x1a4: {  	s20 =	ssub.s32 s20, s21  }
0x1a5: {  	(v2sf) =	vpush v4, $0x4;
	s20 =	sshll.u32 s20, $0x7  }
0x1a6: {  	s20 =	sand.u32 $0x1FFFFF80, s20  }
0x1a7: {  	s20 =	sadd.s32 s1, s20  }
0x1a8: {  	[tilespmem:s24], [sflag:$0x1] =	stream.strided.gather [hbm4b:s20+s10], $0x1000, s11, s10, $0x38;
	[tilespmem:$0x18000] =	vst v63  }
0x1a9: {  	s20 =	spop (v2sf)  }
0x1aa: {  	s21 =	sand.u32 $0x7F, s20  }
0x1ab: {  	p4 =	slt.s32 s20, $0x1;
	p3 =	sne.s32 s21, $0x0;
	s21 =	sshra.s32 s20, $0x1F  }
0x1ac: {  	s21 =	sshrl.u32 s21, $0x19;
	p0 =	por !p4, !p3  }
0x1ad: {  	s20 =	sadd.s32 s21, s20;
	p0 =	por !p0, !p0;
	s21 =	simm.s32 $0x1  }
0x1ae: {  	s20 =	sshrl.u32 s20, $0x7;
	s21 =	simm.s32 @!p0 $0x0  }
0x1af: {  	s20 =	ssub.s32 s20, s21  }
0x1b0: {  	(v2sf) =	vpush v4, $0x5;
	s20 =	sshll.u32 s20, $0x7  }
0x1b1: {  	s20 =	sand.u32 $0x1FFFFF80, s20  }
0x1b2: {  	s20 =	sadd.s32 s1, s20  }
0x1b3: {  	[tilespmem:s25], [sflag:$0x1] =	stream.strided.gather [hbm4b:s20+s10], $0x1000, s11, s10, $0x38;
	[tilespmem:$0x18000] =	vst v63  }
0x1b4: {  	s20 =	spop (v2sf)  }
0x1b5: {  	s21 =	sand.u32 $0x7F, s20  }
0x1b6: {  	p6 =	slt.s32 s20, $0x1;
	p5 =	sne.s32 s21, $0x0;
	s21 =	sshra.s32 s20, $0x1F  }
0x1b7: {  	s21 =	sshrl.u32 s21, $0x19;
	p0 =	por !p6, !p5  }
0x1b8: {  	s20 =	sadd.s32 s21, s20;
	p0 =	por !p0, !p0;
	s21 =	simm.s32 $0x1  }
0x1b9: {  	(v2sf) =	vpush v4, $0x6;
	s20 =	sshrl.u32 s20, $0x7;
	s21 =	simm.s32 @!p0 $0x0  }
0x1ba: {  	s20 =	ssub.s32 s20, s21  }
0x1bb: {  	s20 =	sshll.u32 s20, $0x7  }
0x1bc: {  	s20 =	sand.u32 $0x1FFFFF80, s20  }
0x1bd: {  	s20 =	sadd.s32 s1, s20  }
0x1be: {  	[tilespmem:s26], [sflag:$0x1] =	stream.strided.gather [hbm4b:s20+s10], $0x1000, s11, s10, $0x38;
	[tilespmem:$0x18000] =	vst v63  }
0x1bf: {  	s20 =	spop (v2sf)  }
0x1c0: {  	s21 =	sand.u32 $0x7F, s20  }
0x1c1: {  	p2 =	slt.s32 s20, $0x1;
	p1 =	sne.s32 s21, $0x0;
	s21 =	sshra.s32 s20, $0x1F  }
0x1c2: {  	s21 =	sshrl.u32 s21, $0x19;
	p0 =	por !p2, !p1  }
0x1c3: {  	s20 =	sadd.s32 s21, s20;
	p0 =	por !p0, !p0;
	s21 =	simm.s32 $0x1  }
0x1c4: {  	s20 =	sshrl.u32 s20, $0x7;
	s21 =	simm.s32 @!p0 $0x0  }
0x1c5: {  	(v2sf) =	vpush v4, $0x7;
	s20 =	ssub.s32 s20, s21  }
0x1c6: {  	s20 =	sshll.u32 s20, $0x7  }
0x1c7: {  	s20 =	sand.u32 $0x1FFFFF80, s20  }
0x1c8: {  	s21 =	spop (v2sf);
	s20 =	sadd.s32 s1, s20  }
0x1c9: {  	[tilespmem:s28], [sflag:$0x1] =	stream.strided.gather [hbm4b:s20+s10], $0x1000, s11, s10, $0x38;
	[tilespmem:$0x18000] =	vst v63  }
0x1ca: {  	s20 =	sand.u32 $0x7F, s21  }
0x1cb: {  	p4 =	slt.s32 s21, $0x1;
	p3 =	sne.s32 s20, $0x0;
	s20 =	sshra.s32 s21, $0x1F  }
0x1cc: {  	s20 =	sshrl.u32 s20, $0x19;
	p0 =	por !p4, !p3  }
0x1cd: {  	s20 =	sadd.s32 s20, s21;
	p0 =	por !p0, !p0;
	s21 =	simm.s32 $0x1  }
0x1ce: {  	s20 =	sshrl.u32 s20, $0x7;
	s21 =	simm.s32 @!p0 $0x0  }
0x1cf: {  	s20 =	ssub.s32 s20, s21  }
0x1d0: {  	s20 =	sshll.u32 s20, $0x7  }
0x1d1: {  	s20 =	sand.u32 $0x1FFFFF80, s20  }
0x1d2: {  	s20 =	sadd.s32 s1, s20  }
0x1d3: {  	[tilespmem:s22], [sflag:$0x1] =	stream.strided.gather [hbm4b:s20+s10], $0x1000, s11, s10, $0x38;
	[tilespmem:$0x18000] =	vst v63  }
0x1d4: {  	s20 =	spop (v2sf)  }
0x1d5: {  	s21 =	sand.u32 $0x7F, s20  }
0x1d6: {  	p6 =	slt.s32 s20, $0x1;
	p5 =	sne.s32 s21, $0x0;
	s21 =	sshra.s32 s20, $0x1F  }
0x1d7: {  	s21 =	sshrl.u32 s21, $0x19;
	p0 =	por !p6, !p5  }
0x1d8: {  	s20 =	sadd.s32 s21, s20;
	p0 =	por !p0, !p0;
	s21 =	simm.s32 $0x1  }
0x1d9: {  	s20 =	sshrl.u32 s20, $0x7;
	s21 =	simm.s32 @!p0 $0x0  }
.Ltmp5:
0x1da: {  	s20 =	ssub.s32 s20, s21;
	(pc) =	sbr.rel .LBB2_4-.Ltmp5, $4  }
0x1db: {  	s20 =	sshll.u32 s20, $0x7  }
0x1dc: {  	s20 =	sand.u32 $0x1FFFFF80, s20  }
0x1dd: {  	s20 =	sadd.s32 s1, s20  }
0x1de: {  	[tilespmem:s23], [sflag:$0x1] =	stream.strided.gather [hbm4b:s20+s10], $0x1000, s11, s10, $0x38;
	[tilespmem:$0x18000] =	vst v63  }
.LBB2_6:
0x1df: {  	_ =	sfence.sel $0x180000  }
0x1e0: {  	[bflag:$0x0] =	sbarrier.arrive $0xFFFF  }
0x1e1: {  	_ =	strace $0x9000004A  }
0x1e2: {  	s0 =	stileid.u32;
	[bflag:$0x2] =	sbarrier.arrive $0xFFFF  }
0x1e3: {  	p0 =	sne.s32 s0, $0x0;
	s0 =	rddreg [dreg:$0x3]  }
0x1e4: {  	s0 =	sadd.s32 @!p0 $0x100000, s0  }
0x1e5: {  	[sflag:s0] =	ssyncadd.tile.s32 @!p0 $0x1;
	_ =	shalt  }
.Lfunc_end2:
_tile_overlayer_lowered:
.L_overlay_start_2:
0x1e6: {  	(tag) =	ssettag $0x2  }
0x1e7: {  	s0 =	rddreg [dreg:$0x0];
	s2 =	stileid.u32  }
0x1e8: {  	s1 =	rddreg [dreg:$0x1];
	p0 =	sne.s32 s2, $0x0  }
0x1e9: {  	s3 =	rddreg [dreg:$0x2];
	[bflag:$0x3] =	sbarrier.arrive $0xFFFF;
	s2 =	simm.s32 @!p0 $0x1C03  }
0x1ea: {  	[timem:s3], [sflag:s2] =	dma.local @!p0 [hbm:s0], s1  }
0x1eb: {  	s0 =	simm.s32 @!p0 $0x3  }
0x1ec: {  	_ =	swait.ge @!p0 [sflag:s0], s1  }
0x1ed: {  	s1 =	ssub.s32 @!p0 $0x0, s1;
	[sflag:s0] =	ssyncset.done @!p0 $0x0  }
0x1ee: {  	[sflag:s0] =	ssyncadd.s32 @!p0 s1  }
0x1ef: {  	[bflag:$0x3] =	sbarrier.arrive $0xFFFF  }
0x1f0: {  	_ =	shalt  }

// kernel: kernel.8.cloned.1.call-start
scs
__scs_entry_jumppad:
0x0: {  	(pc) =	sbr.rel $0x88, $3  }
0x1: {  	(tag) =	ssettag $0x0;
	lr =	simm.s32 $0x1  }
0x2: {  	[smem:$0x3F8D] =	sst lr;
	_ =	strace $0xD0000000  }
0x3: {  	_ = 	snop  }
0x4: {  	_ = 	snop  }
0x5: {  	_ = 	snop  }
0x6: {  	_ = 	snop  }
0x7: {  	_ = 	snop  }
__scs_overlays_trampoline_lowered:
0x8: {  	[smem:$0x3F9C] =	sst s0  }
0x9: {  	[smem:$0x3F9D] =	sst s1  }
0xa: {  	[smem:$0x3F9E] =	sst s2  }
0xb: {  	[smem:$0x3F9F] =	sst s3  }
0xc: {  	[smem:$0x3FA0] =	sst s4  }
0xd: {  	[smem:$0x3FA1] =	sst s5  }
0xe: {  	[smem:$0x3FA2] =	sst s6  }
0xf: {  	[smem:$0x3FA3] =	sst s7  }
0x10: {  	[smem:$0x3FA4] =	sst s8  }
0x11: {  	[smem:$0x3FA5] =	sst s9;
	s0 =	simm.s32 @!p0 $0x0  }
0x12: {  	s1 =	sld [smem:$0x3F8B];
	s0 =	simm.s32 @p0 $0x1  }
0x13: {  	[smem:$0x3FA6] =	sst s0;
	s0 =	simm.s32 @!p1 $0x0  }
0x14: {  	s2 =	sld [smem:$0x3F8A];
	s0 =	simm.s32 @p1 $0x1  }
0x15: {  	[smem:$0x3FA7] =	sst s0;
	s0 =	simm.s32 @!p2 $0x0  }
0x16: {  	s3 =	sld [smem:$0x3FDB];
	s0 =	simm.s32 @p2 $0x1  }
0x17: {  	s4 =	simm.s32 $0x1BF5;
	[smem:$0x3FA9] =	sst s0  }
0x18: {  	s0 =	sld [smem:$0x3F8C];
	_ =	swait.ge [sflag:s4], $0x0  }
0x19: {  	s7 =	sld [smem:$0x3F8D]  }
0x1a: {  	s8 =	sadd.s32 $0xFFFFE003, lr  }
0x1b: {  	s9 =	sadd.s32 $0xFFFFFEF7, lr;
	s5 =	simm.s32 $0xFFFFFFFF;
	p2 =	slt.u32 s8, $0xFFFFF086  }
0x1c: {  	p1 =	slt.u32 s9, $0xF7A;
	s5 =	simm.s32 @!p2 $0x0  }
0x1d: {  	s5 =	simm.s32 @p1 $0x1;
	p0 =	seq.s32 s7, s2  }
0x1e: {  	s7 =	smul.u32 @!p0 $0xF7A, s2;
	p2 =	seq.s32 @!p0 s5, $0x0  }
0x1f: {  	s9 =	smul.u32 $0xF7A, s1;
	s8 =	simm.s32 @!p0 $0x1BF5;
	p2 =	por !p2, p0  }
0x20: {  	[sflag:s8] =	ssyncset.s32 @!p0 $0xFFFFF086;
	s6 =	sadd.s32 @!p0 s3, s7;
	s7 =	simm.s32 @!p0 $0x108  }
0x21: {  	s3 =	sadd.s32 s3, s9;
	s6 =	sadd.s32 @!p0 $0x88, s6;
	s7 =	simm.s32 @p2 $0x1082  }
0x22: {  	[simem:s7], [sflag:s8] =	dma.local @!p0 [hbm:s6], $0xF7A  }
0x23: {  	s9 =	sor.u32 $0xD0000000, s2;
	s6 =	simm.s32 $0x108;
	_ =	swait.ge @!p0 [sflag:s8], $0x0  }
0x24: {  	s3 =	sadd.s32 $0x88, s3;
	s6 =	simm.s32 @!p1 $0x1082;
	[sflag:s4] =	ssyncset.s32 $0xFFFFF086  }
0x25: {  	[simem:s6], [sflag:s4] =	dma.local [hbm:s3], $0xF7A  }
0x26: {  	[smem:$0x3F8D] =	sst s1;
	(tag) =	ssettag s2;
	_ =	strace s9  }
0x27: {  	s1 =	sld [smem:$0x3F9D]  }
0x28: {  	s2 =	sld [smem:$0x3F9E]  }
0x29: {  	s4 =	sld [smem:$0x3FA0]  }
0x2a: {  	p0 =	seq.s32 s5, $0x0;
	s5 =	sld [smem:$0x3FA1]  }
0x2b: {  	s6 =	sld [smem:$0x3FA2]  }
0x2c: {  	s7 =	sld [smem:$0x3FA3]  }
0x2d: {  	s3 =	simm.s32 $0x108;
	s8 =	sld [smem:$0x3FA4]  }
0x2e: {  	s3 =	simm.s32 @!p0 $0x1082;
	s9 =	sld [smem:$0x3FA5]  }
0x2f: {  	lr =	sadd.s32 s0, s3;
	s0 =	sld [smem:$0x3F9C]  }
0x30: {  	s3 =	sld [smem:$0x3F9F]  }
0x31: {  	[smem:$0x3FA8] =	sst s10  }
0x32: {  	s10 =	sld [smem:$0x3FA6];
	_ =	sdelay $0x3  }
0x33: {  	p0 =	seq.s32 s10, $0x1;
	s10 =	sld [smem:$0x3FA8];
	_ =	sdelay $0x3  }
0x34: {  	[smem:$0x3FA8] =	sst s10  }
0x35: {  	s10 =	sld [smem:$0x3FA7];
	_ =	sdelay $0x3  }
0x36: {  	p1 =	seq.s32 s10, $0x1;
	s10 =	sld [smem:$0x3FA8];
	_ =	sdelay $0x3  }
0x37: {  	[smem:$0x3FA8] =	sst s10  }
0x38: {  	s10 =	sld [smem:$0x3FA9]  }
0x39: {  	_ = 	snop;
	(pc) =	sbr.ind lr, $3  }
0x3a: {  	_ = 	snop  }
0x3b: {  	_ = 	snop  }
0x3c: {  	p2 =	seq.s32 s10, $0x1;
	s10 =	sld [smem:$0x3FA8]  }
0x3d: {  	_ =	shalt  }
0x3e: {  	_ =	shalt  }
0x3f: {  	_ =	shalt  }
0x40: {  	_ =	shalt  }
0x41: {  	_ =	shalt  }
0x42: {  	_ =	shalt  }
0x43: {  	_ =	shalt  }
0x44: {  	_ =	shalt  }
0x45: {  	_ =	shalt  }
0x46: {  	_ =	shalt  }
0x47: {  	_ =	shalt  }
0x48: {  	_ =	shalt  }
0x49: {  	_ =	shalt  }
0x4a: {  	_ =	shalt  }
0x4b: {  	_ =	shalt  }
0x4c: {  	_ =	shalt  }
0x4d: {  	_ =	shalt  }
0x4e: {  	_ =	shalt  }
0x4f: {  	_ =	shalt  }
0x50: {  	_ =	shalt  }
0x51: {  	_ =	shalt  }
0x52: {  	_ =	shalt  }
0x53: {  	_ =	shalt  }
0x54: {  	_ =	shalt  }
0x55: {  	_ =	shalt  }
0x56: {  	_ =	shalt  }
0x57: {  	_ =	shalt  }
0x58: {  	_ =	shalt  }
0x59: {  	_ =	shalt  }
0x5a: {  	_ =	shalt  }
0x5b: {  	_ =	shalt  }
0x5c: {  	_ =	shalt  }
0x5d: {  	_ =	shalt  }
0x5e: {  	_ =	shalt  }
0x5f: {  	_ =	shalt  }
0x60: {  	_ =	shalt  }
0x61: {  	_ =	shalt  }
0x62: {  	_ =	shalt  }
0x63: {  	_ =	shalt  }
0x64: {  	_ =	shalt  }
0x65: {  	_ =	shalt  }
0x66: {  	_ =	shalt  }
0x67: {  	_ =	shalt  }
0x68: {  	_ =	shalt  }
0x69: {  	_ =	shalt  }
0x6a: {  	_ =	shalt  }
0x6b: {  	_ =	shalt  }
0x6c: {  	_ =	shalt  }
0x6d: {  	_ =	shalt  }
0x6e: {  	_ =	shalt  }
0x6f: {  	_ =	shalt  }
0x70: {  	_ =	shalt  }
0x71: {  	_ =	shalt  }
0x72: {  	_ =	shalt  }
0x73: {  	_ =	shalt  }
0x74: {  	_ =	shalt  }
0x75: {  	_ =	shalt  }
0x76: {  	_ =	shalt  }
0x77: {  	_ =	shalt  }
0x78: {  	_ =	shalt  }
0x79: {  	_ =	shalt  }
0x7a: {  	_ =	shalt  }
0x7b: {  	_ =	shalt  }
0x7c: {  	_ =	shalt  }
0x7d: {  	_ =	shalt  }
0x7e: {  	_ =	shalt  }
0x7f: {  	_ =	shalt  }
0x80: {  	_ =	shalt  }
0x81: {  	_ =	shalt  }
0x82: {  	_ =	shalt  }
0x83: {  	_ =	shalt  }
0x84: {  	_ =	shalt  }
0x85: {  	_ =	shalt  }
0x86: {  	_ =	shalt  }
0x87: {  	_ =	shalt  }
.Lfunc_end0:
.L_simem_size_0:
called_computation.1_lowered:
.L_overlay_start_0:
0x88: {  	s2 =	sld [smem:$0x3FD9]  }
0x89: {  	s3 =	sld [smem:$0x3FFE];
	_ =	sdelay $0x1  }
0x8a: {  	s1 =	srdreg.scid  }
0x8b: {  	s0 =	sand.u32 $0x1, s1  }
0x8c: {  	s17 =	sshll.u32 s0, $0xA;
	s2 =	sadd.s32 s3, s2  }
0x8d: {  	s2 =	sadd.s32 s2, s17  }
0x8e: {  	[smem:$0x3FB4] =	sst s2  }
0x8f: {  	_ = 	snop  }
0x90: {  	s2 =	sld [smem:$0x3FC8];
	(tm) =	ssettm $0x1  }
0x91: {  	s18 =	sld [smem:$0x3FFB];
	_ =	sdelay $0x3  }
0x92: {  	_ =	strace s18  }
0x93: {  	s3 =	sld [smem:$0x3FFC];
	_ =	sdelay $0x3  }
0x94: {  	_ =	strace s3  }
0x95: {  	s3 =	sld [smem:$0x3FFD];
	_ =	sdelay $0x3  }
0x96: {  	_ =	strace s3  }
0x97: {  	_ =	strace $0x8FFFFFFF  }
0x98: {  	s19 =	sld [smem:$0x3FDB];
	_ =	sdelay $0x1  }
0x99: {  	s4 =	simm.s32 $_scs_section_size  }
0x9a: {  	s5 =	simm.s32 $_size__tile_overlayer_lowered;
	s6 =	simm.s32 $_tile_overlayer_lowered  }
0x9b: {  	s22 =	simm.s32 $0x1BFF;
	s21 =	sshll.u32 s6, $0x1;
	s3 =	sadd.s32 s4, s19  }
0x9c: {  	s7 =	simm.s32 $0x0;
	s20 =	sshll.u32 s5, $0x1;
	s5 =	sadd.s32 s21, s3  }
0x9d: {  	[timem:s7], [sflag:s22] =	dma.local [hbm:s5], s20  }
0x9e: {  	_ =	swait.ge [sflag:s22], s20  }
0x9f: {  	s4 =	ssub.s32 $0x0, s20;
	[sflag:s22] =	ssyncset.done $0x0  }
0xa0: {  	[sflag:s22] =	ssyncadd.s32 s4;
	_ =	sdelay $0x1  }
0xa1: {  	s23 =	simm.s32 $0x1B8B  }
0xa2: {  	_ =	swait.ge [sflag:s23], $0x1  }
0xa3: {  	[sflag:s23] =	ssyncset.done $0x0  }
0xa4: {  	s25 =	simm.s32 $0x1B8E;
	s24 =	sld [smem:$0x3FFE];
	[sflag:s23] =	ssyncadd.s32 $0xFFFFFFFF  }
0xa5: {  	s26 =	simm.s32 $execute0_lowered;
	[smem:$0x3FD2] =	sst s25  }
0xa6: {  	s5 =	sshll.u32 s26, $0x1;
	_ =	strace $0x80000046;
	[dreg:$0x1] =	wrdreg $0xFFFFFFFF  }
0xa7: {  	s28 =	simm.s32 $_size_execute0_lowered;
	s3 =	sadd.s32 s3, s5;
	[dreg:$0x0] =	wrdreg $0x0  }
0xa8: {  	s5 =	sshll.u32 s28, $0x1;
	[dreg:$0x2] =	wrdreg s3  }
0xa9: {  	[dreg:$0x3] =	wrdreg s5  }
0xaa: {  	[dreg:$0x4] =	wrdreg $0xC0  }
0xab: {  	_ =	task [dreg:s7], $0x5FFFF  }
0xac: {  	[dreg:$0x1] =	wrdreg $0xFFFFFFFF  }
0xad: {  	[dreg:$0x0] =	wrdreg $0x60  }
0xae: {  	[dreg:$0x2] =	wrdreg s2  }
0xaf: {  	[dreg:$0x3] =	wrdreg s24  }
0xb0: {  	[dreg:$0x4] =	wrdreg $0xA  }
0xb1: {  	_ =	task.clear_ibuf [dreg:s7], $0x5FFFF;
	_ =	strace $0x90000046  }
0xb2: {  	s29 =	simm.s32 $0xA;
	_ =	strace $0x80000048  }
0xb3: {  	_ =	swait.ge [sflag:s29], $0x1  }
0xb4: {  	[sflag:s29] =	ssyncadd.s32 $0xFFFFFFFF  }
0xb5: {  	_ =	strace $0x90000048  }
0xb6: {  	_ =	sfence  }
0xb7: {  	s30 =	sld [smem:$0x0];
	_ =	sdelay $0x2  }
0xb8: {  	s31 =	sshll.u32 s1, $0xD;
	s1 =	sshrl.u32 s1, $0x2  }
0xb9: {  	s3 =	sand.u32 $0x4000, s31;
	s1 =	sadd.s32 s1, s30  }
0xba: {  	s0 =	sor.u32 s3, s0;
	s1 =	sshll.u32 s1, $0x11  }
0xbb: {  	s0 =	sor.u32 s1, s0  }
0xbc: {  	s0 =	sadd.s32 $0x8F2B, s0  }
0xbd: {  	[sflag:s0] =	ssyncadd.remote.s32 $0x1  }
0xbe: {  	_ =	sfence.sel $0xFFFF  }
0xbf: {  	[dreg:$0x0] =	wrdreg $0xFFFFFFFF;
	(pc) =	sbr.abs _section_cstart, $3  }
0xc0: {  	[dreg:$0x1] =	wrdreg $0xFFFFFFFF  }
0xc1: {  	_ =	task.clear_ibuf [dreg:s7], $0x2FFFF;
	_ =	strace $0x9FFFFFFF  }
0xc2: {  	(tm) =	ssettm $0x7FFFFFFF  }
0xc3: {  	_ =	shalt  }
tec
execute0_lowered:
.L_overlay_start_1:
0x0: {  	(tag) =	ssettag $0x1  }
0x1: {  	s1 =	rddreg [dreg:$0x0]  }
0x2: {  	s11 =	rddreg [dreg:$0x1]  }
0x3: {  	s0 =	rddreg [dreg:$0x2];
	s2 =	simm.s32 $0x0  }
0x4: {  	[smem:$0x7FF] =	sst s2  }
0x5: {  	s5 =	srdreg.scid;
	s4 =	simm.s32 $0x2;
	_ =	strace $0x80000047  }
0x6: {  	[tilespmem:s2], [sflag:$0x2] =	stream.linear.gather [hbm4b:s1+s2], $0x4000, $0x38;
	[tilespmem:$0x14200] =	vst v63  }
0x7: {  	s3 =	stileid.u32;
	s7 =	sand.u32 $0x1, s5;
	_ =	swait.ge [sflag:s4], $0x4000  }
0x8: {  	s31 =	sshll.u32 s3, $0xA;
	s6 =	sshll.u32 s7, $0x9;
	[sflag:s4] =	ssyncset.done $0x0  }
0x9: {  	s5 =	sor.u32 s6, s31;
	[sflag:s4] =	ssyncadd.s32 $0xFFFFC000  }
0xa: {  	v0 =	vld [tilespmem:s5+$0x0];
	_ =	sdelay $0x4  }
0xb: {  	[tilespmem:$0x4000] =	vst v0  }
0xc: {  	v0 =	vld [tilespmem:s5+$0x10];
	_ =	sdelay $0x4  }
0xd: {  	[tilespmem:$0x4010] =	vst v0  }
0xe: {  	v0 =	vld [tilespmem:s5+$0x20];
	_ =	sdelay $0x4  }
0xf: {  	[tilespmem:$0x4020] =	vst v0  }
0x10: {  	v0 =	vld [tilespmem:s5+$0x30];
	_ =	sdelay $0x4  }
0x11: {  	[tilespmem:$0x4030] =	vst v0  }
0x12: {  	v0 =	vld [tilespmem:s5+$0x40];
	_ =	sdelay $0x4  }
0x13: {  	[tilespmem:$0x4040] =	vst v0  }
0x14: {  	v0 =	vld [tilespmem:s5+$0x50];
	_ =	sdelay $0x4  }
0x15: {  	[tilespmem:$0x4050] =	vst v0  }
0x16: {  	v0 =	vld [tilespmem:s5+$0x60];
	_ =	sdelay $0x4  }
0x17: {  	[tilespmem:$0x4060] =	vst v0  }
0x18: {  	v0 =	vld [tilespmem:s5+$0x70];
	_ =	sdelay $0x4  }
0x19: {  	[tilespmem:$0x4070] =	vst v0  }
0x1a: {  	v0 =	vld [tilespmem:s5+$0x80];
	_ =	sdelay $0x4  }
0x1b: {  	[tilespmem:$0x4080] =	vst v0  }
0x1c: {  	v0 =	vld [tilespmem:s5+$0x90];
	_ =	sdelay $0x4  }
0x1d: {  	[tilespmem:$0x4090] =	vst v0  }
0x1e: {  	v0 =	vld [tilespmem:s5+$0xA0];
	_ =	sdelay $0x4  }
0x1f: {  	[tilespmem:$0x40A0] =	vst v0  }
0x20: {  	v0 =	vld [tilespmem:s5+$0xB0];
	_ =	sdelay $0x4  }
0x21: {  	[tilespmem:$0x40B0] =	vst v0  }
0x22: {  	v0 =	vld [tilespmem:s5+$0xC0];
	_ =	sdelay $0x4  }
0x23: {  	[tilespmem:$0x40C0] =	vst v0  }
0x24: {  	v0 =	vld [tilespmem:s5+$0xD0];
	_ =	sdelay $0x4  }
0x25: {  	[tilespmem:$0x40D0] =	vst v0  }
0x26: {  	v0 =	vld [tilespmem:s5+$0xE0];
	_ =	sdelay $0x4  }
0x27: {  	[tilespmem:$0x40E0] =	vst v0  }
0x28: {  	v0 =	vld [tilespmem:s5+$0xF0];
	_ =	sdelay $0x4  }
0x29: {  	[tilespmem:$0x40F0] =	vst v0  }
0x2a: {  	v0 =	vld [tilespmem:s5+$0x100];
	_ =	sdelay $0x4  }
0x2b: {  	[tilespmem:$0x4100] =	vst v0  }
0x2c: {  	v0 =	vld [tilespmem:s5+$0x110];
	_ =	sdelay $0x4  }
0x2d: {  	[tilespmem:$0x4110] =	vst v0  }
0x2e: {  	v0 =	vld [tilespmem:s5+$0x120];
	_ =	sdelay $0x4  }
0x2f: {  	[tilespmem:$0x4120] =	vst v0  }
0x30: {  	v0 =	vld [tilespmem:s5+$0x130];
	_ =	sdelay $0x4  }
0x31: {  	[tilespmem:$0x4130] =	vst v0  }
0x32: {  	v0 =	vld [tilespmem:s5+$0x140];
	_ =	sdelay $0x4  }
0x33: {  	[tilespmem:$0x4140] =	vst v0  }
0x34: {  	v0 =	vld [tilespmem:s5+$0x150];
	_ =	sdelay $0x4  }
0x35: {  	[tilespmem:$0x4150] =	vst v0  }
0x36: {  	v0 =	vld [tilespmem:s5+$0x160];
	_ =	sdelay $0x4  }
0x37: {  	[tilespmem:$0x4160] =	vst v0  }
0x38: {  	v0 =	vld [tilespmem:s5+$0x170];
	_ =	sdelay $0x4  }
0x39: {  	[tilespmem:$0x4170] =	vst v0  }
0x3a: {  	v0 =	vld [tilespmem:s5+$0x180];
	_ =	sdelay $0x4  }
0x3b: {  	[tilespmem:$0x4180] =	vst v0  }
0x3c: {  	v0 =	vld [tilespmem:s5+$0x190];
	_ =	sdelay $0x4  }
0x3d: {  	[tilespmem:$0x4190] =	vst v0  }
0x3e: {  	v0 =	vld [tilespmem:s5+$0x1A0];
	_ =	sdelay $0x4  }
0x3f: {  	[tilespmem:$0x41A0] =	vst v0  }
0x40: {  	v0 =	vld [tilespmem:s5+$0x1B0];
	_ =	sdelay $0x4  }
0x41: {  	[tilespmem:$0x41B0] =	vst v0  }
0x42: {  	v0 =	vld [tilespmem:s5+$0x1C0];
	_ =	sdelay $0x4  }
0x43: {  	[tilespmem:$0x41C0] =	vst v0  }
0x44: {  	v0 =	vld [tilespmem:s5+$0x1D0];
	_ =	sdelay $0x4  }
0x45: {  	[tilespmem:$0x41D0] =	vst v0  }
0x46: {  	v0 =	vld [tilespmem:s5+$0x1E0];
	_ =	sdelay $0x4  }
0x47: {  	[tilespmem:$0x41E0] =	vst v0  }
0x48: {  	v0 =	vld [tilespmem:s5+$0x1F0];
	_ =	sdelay $0x1  }
0x49: {  	s12 =	ssub.s32 $0x2, s7  }
0x4a: {  	s8 =	simm.s32 $0x4000;
	s14 =	sshrl.u32 s12, $0x1  }
0x4b: {  	s9 =	simm.s32 $0x4200;
	s10 =	simm.s32 $0x1;
	s12 =	ssub.s32 s12, s14  }
0x4c: {  	s7 =	simm.s32 $0x200;
	s6 =	sadd.s32 $0x189800, s11;
	s12 =	smax.u32 s12, $0x1;
	[tilespmem:$0x41F0] =	vst v0  }
0x4d: {  	[tilespmem:s9], [sflag:$0x1] =	stream.indirect.gather [hbm4b:s6+s7], $0x80, s8, s7, $0xb8;
	[tilespmem:$0x14200] =	vst v63  }
0x4e: {  	s13 =	sshll.u32 s5, $0x4;
	p0 =	sne.s32 s12, $0x1;
	_ =	swait.ge [sflag:s10], $0x10000  }
.Ltmp0:
0x4f: {  	s11 =	sadd.s32 s13, s11;
	[sflag:s10] =	ssyncset.done $0x0;
	(pc) =	sbr.rel @!p0 .LBB2_2-.Ltmp0, $4  }
0x50: {  	s11 =	sadd.s32 $0x2E00, s11;
	[sflag:s10] =	ssyncadd.s32 $0xFFFF0000  }
0x51: {  	[hbm4b:s11+s2] =	stream.linear.scatter [tilespmem:s9], [sflag:$0x2], $0x10000, $0x38;
	[tilespmem:$0x14200] =	vst v63  }
0x52: {  	_ =	swait.ge [sflag:s4], $0x10000  }
0x53: {  	s12 =	sadd.s32 $0xFFFFFFFF, s12;
	[sflag:s4] =	ssyncset.done $0x0  }
.LBB2_1:
0x54: {  	p0 =	sne.s32 s12, $0x1;
	s12 =	sadd.s32 $0xFFFFFFFF, s12;
	[sflag:s4] =	ssyncadd.s32 $0xFFFF0000  }
0x55: {  	[tilespmem:s2], [sflag:$0x2] =	stream.linear.gather [hbm4b:s1+s2], $0x4000, $0x38;
	[tilespmem:$0x14200] =	vst v63  }
0x56: {  	_ =	swait.ge [sflag:s4], $0x4000  }
0x57: {  	[sflag:s4] =	ssyncset.done $0x0  }
0x58: {  	[sflag:s4] =	ssyncadd.s32 $0xFFFFC000  }
0x59: {  	v0 =	vld [tilespmem:s5+$0x0];
	_ =	sdelay $0x4  }
0x5a: {  	[tilespmem:$0x4000] =	vst v0  }
0x5b: {  	v0 =	vld [tilespmem:s5+$0x10];
	_ =	sdelay $0x4  }
0x5c: {  	[tilespmem:$0x4010] =	vst v0  }
0x5d: {  	v0 =	vld [tilespmem:s5+$0x20];
	_ =	sdelay $0x4  }
0x5e: {  	[tilespmem:$0x4020] =	vst v0  }
0x5f: {  	v0 =	vld [tilespmem:s5+$0x30];
	_ =	sdelay $0x4  }
0x60: {  	[tilespmem:$0x4030] =	vst v0  }
0x61: {  	v0 =	vld [tilespmem:s5+$0x40];
	_ =	sdelay $0x4  }
0x62: {  	[tilespmem:$0x4040] =	vst v0  }
0x63: {  	v0 =	vld [tilespmem:s5+$0x50];
	_ =	sdelay $0x4  }
0x64: {  	[tilespmem:$0x4050] =	vst v0  }
0x65: {  	v0 =	vld [tilespmem:s5+$0x60];
	_ =	sdelay $0x4  }
0x66: {  	[tilespmem:$0x4060] =	vst v0  }
0x67: {  	v0 =	vld [tilespmem:s5+$0x70];
	_ =	sdelay $0x4  }
0x68: {  	[tilespmem:$0x4070] =	vst v0  }
0x69: {  	v0 =	vld [tilespmem:s5+$0x80];
	_ =	sdelay $0x4  }
0x6a: {  	[tilespmem:$0x4080] =	vst v0  }
0x6b: {  	v0 =	vld [tilespmem:s5+$0x90];
	_ =	sdelay $0x4  }
0x6c: {  	[tilespmem:$0x4090] =	vst v0  }
0x6d: {  	v0 =	vld [tilespmem:s5+$0xA0];
	_ =	sdelay $0x4  }
0x6e: {  	[tilespmem:$0x40A0] =	vst v0  }
0x6f: {  	v0 =	vld [tilespmem:s5+$0xB0];
	_ =	sdelay $0x4  }
0x70: {  	[tilespmem:$0x40B0] =	vst v0  }
0x71: {  	v0 =	vld [tilespmem:s5+$0xC0];
	_ =	sdelay $0x4  }
0x72: {  	[tilespmem:$0x40C0] =	vst v0  }
0x73: {  	v0 =	vld [tilespmem:s5+$0xD0];
	_ =	sdelay $0x4  }
0x74: {  	[tilespmem:$0x40D0] =	vst v0  }
0x75: {  	v0 =	vld [tilespmem:s5+$0xE0];
	_ =	sdelay $0x4  }
0x76: {  	[tilespmem:$0x40E0] =	vst v0  }
0x77: {  	v0 =	vld [tilespmem:s5+$0xF0];
	_ =	sdelay $0x4  }
0x78: {  	[tilespmem:$0x40F0] =	vst v0  }
0x79: {  	v0 =	vld [tilespmem:s5+$0x100];
	_ =	sdelay $0x4  }
0x7a: {  	[tilespmem:$0x4100] =	vst v0  }
0x7b: {  	v0 =	vld [tilespmem:s5+$0x110];
	_ =	sdelay $0x4  }
0x7c: {  	[tilespmem:$0x4110] =	vst v0  }
0x7d: {  	v0 =	vld [tilespmem:s5+$0x120];
	_ =	sdelay $0x4  }
0x7e: {  	[tilespmem:$0x4120] =	vst v0  }
0x7f: {  	v0 =	vld [tilespmem:s5+$0x130];
	_ =	sdelay $0x4  }
0x80: {  	[tilespmem:$0x4130] =	vst v0  }
0x81: {  	v0 =	vld [tilespmem:s5+$0x140];
	_ =	sdelay $0x4  }
0x82: {  	[tilespmem:$0x4140] =	vst v0  }
0x83: {  	v0 =	vld [tilespmem:s5+$0x150];
	_ =	sdelay $0x4  }
0x84: {  	[tilespmem:$0x4150] =	vst v0  }
0x85: {  	v0 =	vld [tilespmem:s5+$0x160];
	_ =	sdelay $0x4  }
0x86: {  	[tilespmem:$0x4160] =	vst v0  }
0x87: {  	v0 =	vld [tilespmem:s5+$0x170];
	_ =	sdelay $0x4  }
0x88: {  	[tilespmem:$0x4170] =	vst v0  }
0x89: {  	v0 =	vld [tilespmem:s5+$0x180];
	_ =	sdelay $0x4  }
0x8a: {  	[tilespmem:$0x4180] =	vst v0  }
0x8b: {  	v0 =	vld [tilespmem:s5+$0x190];
	_ =	sdelay $0x4  }
0x8c: {  	[tilespmem:$0x4190] =	vst v0  }
0x8d: {  	v0 =	vld [tilespmem:s5+$0x1A0];
	_ =	sdelay $0x4  }
0x8e: {  	[tilespmem:$0x41A0] =	vst v0  }
0x8f: {  	v0 =	vld [tilespmem:s5+$0x1B0];
	_ =	sdelay $0x4  }
0x90: {  	[tilespmem:$0x41B0] =	vst v0  }
0x91: {  	v0 =	vld [tilespmem:s5+$0x1C0];
	_ =	sdelay $0x4  }
0x92: {  	[tilespmem:$0x41C0] =	vst v0  }
0x93: {  	v0 =	vld [tilespmem:s5+$0x1D0];
	_ =	sdelay $0x4  }
0x94: {  	[tilespmem:$0x41D0] =	vst v0  }
0x95: {  	v0 =	vld [tilespmem:s5+$0x1E0];
	_ =	sdelay $0x4  }
0x96: {  	[tilespmem:$0x41E0] =	vst v0  }
0x97: {  	v0 =	vld [tilespmem:s5+$0x1F0];
	_ =	sdelay $0x4  }
0x98: {  	[tilespmem:$0x41F0] =	vst v0  }
0x99: {  	[tilespmem:s9], [sflag:$0x1] =	stream.indirect.gather [hbm4b:s6+s7], $0x80, s8, s7, $0xb8;
	[tilespmem:$0x14200] =	vst v63  }
0x9a: {  	_ =	swait.ge [sflag:s10], $0x10000  }
.Ltmp1:
0x9b: {  	[sflag:s10] =	ssyncset.done $0x0;
	(pc) =	sbr.rel @p0 .LBB2_1-.Ltmp1, $4  }
0x9c: {  	[sflag:s10] =	ssyncadd.s32 $0xFFFF0000  }
0x9d: {  	[hbm4b:s11+s2] =	stream.linear.scatter [tilespmem:s9], [sflag:$0x2], $0x10000, $0x38;
	[tilespmem:$0x14200] =	vst v63  }
0x9e: {  	_ =	swait.ge [sflag:s4], $0x10000  }
0x9f: {  	[sflag:s4] =	ssyncset.done $0x0  }
.LBB2_2:
0xa0: {  	[sflag:s4] =	ssyncadd.s32 $0xFFFF0000  }
0xa1: {  	_ =	sfence.sel $0x180000  }
0xa2: {  	[bflag:$0x0] =	sbarrier.arrive $0xFFFF  }
0xa3: {  	p0 =	sne.s32 s3, $0x0;
	_ =	strace $0x90000047  }
0xa4: {  	s0 =	sadd.s32 @!p0 $0x100000, s0;
	[bflag:$0x2] =	sbarrier.arrive $0xFFFF  }
0xa5: {  	[sflag:s0] =	ssyncadd.tile.s32 @!p0 $0x1;
	_ =	shalt  }
.Lfunc_end2:
_tile_overlayer_lowered:
.L_overlay_start_2:
0xa6: {  	(tag) =	ssettag $0x2  }
0xa7: {  	s0 =	rddreg [dreg:$0x0];
	s2 =	stileid.u32  }
0xa8: {  	s1 =	rddreg [dreg:$0x1];
	p0 =	sne.s32 s2, $0x0  }
0xa9: {  	s3 =	rddreg [dreg:$0x2];
	[bflag:$0x3] =	sbarrier.arrive $0xFFFF;
	s2 =	simm.s32 @!p0 $0x1C02  }
0xaa: {  	[timem:s3], [sflag:s2] =	dma.local @!p0 [hbm:s0], s1  }
0xab: {  	s0 =	simm.s32 @!p0 $0x2  }
0xac: {  	_ =	swait.ge @!p0 [sflag:s0], s1  }
0xad: {  	s1 =	ssub.s32 @!p0 $0x0, s1;
	[sflag:s0] =	ssyncset.done @!p0 $0x0  }
0xae: {  	[sflag:s0] =	ssyncadd.s32 @!p0 s1  }
0xaf: {  	[bflag:$0x3] =	sbarrier.arrive $0xFFFF  }
0xb0: {  	_ =	shalt  }

</sc_bundles>
